<compile_context>
chip_gen: v7x
topology: tpu7x:2x2x1
jax: 0.10.2.dev20260603
libtpu: 0.0.44.dev20260713+nightly
codegen_flags: <defaults>
</compile_context>

<pallas_src>
import functools

import jax
import jax.numpy as jnp
from jax import lax
from jax.experimental import pallas as pl
from jax.experimental.pallas import tpu as pltpu
from jax.experimental.pallas import tpu_sc as plsc

N = 10000
E = 320000
D = 128

NC = 2
NS = 16
NW = NC * NS

N_PAD = 10240
ZB = N_PAD // NS
BLK = 1280
ZR = 32

CH = 128
NCHUNK = E // CH
CBASE = NCHUNK // NW
CEXTRA = NCHUNK - CBASE * NW
HB = 40

_mesh = plsc.VectorSubcoreMesh(
    core_axis_name="c", subcore_axis_name="s", num_cores=NC, num_subcores=NS)


def _tile_range(wid):
    lo = NW - CEXTRA
    base = wid * CBASE + jnp.maximum(wid - lo, 0)
    cnt = CBASE + (wid >= lo).astype(jnp.int32)
    return base, cnt


@functools.partial(
    pl.kernel, mesh=_mesh,
    out_type=jax.ShapeDtypeStruct((NC * N_PAD,), jnp.float32),
    scratch_types=[
        pltpu.VMEM((CBASE + 1, 1, CH), jnp.int32),
        pltpu.VMEM((CH,), jnp.float32),
        pltpu.VMEM((ZB,), jnp.float32),
        pltpu.VMEM_SHARED((N_PAD,), jnp.float32),
    ],
)
def _deg_kernel(col_hbm, deg_out, col_v, ones_v, zeros_v, deg_sp):
    cid = lax.axis_index("c")
    sid = lax.axis_index("s")
    wid = cid * NS + sid
    base, cnt = _tile_range(wid)

    one = jnp.ones((16,), jnp.float32)
    zero = jnp.zeros((16,), jnp.float32)

    def fill_ones(i, _):
        ones_v[pl.ds(i * 16, 16)] = one
        return 0
    lax.fori_loop(0, CH // 16, fill_ones, 0)

    def fill_zeros(i, _):
        zeros_v[pl.ds(i * 16, 16)] = zero
        return 0
    lax.fori_loop(0, ZB // 16, fill_zeros, 0)

    pltpu.sync_copy(zeros_v, deg_sp.at[pl.ds(sid * ZB, ZB)])
    plsc.subcore_barrier()

    pltpu.sync_copy(col_hbm.at[pl.ds(base, CBASE + 1)], col_v)

    def body(j, _):
        pltpu.sync_copy(ones_v, deg_sp.at[col_v.at[j, 0]], add=True)
        return 0
    lax.fori_loop(0, cnt, body, 0)

    plsc.subcore_barrier()
    pltpu.sync_copy(deg_sp.at[pl.ds(sid * ZB, ZB)],
                    deg_out.at[pl.ds(cid * N_PAD + sid * ZB, ZB)])


@functools.partial(
    pl.kernel, mesh=_mesh,
    out_type=jax.ShapeDtypeStruct((NC, N_PAD, D), jnp.float32),
    scratch_types=[
        pltpu.VMEM((HB, 1, CH), jnp.int32),
        pltpu.VMEM((HB, 1, CH), jnp.int32),
        pltpu.VMEM((2, CH, D), jnp.float32),
        pltpu.VMEM((ZR, D), jnp.float32),
        pltpu.VMEM_SHARED((N_PAD, D), jnp.float32),
        pltpu.SemaphoreType.DMA,
    ],
)
def _agg_kernel(y_hbm, row_hbm, col_hbm, s_out,
                row_v, col_v, buf, zbuf, s_sp, sem):
    cid = lax.axis_index("c")
    sid = lax.axis_index("s")
    wid = cid * NS + sid
    base, cnt = _tile_range(wid)

    zero = jnp.zeros((16,), jnp.float32)

    def fill_zeros(r, _):
        for q in range(D // 16):
            zbuf[r, pl.ds(q * 16, 16)] = zero
        return 0
    lax.fori_loop(0, ZR, fill_zeros, 0)

    for t in range(ZB // ZR):
        pltpu.sync_copy(zbuf, s_sp.at[pl.ds(sid * ZB + t * ZR, ZR)])
    plsc.subcore_barrier()

    for h in range(2):
        start = base if h == 0 else base + cnt - HB
        lo_j = jnp.int32(0) if h == 0 else 2 * HB - cnt
        pltpu.sync_copy(row_hbm.at[pl.ds(start, HB)], row_v)
        pltpu.sync_copy(col_hbm.at[pl.ds(start, HB)], col_v)

        pltpu.async_copy(y_hbm.at[row_v.at[lo_j, 0]], buf.at[lo_j % 2], sem)

        def body(j, _):
            @pl.when(j + 1 < HB)
            def _start_next():
                pltpu.async_copy(
                    y_hbm.at[row_v.at[j + 1, 0]], buf.at[(j + 1) % 2], sem)
            pltpu.make_async_copy(
                y_hbm.at[row_v.at[j, 0]], buf.at[j % 2], sem).wait()
            pltpu.sync_copy(buf.at[j % 2], s_sp.at[col_v.at[j, 0]], add=True)
            return 0
        lax.fori_loop(lo_j, HB, body, 0)

    plsc.subcore_barrier()
    for t in range(ZB // ZR):
        off = sid * ZB + t * ZR
        pltpu.sync_copy(s_sp.at[pl.ds(off, ZR)], s_out.at[cid, pl.ds(off, ZR)])


def _transform_body(x_ref, w_ref, dp_ref, y_ref, dis_ref):
    deg = dp_ref[0, :] + dp_ref[1, :] + 1.0
    dis = lax.rsqrt(deg)
    dis_ref[...] = dis[None, :]
    xw = jnp.dot(x_ref[...], w_ref[...], preferred_element_type=jnp.float32)
    y_ref[...] = xw * dis[:, None]


def _finalize_body(sp_ref, y_ref, dis_ref, b_ref, o_ref):
    s = sp_ref[0] + sp_ref[1] + y_ref[...]
    o_ref[...] = jnp.maximum(s * dis_ref[0, :][:, None] + b_ref[0, :], 0.0)


def kernel(x, edge_index, W, b):
    row_c = edge_index[0].astype(jnp.int32).reshape(NCHUNK, 1, CH)
    col_c = edge_index[1].astype(jnp.int32).reshape(NCHUNK, 1, CH)
    grid = (N_PAD // BLK,)

    deg_p = _deg_kernel(col_c)

    y, dis = pl.pallas_call(
        _transform_body,
        grid=grid,
        in_specs=[
            pl.BlockSpec((BLK, D), lambda i: (i, 0)),
            pl.BlockSpec((D, D), lambda i: (0, 0)),
            pl.BlockSpec((NC, BLK), lambda i: (0, i)),
        ],
        out_specs=[
            pl.BlockSpec((BLK, D), lambda i: (i, 0)),
            pl.BlockSpec((1, BLK), lambda i: (0, i)),
        ],
        out_shape=[
            jax.ShapeDtypeStruct((N, D), jnp.float32),
            jax.ShapeDtypeStruct((1, N), jnp.float32),
        ],
    )(x, W, deg_p.reshape(NC, N_PAD))

    s_p = _agg_kernel(y, row_c, col_c)

    out = pl.pallas_call(
        _finalize_body,
        grid=grid,
        in_specs=[
            pl.BlockSpec((NC, BLK, D), lambda i: (0, i, 0)),
            pl.BlockSpec((BLK, D), lambda i: (i, 0)),
            pl.BlockSpec((1, BLK), lambda i: (0, i)),
            pl.BlockSpec((1, D), lambda i: (0, 0)),
        ],
        out_specs=pl.BlockSpec((BLK, D), lambda i: (i, 0)),
        out_shape=jax.ShapeDtypeStruct((N, D), jnp.float32),
    )(s_p, y, dis, b.reshape(1, D))
    return out

# --- scband reference (transcript-rebuilt; emitter-appended) ---
"""Pipeline reference for scband-basic-gcnblock-51333449122325 (READ-ONLY COPY).

The authoritative reference and input builder live on the scoring server;
editing this copy changes nothing except your own understanding.
"""

import jax, jax.numpy as jnp
import numpy as np

N = 10000
E = 320000
D_IN = 128
D_OUT = 128


def setup_inputs(seed: int = 0) -> dict:
    key = jax.random.key(seed)
    k1, k2, k3 = jax.random.split(key, 3)
    x = jax.random.normal(k1, (N, D_IN), dtype=jnp.float32)
    edge_index = jax.random.randint(k2, (2, E), 0, N).astype(jnp.int64)
    # GCNConv learned parameters: weight [D_IN, D_OUT] (glorot-ish), bias [D_OUT]
    W = jax.random.normal(k3, (D_IN, D_OUT), dtype=jnp.float32) * (1.0 / np.sqrt(D_IN))
    b = jnp.zeros((D_OUT,), dtype=jnp.float32)
    return {"x": x, "edge_index": edge_index, "W": W, "b": b}


def reference(x, edge_index, W, b):
    # GCNConv: add self-loops, symmetric normalization D^-1/2 (A+I) D^-1/2, then linear + bias.
    xw = x @ W  # transform first (in_dim >= out_dim path)
    row = edge_index[0]  # source nodes
    col = edge_index[1]  # destination nodes
    loop = jnp.arange(N, dtype=edge_index.dtype)
    row = jnp.concatenate([row, loop])
    col = jnp.concatenate([col, loop])
    ones = jnp.ones(row.shape[0], dtype=xw.dtype)
    deg = jax.ops.segment_sum(ones, col, num_segments=N)
    deg_inv_sqrt = jnp.where(deg > 0, jax.lax.rsqrt(jnp.maximum(deg, 1e-12)), 0.0)
    norm = deg_inv_sqrt[row] * deg_inv_sqrt[col]
    msg = xw[row] * norm[:, None]  # gather + scale
    aggr = jax.ops.segment_sum(msg, col, num_segments=N)  # scatter-add
    out = aggr + b
    # ReLU; Dropout is identity in eval mode
    return jax.nn.relu(out)

if __name__ == "__main__":
    import jax
    _d = setup_inputs()
    print(jax.jit(kernel)(*tuple(_d.values())))

</pallas_src>

<mosaic_0001>
#map = affine_map<(d0, d1) -> (0, 0)>
#map1 = affine_map<(d0, d1) -> (0, 0, 0)>
module attributes {stable_mosaic.version = 14 : i64} {
  func.func @_agg_kernel(%arg0: i32, %arg1: i32, %arg2: memref<10000x128xf32, #tpu.memory_space<hbm>>, %arg3: memref<2500x1x128xi32, #tpu.memory_space<hbm>>, %arg4: memref<2500x1x128xi32, #tpu.memory_space<hbm>>, %arg5: memref<2x10240x128xf32, #tpu.memory_space<hbm>>, %arg6: memref<40x1x128xi32, #tpu.memory_space<vmem>>, %arg7: memref<40x1x128xi32, #tpu.memory_space<vmem>>, %arg8: memref<2x128x128xf32, #tpu.memory_space<vmem>>, %arg9: memref<32x128xf32, #tpu.memory_space<vmem>>, %arg10: memref<10240x128xf32, #tpu.memory_space<vmem_shared>>, %arg11: memref<!tpu.dma_semaphore, #tpu.memory_space<semaphore_mem>>) attributes {dimension_semantics = [#tpu.dimension_semantics<core_parallel>, #tpu.dimension_semantics<subcore_parallel>], iteration_bounds = array<i64: 2, 16>, scalar_prefetch = 0 : i64, scratch_operands = 6 : i64, tpu.core_type = #tpu.core_type<sc_vector_subcore>, window_params = [{transform_indices = #map}, {transform_indices = #map1}, {transform_indices = #map1}, {transform_indices = #map1}]} {
    %mul3A = arith.constant 16 : i32
    %mul3A_0 = arith.muli %arg0, %mul3A : i32
    %add3A = arith.addi %mul3A_0, %arg1 : i32
    %mul3A_1 = arith.constant 78 : i32
    %mul3A_2 = arith.muli %add3A, %mul3A_1 : i32
    %sub3A = arith.constant 28 : i32
    %sub3A_3 = arith.subi %add3A, %sub3A : i32
    %max3A = arith.constant 0 : i32
    %max3A_4 = arith.maxsi %sub3A_3, %max3A : i32
    %add3A_5 = arith.addi %mul3A_2, %max3A_4 : i32
    %ge3A = arith.constant 28 : i32
    %ge3A_6 = arith.cmpi sge, %add3A, %ge3A : i32
    %convert_element_type3A = arith.extui %ge3A_6 : i1 to i32
    %add3A_7 = arith.constant 78 : i32
    %add3A_8 = arith.addi %add3A_7, %convert_element_type3A : i32
    %broadcast_in_dim3A = arith.constant 0.000000e+00 : f32
    %broadcast_in_dim3A_9 = vector.broadcast %broadcast_in_dim3A : f32 to vector<16xf32>
    %scan3A = arith.constant 0 : i32
    %scan3A_10 = arith.constant 0 : i32
    %scan3A_11 = arith.constant 32 : i32
    %scan3A_12 = arith.addi %scan3A_10, %scan3A_11 : i32
    %scan3A_13 = arith.constant 1 : i32
    %scan3A_14 = scf.for %scan3A_254 = %scan3A_10 to %scan3A_12 step %scan3A_13 iter_args(%scan3A_255 = %scan3A) -> (i32)  : i32 {
      %swap3A = arith.index_cast %scan3A_254 : i32 to index
      %swap3A_256 = arith.constant 0 : index
      %swap3A_257 = tpu.vector_load %arg9[%swap3A, %swap3A_256] {strides = array<i32>} : memref<32x128xf32, #tpu.memory_space<vmem>>, vector<1x16xf32>,
      %swap3A_258 = vector.shape_cast %swap3A_257 : vector<1x16xf32> to vector<16xf32>
      %swap3A_259 = vector.shape_cast %broadcast_in_dim3A_9 : vector<16xf32> to vector<1x16xf32>
      tpu.vector_store %arg9[%swap3A, %swap3A_256], %swap3A_259 {strides = array<i32>} : memref<32x128xf32, #tpu.memory_space<vmem>>, vector<1x16xf32>,
      %swap3A_260 = arith.index_cast %scan3A_254 : i32 to index
      %swap3A_261 = arith.constant 16 : index
      %swap3A_262 = tpu.vector_load %arg9[%swap3A_260, %swap3A_261] {strides = array<i32>} : memref<32x128xf32, #tpu.memory_space<vmem>>, vector<1x16xf32>,
      %swap3A_263 = vector.shape_cast %swap3A_262 : vector<1x16xf32> to vector<16xf32>
      %swap3A_264 = vector.shape_cast %broadcast_in_dim3A_9 : vector<16xf32> to vector<1x16xf32>
      tpu.vector_store %arg9[%swap3A_260, %swap3A_261], %swap3A_264 {strides = array<i32>} : memref<32x128xf32, #tpu.memory_space<vmem>>, vector<1x16xf32>,
      %swap3A_265 = arith.index_cast %scan3A_254 : i32 to index
      %swap3A_266 = arith.constant 32 : index
      %swap3A_267 = tpu.vector_load %arg9[%swap3A_265, %swap3A_266] {strides = array<i32>} : memref<32x128xf32, #tpu.memory_space<vmem>>, vector<1x16xf32>,
      %swap3A_268 = vector.shape_cast %swap3A_267 : vector<1x16xf32> to vector<16xf32>
      %swap3A_269 = vector.shape_cast %broadcast_in_dim3A_9 : vector<16xf32> to vector<1x16xf32>
      tpu.vector_store %arg9[%swap3A_265, %swap3A_266], %swap3A_269 {strides = array<i32>} : memref<32x128xf32, #tpu.memory_space<vmem>>, vector<1x16xf32>,
      %swap3A_270 = arith.index_cast %scan3A_254 : i32 to index
      %swap3A_271 = arith.constant 48 : index
      %swap3A_272 = tpu.vector_load %arg9[%swap3A_270, %swap3A_271] {strides = array<i32>} : memref<32x128xf32, #tpu.memory_space<vmem>>, vector<1x16xf32>,
      %swap3A_273 = vector.shape_cast %swap3A_272 : vector<1x16xf32> to vector<16xf32>
      %swap3A_274 = vector.shape_cast %broadcast_in_dim3A_9 : vector<16xf32> to vector<1x16xf32>
      tpu.vector_store %arg9[%swap3A_270, %swap3A_271], %swap3A_274 {strides = array<i32>} : memref<32x128xf32, #tpu.memory_space<vmem>>, vector<1x16xf32>,
      %swap3A_275 = arith.index_cast %scan3A_254 : i32 to index
      %swap3A_276 = arith.constant 64 : index
      %swap3A_277 = tpu.vector_load %arg9[%swap3A_275, %swap3A_276] {strides = array<i32>} : memref<32x128xf32, #tpu.memory_space<vmem>>, vector<1x16xf32>,
      %swap3A_278 = vector.shape_cast %swap3A_277 : vector<1x16xf32> to vector<16xf32>
      %swap3A_279 = vector.shape_cast %broadcast_in_dim3A_9 : vector<16xf32> to vector<1x16xf32>
      tpu.vector_store %arg9[%swap3A_275, %swap3A_276], %swap3A_279 {strides = array<i32>} : memref<32x128xf32, #tpu.memory_space<vmem>>, vector<1x16xf32>,
      %swap3A_280 = arith.index_cast %scan3A_254 : i32 to index
      %swap3A_281 = arith.constant 80 : index
      %swap3A_282 = tpu.vector_load %arg9[%swap3A_280, %swap3A_281] {strides = array<i32>} : memref<32x128xf32, #tpu.memory_space<vmem>>, vector<1x16xf32>,
      %swap3A_283 = vector.shape_cast %swap3A_282 : vector<1x16xf32> to vector<16xf32>
      %swap3A_284 = vector.shape_cast %broadcast_in_dim3A_9 : vector<16xf32> to vector<1x16xf32>
      tpu.vector_store %arg9[%swap3A_280, %swap3A_281], %swap3A_284 {strides = array<i32>} : memref<32x128xf32, #tpu.memory_space<vmem>>, vector<1x16xf32>,
      %swap3A_285 = arith.index_cast %scan3A_254 : i32 to index
      %swap3A_286 = arith.constant 96 : index
      %swap3A_287 = tpu.vector_load %arg9[%swap3A_285, %swap3A_286] {strides = array<i32>} : memref<32x128xf32, #tpu.memory_space<vmem>>, vector<1x16xf32>,
      %swap3A_288 = vector.shape_cast %swap3A_287 : vector<1x16xf32> to vector<16xf32>
      %swap3A_289 = vector.shape_cast %broadcast_in_dim3A_9 : vector<16xf32> to vector<1x16xf32>
      tpu.vector_store %arg9[%swap3A_285, %swap3A_286], %swap3A_289 {strides = array<i32>} : memref<32x128xf32, #tpu.memory_space<vmem>>, vector<1x16xf32>,
      %swap3A_290 = arith.index_cast %scan3A_254 : i32 to index
      %swap3A_291 = arith.constant 112 : index
      %swap3A_292 = tpu.vector_load %arg9[%swap3A_290, %swap3A_291] {strides = array<i32>} : memref<32x128xf32, #tpu.memory_space<vmem>>, vector<1x16xf32>,
      %swap3A_293 = vector.shape_cast %swap3A_292 : vector<1x16xf32> to vector<16xf32>
      %swap3A_294 = vector.shape_cast %broadcast_in_dim3A_9 : vector<16xf32> to vector<1x16xf32>
      tpu.vector_store %arg9[%swap3A_290, %swap3A_291], %swap3A_294 {strides = array<i32>} : memref<32x128xf32, #tpu.memory_space<vmem>>, vector<1x16xf32>,
      %scan3A_295 = arith.constant 0 : i32
      scf.yield %scan3A_295 : i32
    }
    %scan3A_15 = arith.constant 32 : i32
    %mul3A_16 = arith.constant 640 : i32
    %mul3A_17 = arith.muli %arg1, %mul3A_16 : i32
    %add3A_18 = arith.constant 0 : i32
    %add3A_19 = arith.addi %mul3A_17, %add3A_18 : i32
    "tpu.region"() ({
      %run_scoped3A = tpu.sem_alloc : memref<!tpu.dma_semaphore, #tpu.memory_space<semaphore_mem>>
      %dma_start3A_254 = arith.constant 0 : i32
      %dma_start3A_255 = tpu.memref_slice %arg10[%add3A_19, %dma_start3A_254] : memref<10240x128xf32, #tpu.memory_space<vmem_shared>> -> memref<32x128xf32, #tpu.memory_space<vmem_shared>>
      %dma_start3A_256 = arith.constant 0 : i32
      %dma_start3A_257 = tpu.memref_slice %arg10[%add3A_19, %dma_start3A_256] : memref<10240x128xf32, #tpu.memory_space<vmem_shared>> -> memref<32x128xf32, #tpu.memory_space<vmem_shared>>
      tpu.enqueue_dma source(%arg9 : memref<32x128xf32, #tpu.memory_space<vmem>>) target(%dma_start3A_257 : memref<32x128xf32, #tpu.memory_space<vmem_shared>>) target_semaphore(%run_scoped3A : memref<!tpu.dma_semaphore, #tpu.memory_space<semaphore_mem>>)
      %dma_wait3A = arith.constant 0 : i32
      %dma_wait3A_258 = tpu.memref_slice %arg10[%add3A_19, %dma_wait3A] : memref<10240x128xf32, #tpu.memory_space<vmem_shared>> -> memref<32x128xf32, #tpu.memory_space<vmem_shared>>
      %dma_wait3A_259 = arith.constant 0 : i32
      %dma_wait3A_260 = tpu.memref_slice %arg10[%add3A_19, %dma_wait3A_259] : memref<10240x128xf32, #tpu.memory_space<vmem_shared>> -> memref<32x128xf32, #tpu.memory_space<vmem_shared>>
      tpu.wait_dma2 semaphore(%run_scoped3A : memref<!tpu.dma_semaphore, #tpu.memory_space<semaphore_mem>>) src(%arg9 : memref<32x128xf32, #tpu.memory_space<vmem>>) dst(%dma_wait3A_260 : memref<32x128xf32, #tpu.memory_space<vmem_shared>>)
      tpu.yield
    }) : () -> ()
    %mul3A_20 = arith.constant 640 : i32
    %mul3A_21 = arith.muli %arg1, %mul3A_20 : i32
    %add3A_22 = arith.constant 32 : i32
    %add3A_23 = arith.addi %mul3A_21, %add3A_22 : i32
    "tpu.region"() ({
      %run_scoped3A = tpu.sem_alloc : memref<!tpu.dma_semaphore, #tpu.memory_space<semaphore_mem>>
      %dma_start3A_254 = arith.constant 0 : i32
      %dma_start3A_255 = tpu.memref_slice %arg10[%add3A_23, %dma_start3A_254] : memref<10240x128xf32, #tpu.memory_space<vmem_shared>> -> memref<32x128xf32, #tpu.memory_space<vmem_shared>>
      %dma_start3A_256 = arith.constant 0 : i32
      %dma_start3A_257 = tpu.memref_slice %arg10[%add3A_23, %dma_start3A_256] : memref<10240x128xf32, #tpu.memory_space<vmem_shared>> -> memref<32x128xf32, #tpu.memory_space<vmem_shared>>
      tpu.enqueue_dma source(%arg9 : memref<32x128xf32, #tpu.memory_space<vmem>>) target(%dma_start3A_257 : memref<32x128xf32, #tpu.memory_space<vmem_shared>>) target_semaphore(%run_scoped3A : memref<!tpu.dma_semaphore, #tpu.memory_space<semaphore_mem>>)
      %dma_wait3A = arith.constant 0 : i32
      %dma_wait3A_258 = tpu.memref_slice %arg10[%add3A_23, %dma_wait3A] : memref<10240x128xf32, #tpu.memory_space<vmem_shared>> -> memref<32x128xf32, #tpu.memory_space<vmem_shared>>
      %dma_wait3A_259 = arith.constant 0 : i32
      %dma_wait3A_260 = tpu.memref_slice %arg10[%add3A_23, %dma_wait3A_259] : memref<10240x128xf32, #tpu.memory_space<vmem_shared>> -> memref<32x128xf32, #tpu.memory_space<vmem_shared>>
      tpu.wait_dma2 semaphore(%run_scoped3A : memref<!tpu.dma_semaphore, #tpu.memory_space<semaphore_mem>>) src(%arg9 : memref<32x128xf32, #tpu.memory_space<vmem>>) dst(%dma_wait3A_260 : memref<32x128xf32, #tpu.memory_space<vmem_shared>>)
      tpu.yield
    }) : () -> ()
    %mul3A_24 = arith.constant 640 : i32
    %mul3A_25 = arith.muli %arg1, %mul3A_24 : i32
    %add3A_26 = arith.constant 64 : i32
    %add3A_27 = arith.addi %mul3A_25, %add3A_26 : i32
    "tpu.region"() ({
      %run_scoped3A = tpu.sem_alloc : memref<!tpu.dma_semaphore, #tpu.memory_space<semaphore_mem>>
      %dma_start3A_254 = arith.constant 0 : i32
      %dma_start3A_255 = tpu.memref_slice %arg10[%add3A_27, %dma_start3A_254] : memref<10240x128xf32, #tpu.memory_space<vmem_shared>> -> memref<32x128xf32, #tpu.memory_space<vmem_shared>>
      %dma_start3A_256 = arith.constant 0 : i32
      %dma_start3A_257 = tpu.memref_slice %arg10[%add3A_27, %dma_start3A_256] : memref<10240x128xf32, #tpu.memory_space<vmem_shared>> -> memref<32x128xf32, #tpu.memory_space<vmem_shared>>
      tpu.enqueue_dma source(%arg9 : memref<32x128xf32, #tpu.memory_space<vmem>>) target(%dma_start3A_257 : memref<32x128xf32, #tpu.memory_space<vmem_shared>>) target_semaphore(%run_scoped3A : memref<!tpu.dma_semaphore, #tpu.memory_space<semaphore_mem>>)
      %dma_wait3A = arith.constant 0 : i32
      %dma_wait3A_258 = tpu.memref_slice %arg10[%add3A_27, %dma_wait3A] : memref<10240x128xf32, #tpu.memory_space<vmem_shared>> -> memref<32x128xf32, #tpu.memory_space<vmem_shared>>
      %dma_wait3A_259 = arith.constant 0 : i32
      %dma_wait3A_260 = tpu.memref_slice %arg10[%add3A_27, %dma_wait3A_259] : memref<10240x128xf32, #tpu.memory_space<vmem_shared>> -> memref<32x128xf32, #tpu.memory_space<vmem_shared>>
      tpu.wait_dma2 semaphore(%run_scoped3A : memref<!tpu.dma_semaphore, #tpu.memory_space<semaphore_mem>>) src(%arg9 : memref<32x128xf32, #tpu.memory_space<vmem>>) dst(%dma_wait3A_260 : memref<32x128xf32, #tpu.memory_space<vmem_shared>>)
      tpu.yield
    }) : () -> ()
    %mul3A_28 = arith.constant 640 : i32
    %mul3A_29 = arith.muli %arg1, %mul3A_28 : i32
    %add3A_30 = arith.constant 96 : i32
    %add3A_31 = arith.addi %mul3A_29, %add3A_30 : i32
    "tpu.region"() ({
      %run_scoped3A = tpu.sem_alloc : memref<!tpu.dma_semaphore, #tpu.memory_space<semaphore_mem>>
      %dma_start3A_254 = arith.constant 0 : i32
      %dma_start3A_255 = tpu.memref_slice %arg10[%add3A_31, %dma_start3A_254] : memref<10240x128xf32, #tpu.memory_space<vmem_shared>> -> memref<32x128xf32, #tpu.memory_space<vmem_shared>>
      %dma_start3A_256 = arith.constant 0 : i32
      %dma_start3A_257 = tpu.memref_slice %arg10[%add3A_31, %dma_start3A_256] : memref<10240x128xf32, #tpu.memory_space<vmem_shared>> -> memref<32x128xf32, #tpu.memory_space<vmem_shared>>
      tpu.enqueue_dma source(%arg9 : memref<32x128xf32, #tpu.memory_space<vmem>>) target(%dma_start3A_257 : memref<32x128xf32, #tpu.memory_space<vmem_shared>>) target_semaphore(%run_scoped3A : memref<!tpu.dma_semaphore, #tpu.memory_space<semaphore_mem>>)
      %dma_wait3A = arith.constant 0 : i32
      %dma_wait3A_258 = tpu.memref_slice %arg10[%add3A_31, %dma_wait3A] : memref<10240x128xf32, #tpu.memory_space<vmem_shared>> -> memref<32x128xf32, #tpu.memory_space<vmem_shared>>
      %dma_wait3A_259 = arith.constant 0 : i32
      %dma_wait3A_260 = tpu.memref_slice %arg10[%add3A_31, %dma_wait3A_259] : memref<10240x128xf32, #tpu.memory_space<vmem_shared>> -> memref<32x128xf32, #tpu.memory_space<vmem_shared>>
      tpu.wait_dma2 semaphore(%run_scoped3A : memref<!tpu.dma_semaphore, #tpu.memory_space<semaphore_mem>>) src(%arg9 : memref<32x128xf32, #tpu.memory_space<vmem>>) dst(%dma_wait3A_260 : memref<32x128xf32, #tpu.memory_space<vmem_shared>>)
      tpu.yield
    }) : () -> ()
    %mul3A_32 = arith.constant 640 : i32
    %mul3A_33 = arith.muli %arg1, %mul3A_32 : i32
    %add3A_34 = arith.constant 128 : i32
    %add3A_35 = arith.addi %mul3A_33, %add3A_34 : i32
    "tpu.region"() ({
      %run_scoped3A = tpu.sem_alloc : memref<!tpu.dma_semaphore, #tpu.memory_space<semaphore_mem>>
      %dma_start3A_254 = arith.constant 0 : i32
      %dma_start3A_255 = tpu.memref_slice %arg10[%add3A_35, %dma_start3A_254] : memref<10240x128xf32, #tpu.memory_space<vmem_shared>> -> memref<32x128xf32, #tpu.memory_space<vmem_shared>>
      %dma_start3A_256 = arith.constant 0 : i32
      %dma_start3A_257 = tpu.memref_slice %arg10[%add3A_35, %dma_start3A_256] : memref<10240x128xf32, #tpu.memory_space<vmem_shared>> -> memref<32x128xf32, #tpu.memory_space<vmem_shared>>
      tpu.enqueue_dma source(%arg9 : memref<32x128xf32, #tpu.memory_space<vmem>>) target(%dma_start3A_257 : memref<32x128xf32, #tpu.memory_space<vmem_shared>>) target_semaphore(%run_scoped3A : memref<!tpu.dma_semaphore, #tpu.memory_space<semaphore_mem>>)
      %dma_wait3A = arith.constant 0 : i32
      %dma_wait3A_258 = tpu.memref_slice %arg10[%add3A_35, %dma_wait3A] : memref<10240x128xf32, #tpu.memory_space<vmem_shared>> -> memref<32x128xf32, #tpu.memory_space<vmem_shared>>
      %dma_wait3A_259 = arith.constant 0 : i32
      %dma_wait3A_260 = tpu.memref_slice %arg10[%add3A_35, %dma_wait3A_259] : memref<10240x128xf32, #tpu.memory_space<vmem_shared>> -> memref<32x128xf32, #tpu.memory_space<vmem_shared>>
      tpu.wait_dma2 semaphore(%run_scoped3A : memref<!tpu.dma_semaphore, #tpu.memory_space<semaphore_mem>>) src(%arg9 : memref<32x128xf32, #tpu.memory_space<vmem>>) dst(%dma_wait3A_260 : memref<32x128xf32, #tpu.memory_space<vmem_shared>>)
      tpu.yield
    }) : () -> ()
    %mul3A_36 = arith.constant 640 : i32
    %mul3A_37 = arith.muli %arg1, %mul3A_36 : i32
    %add3A_38 = arith.constant 160 : i32
    %add3A_39 = arith.addi %mul3A_37, %add3A_38 : i32
    "tpu.region"() ({
      %run_scoped3A = tpu.sem_alloc : memref<!tpu.dma_semaphore, #tpu.memory_space<semaphore_mem>>
      %dma_start3A_254 = arith.constant 0 : i32
      %dma_start3A_255 = tpu.memref_slice %arg10[%add3A_39, %dma_start3A_254] : memref<10240x128xf32, #tpu.memory_space<vmem_shared>> -> memref<32x128xf32, #tpu.memory_space<vmem_shared>>
      %dma_start3A_256 = arith.constant 0 : i32
      %dma_start3A_257 = tpu.memref_slice %arg10[%add3A_39, %dma_start3A_256] : memref<10240x128xf32, #tpu.memory_space<vmem_shared>> -> memref<32x128xf32, #tpu.memory_space<vmem_shared>>
      tpu.enqueue_dma source(%arg9 : memref<32x128xf32, #tpu.memory_space<vmem>>) target(%dma_start3A_257 : memref<32x128xf32, #tpu.memory_space<vmem_shared>>) target_semaphore(%run_scoped3A : memref<!tpu.dma_semaphore, #tpu.memory_space<semaphore_mem>>)
      %dma_wait3A = arith.constant 0 : i32
      %dma_wait3A_258 = tpu.memref_slice %arg10[%add3A_39, %dma_wait3A] : memref<10240x128xf32, #tpu.memory_space<vmem_shared>> -> memref<32x128xf32, #tpu.memory_space<vmem_shared>>
      %dma_wait3A_259 = arith.constant 0 : i32
      %dma_wait3A_260 = tpu.memref_slice %arg10[%add3A_39, %dma_wait3A_259] : memref<10240x128xf32, #tpu.memory_space<vmem_shared>> -> memref<32x128xf32, #tpu.memory_space<vmem_shared>>
      tpu.wait_dma2 semaphore(%run_scoped3A : memref<!tpu.dma_semaphore, #tpu.memory_space<semaphore_mem>>) src(%arg9 : memref<32x128xf32, #tpu.memory_space<vmem>>) dst(%dma_wait3A_260 : memref<32x128xf32, #tpu.memory_space<vmem_shared>>)
      tpu.yield
    }) : () -> ()
    %mul3A_40 = arith.constant 640 : i32
    %mul3A_41 = arith.muli %arg1, %mul3A_40 : i32
    %add3A_42 = arith.constant 192 : i32
    %add3A_43 = arith.addi %mul3A_41, %add3A_42 : i32
    "tpu.region"() ({
      %run_scoped3A = tpu.sem_alloc : memref<!tpu.dma_semaphore, #tpu.memory_space<semaphore_mem>>
      %dma_start3A_254 = arith.constant 0 : i32
      %dma_start3A_255 = tpu.memref_slice %arg10[%add3A_43, %dma_start3A_254] : memref<10240x128xf32, #tpu.memory_space<vmem_shared>> -> memref<32x128xf32, #tpu.memory_space<vmem_shared>>
      %dma_start3A_256 = arith.constant 0 : i32
      %dma_start3A_257 = tpu.memref_slice %arg10[%add3A_43, %dma_start3A_256] : memref<10240x128xf32, #tpu.memory_space<vmem_shared>> -> memref<32x128xf32, #tpu.memory_space<vmem_shared>>
      tpu.enqueue_dma source(%arg9 : memref<32x128xf32, #tpu.memory_space<vmem>>) target(%dma_start3A_257 : memref<32x128xf32, #tpu.memory_space<vmem_shared>>) target_semaphore(%run_scoped3A : memref<!tpu.dma_semaphore, #tpu.memory_space<semaphore_mem>>)
      %dma_wait3A = arith.constant 0 : i32
      %dma_wait3A_258 = tpu.memref_slice %arg10[%add3A_43, %dma_wait3A] : memref<10240x128xf32, #tpu.memory_space<vmem_shared>> -> memref<32x128xf32, #tpu.memory_space<vmem_shared>>
      %dma_wait3A_259 = arith.constant 0 : i32
      %dma_wait3A_260 = tpu.memref_slice %arg10[%add3A_43, %dma_wait3A_259] : memref<10240x128xf32, #tpu.memory_space<vmem_shared>> -> memref<32x128xf32, #tpu.memory_space<vmem_shared>>
      tpu.wait_dma2 semaphore(%run_scoped3A : memref<!tpu.dma_semaphore, #tpu.memory_space<semaphore_mem>>) src(%arg9 : memref<32x128xf32, #tpu.memory_space<vmem>>) dst(%dma_wait3A_260 : memref<32x128xf32, #tpu.memory_space<vmem_shared>>)
      tpu.yield
    }) : () -> ()
    %mul3A_44 = arith.constant 640 : i32
    %mul3A_45 = arith.muli %arg1, %mul3A_44 : i32
    %add3A_46 = arith.constant 224 : i32
    %add3A_47 = arith.addi %mul3A_45, %add3A_46 : i32
    "tpu.region"() ({
      %run_scoped3A = tpu.sem_alloc : memref<!tpu.dma_semaphore, #tpu.memory_space<semaphore_mem>>
      %dma_start3A_254 = arith.constant 0 : i32
      %dma_start3A_255 = tpu.memref_slice %arg10[%add3A_47, %dma_start3A_254] : memref<10240x128xf32, #tpu.memory_space<vmem_shared>> -> memref<32x128xf32, #tpu.memory_space<vmem_shared>>
      %dma_start3A_256 = arith.constant 0 : i32
      %dma_start3A_257 = tpu.memref_slice %arg10[%add3A_47, %dma_start3A_256] : memref<10240x128xf32, #tpu.memory_space<vmem_shared>> -> memref<32x128xf32, #tpu.memory_space<vmem_shared>>
      tpu.enqueue_dma source(%arg9 : memref<32x128xf32, #tpu.memory_space<vmem>>) target(%dma_start3A_257 : memref<32x128xf32, #tpu.memory_space<vmem_shared>>) target_semaphore(%run_scoped3A : memref<!tpu.dma_semaphore, #tpu.memory_space<semaphore_mem>>)
      %dma_wait3A = arith.constant 0 : i32
      %dma_wait3A_258 = tpu.memref_slice %arg10[%add3A_47, %dma_wait3A] : memref<10240x128xf32, #tpu.memory_space<vmem_shared>> -> memref<32x128xf32, #tpu.memory_space<vmem_shared>>
      %dma_wait3A_259 = arith.constant 0 : i32
      %dma_wait3A_260 = tpu.memref_slice %arg10[%add3A_47, %dma_wait3A_259] : memref<10240x128xf32, #tpu.memory_space<vmem_shared>> -> memref<32x128xf32, #tpu.memory_space<vmem_shared>>
      tpu.wait_dma2 semaphore(%run_scoped3A : memref<!tpu.dma_semaphore, #tpu.memory_space<semaphore_mem>>) src(%arg9 : memref<32x128xf32, #tpu.memory_space<vmem>>) dst(%dma_wait3A_260 : memref<32x128xf32, #tpu.memory_space<vmem_shared>>)
      tpu.yield
    }) : () -> ()
    %mul3A_48 = arith.constant 640 : i32
    %mul3A_49 = arith.muli %arg1, %mul3A_48 : i32
    %add3A_50 = arith.constant 256 : i32
    %add3A_51 = arith.addi %mul3A_49, %add3A_50 : i32
    "tpu.region"() ({
      %run_scoped3A = tpu.sem_alloc : memref<!tpu.dma_semaphore, #tpu.memory_space<semaphore_mem>>
      %dma_start3A_254 = arith.constant 0 : i32
      %dma_start3A_255 = tpu.memref_slice %arg10[%add3A_51, %dma_start3A_254] : memref<10240x128xf32, #tpu.memory_space<vmem_shared>> -> memref<32x128xf32, #tpu.memory_space<vmem_shared>>
      %dma_start3A_256 = arith.constant 0 : i32
      %dma_start3A_257 = tpu.memref_slice %arg10[%add3A_51, %dma_start3A_256] : memref<10240x128xf32, #tpu.memory_space<vmem_shared>> -> memref<32x128xf32, #tpu.memory_space<vmem_shared>>
      tpu.enqueue_dma source(%arg9 : memref<32x128xf32, #tpu.memory_space<vmem>>) target(%dma_start3A_257 : memref<32x128xf32, #tpu.memory_space<vmem_shared>>) target_semaphore(%run_scoped3A : memref<!tpu.dma_semaphore, #tpu.memory_space<semaphore_mem>>)
      %dma_wait3A = arith.constant 0 : i32
      %dma_wait3A_258 = tpu.memref_slice %arg10[%add3A_51, %dma_wait3A] : memref<10240x128xf32, #tpu.memory_space<vmem_shared>> -> memref<32x128xf32, #tpu.memory_space<vmem_shared>>
      %dma_wait3A_259 = arith.constant 0 : i32
      %dma_wait3A_260 = tpu.memref_slice %arg10[%add3A_51, %dma_wait3A_259] : memref<10240x128xf32, #tpu.memory_space<vmem_shared>> -> memref<32x128xf32, #tpu.memory_space<vmem_shared>>
      tpu.wait_dma2 semaphore(%run_scoped3A : memref<!tpu.dma_semaphore, #tpu.memory_space<semaphore_mem>>) src(%arg9 : memref<32x128xf32, #tpu.memory_space<vmem>>) dst(%dma_wait3A_260 : memref<32x128xf32, #tpu.memory_space<vmem_shared>>)
      tpu.yield
    }) : () -> ()
    %mul3A_52 = arith.constant 640 : i32
    %mul3A_53 = arith.muli %arg1, %mul3A_52 : i32
    %add3A_54 = arith.constant 288 : i32
    %add3A_55 = arith.addi %mul3A_53, %add3A_54 : i32
    "tpu.region"() ({
      %run_scoped3A = tpu.sem_alloc : memref<!tpu.dma_semaphore, #tpu.memory_space<semaphore_mem>>
      %dma_start3A_254 = arith.constant 0 : i32
      %dma_start3A_255 = tpu.memref_slice %arg10[%add3A_55, %dma_start3A_254] : memref<10240x128xf32, #tpu.memory_space<vmem_shared>> -> memref<32x128xf32, #tpu.memory_space<vmem_shared>>
      %dma_start3A_256 = arith.constant 0 : i32
      %dma_start3A_257 = tpu.memref_slice %arg10[%add3A_55, %dma_start3A_256] : memref<10240x128xf32, #tpu.memory_space<vmem_shared>> -> memref<32x128xf32, #tpu.memory_space<vmem_shared>>
      tpu.enqueue_dma source(%arg9 : memref<32x128xf32, #tpu.memory_space<vmem>>) target(%dma_start3A_257 : memref<32x128xf32, #tpu.memory_space<vmem_shared>>) target_semaphore(%run_scoped3A : memref<!tpu.dma_semaphore, #tpu.memory_space<semaphore_mem>>)
      %dma_wait3A = arith.constant 0 : i32
      %dma_wait3A_258 = tpu.memref_slice %arg10[%add3A_55, %dma_wait3A] : memref<10240x128xf32, #tpu.memory_space<vmem_shared>> -> memref<32x128xf32, #tpu.memory_space<vmem_shared>>
      %dma_wait3A_259 = arith.constant 0 : i32
      %dma_wait3A_260 = tpu.memref_slice %arg10[%add3A_55, %dma_wait3A_259] : memref<10240x128xf32, #tpu.memory_space<vmem_shared>> -> memref<32x128xf32, #tpu.memory_space<vmem_shared>>
      tpu.wait_dma2 semaphore(%run_scoped3A : memref<!tpu.dma_semaphore, #tpu.memory_space<semaphore_mem>>) src(%arg9 : memref<32x128xf32, #tpu.memory_space<vmem>>) dst(%dma_wait3A_260 : memref<32x128xf32, #tpu.memory_space<vmem_shared>>)
      tpu.yield
    }) : () -> ()
    %mul3A_56 = arith.constant 640 : i32
    %mul3A_57 = arith.muli %arg1, %mul3A_56 : i32
    %add3A_58 = arith.constant 320 : i32
    %add3A_59 = arith.addi %mul3A_57, %add3A_58 : i32
    "tpu.region"() ({
      %run_scoped3A = tpu.sem_alloc : memref<!tpu.dma_semaphore, #tpu.memory_space<semaphore_mem>>
      %dma_start3A_254 = arith.constant 0 : i32
      %dma_start3A_255 = tpu.memref_slice %arg10[%add3A_59, %dma_start3A_254] : memref<10240x128xf32, #tpu.memory_space<vmem_shared>> -> memref<32x128xf32, #tpu.memory_space<vmem_shared>>
      %dma_start3A_256 = arith.constant 0 : i32
      %dma_start3A_257 = tpu.memref_slice %arg10[%add3A_59, %dma_start3A_256] : memref<10240x128xf32, #tpu.memory_space<vmem_shared>> -> memref<32x128xf32, #tpu.memory_space<vmem_shared>>
      tpu.enqueue_dma source(%arg9 : memref<32x128xf32, #tpu.memory_space<vmem>>) target(%dma_start3A_257 : memref<32x128xf32, #tpu.memory_space<vmem_shared>>) target_semaphore(%run_scoped3A : memref<!tpu.dma_semaphore, #tpu.memory_space<semaphore_mem>>)
      %dma_wait3A = arith.constant 0 : i32
      %dma_wait3A_258 = tpu.memref_slice %arg10[%add3A_59, %dma_wait3A] : memref<10240x128xf32, #tpu.memory_space<vmem_shared>> -> memref<32x128xf32, #tpu.memory_space<vmem_shared>>
      %dma_wait3A_259 = arith.constant 0 : i32
      %dma_wait3A_260 = tpu.memref_slice %arg10[%add3A_59, %dma_wait3A_259] : memref<10240x128xf32, #tpu.memory_space<vmem_shared>> -> memref<32x128xf32, #tpu.memory_space<vmem_shared>>
      tpu.wait_dma2 semaphore(%run_scoped3A : memref<!tpu.dma_semaphore, #tpu.memory_space<semaphore_mem>>) src(%arg9 : memref<32x128xf32, #tpu.memory_space<vmem>>) dst(%dma_wait3A_260 : memref<32x128xf32, #tpu.memory_space<vmem_shared>>)
      tpu.yield
    }) : () -> ()
    %mul3A_60 = arith.constant 640 : i32
    %mul3A_61 = arith.muli %arg1, %mul3A_60 : i32
    %add3A_62 = arith.constant 352 : i32
    %add3A_63 = arith.addi %mul3A_61, %add3A_62 : i32
    "tpu.region"() ({
      %run_scoped3A = tpu.sem_alloc : memref<!tpu.dma_semaphore, #tpu.memory_space<semaphore_mem>>
      %dma_start3A_254 = arith.constant 0 : i32
      %dma_start3A_255 = tpu.memref_slice %arg10[%add3A_63, %dma_start3A_254] : memref<10240x128xf32, #tpu.memory_space<vmem_shared>> -> memref<32x128xf32, #tpu.memory_space<vmem_shared>>
      %dma_start3A_256 = arith.constant 0 : i32
      %dma_start3A_257 = tpu.memref_slice %arg10[%add3A_63, %dma_start3A_256] : memref<10240x128xf32, #tpu.memory_space<vmem_shared>> -> memref<32x128xf32, #tpu.memory_space<vmem_shared>>
      tpu.enqueue_dma source(%arg9 : memref<32x128xf32, #tpu.memory_space<vmem>>) target(%dma_start3A_257 : memref<32x128xf32, #tpu.memory_space<vmem_shared>>) target_semaphore(%run_scoped3A : memref<!tpu.dma_semaphore, #tpu.memory_space<semaphore_mem>>)
      %dma_wait3A = arith.constant 0 : i32
      %dma_wait3A_258 = tpu.memref_slice %arg10[%add3A_63, %dma_wait3A] : memref<10240x128xf32, #tpu.memory_space<vmem_shared>> -> memref<32x128xf32, #tpu.memory_space<vmem_shared>>
      %dma_wait3A_259 = arith.constant 0 : i32
      %dma_wait3A_260 = tpu.memref_slice %arg10[%add3A_63, %dma_wait3A_259] : memref<10240x128xf32, #tpu.memory_space<vmem_shared>> -> memref<32x128xf32, #tpu.memory_space<vmem_shared>>
      tpu.wait_dma2 semaphore(%run_scoped3A : memref<!tpu.dma_semaphore, #tpu.memory_space<semaphore_mem>>) src(%arg9 : memref<32x128xf32, #tpu.memory_space<vmem>>) dst(%dma_wait3A_260 : memref<32x128xf32, #tpu.memory_space<vmem_shared>>)
      tpu.yield
    }) : () -> ()
    %mul3A_64 = arith.constant 640 : i32
    %mul3A_65 = arith.muli %arg1, %mul3A_64 : i32
    %add3A_66 = arith.constant 384 : i32
    %add3A_67 = arith.addi %mul3A_65, %add3A_66 : i32
    "tpu.region"() ({
      %run_scoped3A = tpu.sem_alloc : memref<!tpu.dma_semaphore, #tpu.memory_space<semaphore_mem>>
      %dma_start3A_254 = arith.constant 0 : i32
      %dma_start3A_255 = tpu.memref_slice %arg10[%add3A_67, %dma_start3A_254] : memref<10240x128xf32, #tpu.memory_space<vmem_shared>> -> memref<32x128xf32, #tpu.memory_space<vmem_shared>>
      %dma_start3A_256 = arith.constant 0 : i32
      %dma_start3A_257 = tpu.memref_slice %arg10[%add3A_67, %dma_start3A_256] : memref<10240x128xf32, #tpu.memory_space<vmem_shared>> -> memref<32x128xf32, #tpu.memory_space<vmem_shared>>
      tpu.enqueue_dma source(%arg9 : memref<32x128xf32, #tpu.memory_space<vmem>>) target(%dma_start3A_257 : memref<32x128xf32, #tpu.memory_space<vmem_shared>>) target_semaphore(%run_scoped3A : memref<!tpu.dma_semaphore, #tpu.memory_space<semaphore_mem>>)
      %dma_wait3A = arith.constant 0 : i32
      %dma_wait3A_258 = tpu.memref_slice %arg10[%add3A_67, %dma_wait3A] : memref<10240x128xf32, #tpu.memory_space<vmem_shared>> -> memref<32x128xf32, #tpu.memory_space<vmem_shared>>
      %dma_wait3A_259 = arith.constant 0 : i32
      %dma_wait3A_260 = tpu.memref_slice %arg10[%add3A_67, %dma_wait3A_259] : memref<10240x128xf32, #tpu.memory_space<vmem_shared>> -> memref<32x128xf32, #tpu.memory_space<vmem_shared>>
      tpu.wait_dma2 semaphore(%run_scoped3A : memref<!tpu.dma_semaphore, #tpu.memory_space<semaphore_mem>>) src(%arg9 : memref<32x128xf32, #tpu.memory_space<vmem>>) dst(%dma_wait3A_260 : memref<32x128xf32, #tpu.memory_space<vmem_shared>>)
      tpu.yield
    }) : () -> ()
    %mul3A_68 = arith.constant 640 : i32
    %mul3A_69 = arith.muli %arg1, %mul3A_68 : i32
    %add3A_70 = arith.constant 416 : i32
    %add3A_71 = arith.addi %mul3A_69, %add3A_70 : i32
    "tpu.region"() ({
      %run_scoped3A = tpu.sem_alloc : memref<!tpu.dma_semaphore, #tpu.memory_space<semaphore_mem>>
      %dma_start3A_254 = arith.constant 0 : i32
      %dma_start3A_255 = tpu.memref_slice %arg10[%add3A_71, %dma_start3A_254] : memref<10240x128xf32, #tpu.memory_space<vmem_shared>> -> memref<32x128xf32, #tpu.memory_space<vmem_shared>>
      %dma_start3A_256 = arith.constant 0 : i32
      %dma_start3A_257 = tpu.memref_slice %arg10[%add3A_71, %dma_start3A_256] : memref<10240x128xf32, #tpu.memory_space<vmem_shared>> -> memref<32x128xf32, #tpu.memory_space<vmem_shared>>
      tpu.enqueue_dma source(%arg9 : memref<32x128xf32, #tpu.memory_space<vmem>>) target(%dma_start3A_257 : memref<32x128xf32, #tpu.memory_space<vmem_shared>>) target_semaphore(%run_scoped3A : memref<!tpu.dma_semaphore, #tpu.memory_space<semaphore_mem>>)
      %dma_wait3A = arith.constant 0 : i32
      %dma_wait3A_258 = tpu.memref_slice %arg10[%add3A_71, %dma_wait3A] : memref<10240x128xf32, #tpu.memory_space<vmem_shared>> -> memref<32x128xf32, #tpu.memory_space<vmem_shared>>
      %dma_wait3A_259 = arith.constant 0 : i32
      %dma_wait3A_260 = tpu.memref_slice %arg10[%add3A_71, %dma_wait3A_259] : memref<10240x128xf32, #tpu.memory_space<vmem_shared>> -> memref<32x128xf32, #tpu.memory_space<vmem_shared>>
      tpu.wait_dma2 semaphore(%run_scoped3A : memref<!tpu.dma_semaphore, #tpu.memory_space<semaphore_mem>>) src(%arg9 : memref<32x128xf32, #tpu.memory_space<vmem>>) dst(%dma_wait3A_260 : memref<32x128xf32, #tpu.memory_space<vmem_shared>>)
      tpu.yield
    }) : () -> ()
    %mul3A_72 = arith.constant 640 : i32
    %mul3A_73 = arith.muli %arg1, %mul3A_72 : i32
    %add3A_74 = arith.constant 448 : i32
    %add3A_75 = arith.addi %mul3A_73, %add3A_74 : i32
    "tpu.region"() ({
      %run_scoped3A = tpu.sem_alloc : memref<!tpu.dma_semaphore, #tpu.memory_space<semaphore_mem>>
      %dma_start3A_254 = arith.constant 0 : i32
      %dma_start3A_255 = tpu.memref_slice %arg10[%add3A_75, %dma_start3A_254] : memref<10240x128xf32, #tpu.memory_space<vmem_shared>> -> memref<32x128xf32, #tpu.memory_space<vmem_shared>>
      %dma_start3A_256 = arith.constant 0 : i32
      %dma_start3A_257 = tpu.memref_slice %arg10[%add3A_75, %dma_start3A_256] : memref<10240x128xf32, #tpu.memory_space<vmem_shared>> -> memref<32x128xf32, #tpu.memory_space<vmem_shared>>
      tpu.enqueue_dma source(%arg9 : memref<32x128xf32, #tpu.memory_space<vmem>>) target(%dma_start3A_257 : memref<32x128xf32, #tpu.memory_space<vmem_shared>>) target_semaphore(%run_scoped3A : memref<!tpu.dma_semaphore, #tpu.memory_space<semaphore_mem>>)
      %dma_wait3A = arith.constant 0 : i32
      %dma_wait3A_258 = tpu.memref_slice %arg10[%add3A_75, %dma_wait3A] : memref<10240x128xf32, #tpu.memory_space<vmem_shared>> -> memref<32x128xf32, #tpu.memory_space<vmem_shared>>
      %dma_wait3A_259 = arith.constant 0 : i32
      %dma_wait3A_260 = tpu.memref_slice %arg10[%add3A_75, %dma_wait3A_259] : memref<10240x128xf32, #tpu.memory_space<vmem_shared>> -> memref<32x128xf32, #tpu.memory_space<vmem_shared>>
      tpu.wait_dma2 semaphore(%run_scoped3A : memref<!tpu.dma_semaphore, #tpu.memory_space<semaphore_mem>>) src(%arg9 : memref<32x128xf32, #tpu.memory_space<vmem>>) dst(%dma_wait3A_260 : memref<32x128xf32, #tpu.memory_space<vmem_shared>>)
      tpu.yield
    }) : () -> ()
    %mul3A_76 = arith.constant 640 : i32
    %mul3A_77 = arith.muli %arg1, %mul3A_76 : i32
    %add3A_78 = arith.constant 480 : i32
    %add3A_79 = arith.addi %mul3A_77, %add3A_78 : i32
    "tpu.region"() ({
      %run_scoped3A = tpu.sem_alloc : memref<!tpu.dma_semaphore, #tpu.memory_space<semaphore_mem>>
      %dma_start3A_254 = arith.constant 0 : i32
      %dma_start3A_255 = tpu.memref_slice %arg10[%add3A_79, %dma_start3A_254] : memref<10240x128xf32, #tpu.memory_space<vmem_shared>> -> memref<32x128xf32, #tpu.memory_space<vmem_shared>>
      %dma_start3A_256 = arith.constant 0 : i32
      %dma_start3A_257 = tpu.memref_slice %arg10[%add3A_79, %dma_start3A_256] : memref<10240x128xf32, #tpu.memory_space<vmem_shared>> -> memref<32x128xf32, #tpu.memory_space<vmem_shared>>
      tpu.enqueue_dma source(%arg9 : memref<32x128xf32, #tpu.memory_space<vmem>>) target(%dma_start3A_257 : memref<32x128xf32, #tpu.memory_space<vmem_shared>>) target_semaphore(%run_scoped3A : memref<!tpu.dma_semaphore, #tpu.memory_space<semaphore_mem>>)
      %dma_wait3A = arith.constant 0 : i32
      %dma_wait3A_258 = tpu.memref_slice %arg10[%add3A_79, %dma_wait3A] : memref<10240x128xf32, #tpu.memory_space<vmem_shared>> -> memref<32x128xf32, #tpu.memory_space<vmem_shared>>
      %dma_wait3A_259 = arith.constant 0 : i32
      %dma_wait3A_260 = tpu.memref_slice %arg10[%add3A_79, %dma_wait3A_259] : memref<10240x128xf32, #tpu.memory_space<vmem_shared>> -> memref<32x128xf32, #tpu.memory_space<vmem_shared>>
      tpu.wait_dma2 semaphore(%run_scoped3A : memref<!tpu.dma_semaphore, #tpu.memory_space<semaphore_mem>>) src(%arg9 : memref<32x128xf32, #tpu.memory_space<vmem>>) dst(%dma_wait3A_260 : memref<32x128xf32, #tpu.memory_space<vmem_shared>>)
      tpu.yield
    }) : () -> ()
    %mul3A_80 = arith.constant 640 : i32
    %mul3A_81 = arith.muli %arg1, %mul3A_80 : i32
    %add3A_82 = arith.constant 512 : i32
    %add3A_83 = arith.addi %mul3A_81, %add3A_82 : i32
    "tpu.region"() ({
      %run_scoped3A = tpu.sem_alloc : memref<!tpu.dma_semaphore, #tpu.memory_space<semaphore_mem>>
      %dma_start3A_254 = arith.constant 0 : i32
      %dma_start3A_255 = tpu.memref_slice %arg10[%add3A_83, %dma_start3A_254] : memref<10240x128xf32, #tpu.memory_space<vmem_shared>> -> memref<32x128xf32, #tpu.memory_space<vmem_shared>>
      %dma_start3A_256 = arith.constant 0 : i32
      %dma_start3A_257 = tpu.memref_slice %arg10[%add3A_83, %dma_start3A_256] : memref<10240x128xf32, #tpu.memory_space<vmem_shared>> -> memref<32x128xf32, #tpu.memory_space<vmem_shared>>
      tpu.enqueue_dma source(%arg9 : memref<32x128xf32, #tpu.memory_space<vmem>>) target(%dma_start3A_257 : memref<32x128xf32, #tpu.memory_space<vmem_shared>>) target_semaphore(%run_scoped3A : memref<!tpu.dma_semaphore, #tpu.memory_space<semaphore_mem>>)
      %dma_wait3A = arith.constant 0 : i32
      %dma_wait3A_258 = tpu.memref_slice %arg10[%add3A_83, %dma_wait3A] : memref<10240x128xf32, #tpu.memory_space<vmem_shared>> -> memref<32x128xf32, #tpu.memory_space<vmem_shared>>
      %dma_wait3A_259 = arith.constant 0 : i32
      %dma_wait3A_260 = tpu.memref_slice %arg10[%add3A_83, %dma_wait3A_259] : memref<10240x128xf32, #tpu.memory_space<vmem_shared>> -> memref<32x128xf32, #tpu.memory_space<vmem_shared>>
      tpu.wait_dma2 semaphore(%run_scoped3A : memref<!tpu.dma_semaphore, #tpu.memory_space<semaphore_mem>>) src(%arg9 : memref<32x128xf32, #tpu.memory_space<vmem>>) dst(%dma_wait3A_260 : memref<32x128xf32, #tpu.memory_space<vmem_shared>>)
      tpu.yield
    }) : () -> ()
    %mul3A_84 = arith.constant 640 : i32
    %mul3A_85 = arith.muli %arg1, %mul3A_84 : i32
    %add3A_86 = arith.constant 544 : i32
    %add3A_87 = arith.addi %mul3A_85, %add3A_86 : i32
    "tpu.region"() ({
      %run_scoped3A = tpu.sem_alloc : memref<!tpu.dma_semaphore, #tpu.memory_space<semaphore_mem>>
      %dma_start3A_254 = arith.constant 0 : i32
      %dma_start3A_255 = tpu.memref_slice %arg10[%add3A_87, %dma_start3A_254] : memref<10240x128xf32, #tpu.memory_space<vmem_shared>> -> memref<32x128xf32, #tpu.memory_space<vmem_shared>>
      %dma_start3A_256 = arith.constant 0 : i32
      %dma_start3A_257 = tpu.memref_slice %arg10[%add3A_87, %dma_start3A_256] : memref<10240x128xf32, #tpu.memory_space<vmem_shared>> -> memref<32x128xf32, #tpu.memory_space<vmem_shared>>
      tpu.enqueue_dma source(%arg9 : memref<32x128xf32, #tpu.memory_space<vmem>>) target(%dma_start3A_257 : memref<32x128xf32, #tpu.memory_space<vmem_shared>>) target_semaphore(%run_scoped3A : memref<!tpu.dma_semaphore, #tpu.memory_space<semaphore_mem>>)
      %dma_wait3A = arith.constant 0 : i32
      %dma_wait3A_258 = tpu.memref_slice %arg10[%add3A_87, %dma_wait3A] : memref<10240x128xf32, #tpu.memory_space<vmem_shared>> -> memref<32x128xf32, #tpu.memory_space<vmem_shared>>
      %dma_wait3A_259 = arith.constant 0 : i32
      %dma_wait3A_260 = tpu.memref_slice %arg10[%add3A_87, %dma_wait3A_259] : memref<10240x128xf32, #tpu.memory_space<vmem_shared>> -> memref<32x128xf32, #tpu.memory_space<vmem_shared>>
      tpu.wait_dma2 semaphore(%run_scoped3A : memref<!tpu.dma_semaphore, #tpu.memory_space<semaphore_mem>>) src(%arg9 : memref<32x128xf32, #tpu.memory_space<vmem>>) dst(%dma_wait3A_260 : memref<32x128xf32, #tpu.memory_space<vmem_shared>>)
      tpu.yield
    }) : () -> ()
    %mul3A_88 = arith.constant 640 : i32
    %mul3A_89 = arith.muli %arg1, %mul3A_88 : i32
    %add3A_90 = arith.constant 576 : i32
    %add3A_91 = arith.addi %mul3A_89, %add3A_90 : i32
    "tpu.region"() ({
      %run_scoped3A = tpu.sem_alloc : memref<!tpu.dma_semaphore, #tpu.memory_space<semaphore_mem>>
      %dma_start3A_254 = arith.constant 0 : i32
      %dma_start3A_255 = tpu.memref_slice %arg10[%add3A_91, %dma_start3A_254] : memref<10240x128xf32, #tpu.memory_space<vmem_shared>> -> memref<32x128xf32, #tpu.memory_space<vmem_shared>>
      %dma_start3A_256 = arith.constant 0 : i32
      %dma_start3A_257 = tpu.memref_slice %arg10[%add3A_91, %dma_start3A_256] : memref<10240x128xf32, #tpu.memory_space<vmem_shared>> -> memref<32x128xf32, #tpu.memory_space<vmem_shared>>
      tpu.enqueue_dma source(%arg9 : memref<32x128xf32, #tpu.memory_space<vmem>>) target(%dma_start3A_257 : memref<32x128xf32, #tpu.memory_space<vmem_shared>>) target_semaphore(%run_scoped3A : memref<!tpu.dma_semaphore, #tpu.memory_space<semaphore_mem>>)
      %dma_wait3A = arith.constant 0 : i32
      %dma_wait3A_258 = tpu.memref_slice %arg10[%add3A_91, %dma_wait3A] : memref<10240x128xf32, #tpu.memory_space<vmem_shared>> -> memref<32x128xf32, #tpu.memory_space<vmem_shared>>
      %dma_wait3A_259 = arith.constant 0 : i32
      %dma_wait3A_260 = tpu.memref_slice %arg10[%add3A_91, %dma_wait3A_259] : memref<10240x128xf32, #tpu.memory_space<vmem_shared>> -> memref<32x128xf32, #tpu.memory_space<vmem_shared>>
      tpu.wait_dma2 semaphore(%run_scoped3A : memref<!tpu.dma_semaphore, #tpu.memory_space<semaphore_mem>>) src(%arg9 : memref<32x128xf32, #tpu.memory_space<vmem>>) dst(%dma_wait3A_260 : memref<32x128xf32, #tpu.memory_space<vmem_shared>>)
      tpu.yield
    }) : () -> ()
    %mul3A_92 = arith.constant 640 : i32
    %mul3A_93 = arith.muli %arg1, %mul3A_92 : i32
    %add3A_94 = arith.constant 608 : i32
    %add3A_95 = arith.addi %mul3A_93, %add3A_94 : i32
    "tpu.region"() ({
      %run_scoped3A = tpu.sem_alloc : memref<!tpu.dma_semaphore, #tpu.memory_space<semaphore_mem>>
      %dma_start3A_254 = arith.constant 0 : i32
      %dma_start3A_255 = tpu.memref_slice %arg10[%add3A_95, %dma_start3A_254] : memref<10240x128xf32, #tpu.memory_space<vmem_shared>> -> memref<32x128xf32, #tpu.memory_space<vmem_shared>>
      %dma_start3A_256 = arith.constant 0 : i32
      %dma_start3A_257 = tpu.memref_slice %arg10[%add3A_95, %dma_start3A_256] : memref<10240x128xf32, #tpu.memory_space<vmem_shared>> -> memref<32x128xf32, #tpu.memory_space<vmem_shared>>
      tpu.enqueue_dma source(%arg9 : memref<32x128xf32, #tpu.memory_space<vmem>>) target(%dma_start3A_257 : memref<32x128xf32, #tpu.memory_space<vmem_shared>>) target_semaphore(%run_scoped3A : memref<!tpu.dma_semaphore, #tpu.memory_space<semaphore_mem>>)
      %dma_wait3A = arith.constant 0 : i32
      %dma_wait3A_258 = tpu.memref_slice %arg10[%add3A_95, %dma_wait3A] : memref<10240x128xf32, #tpu.memory_space<vmem_shared>> -> memref<32x128xf32, #tpu.memory_space<vmem_shared>>
      %dma_wait3A_259 = arith.constant 0 : i32
      %dma_wait3A_260 = tpu.memref_slice %arg10[%add3A_95, %dma_wait3A_259] : memref<10240x128xf32, #tpu.memory_space<vmem_shared>> -> memref<32x128xf32, #tpu.memory_space<vmem_shared>>
      tpu.wait_dma2 semaphore(%run_scoped3A : memref<!tpu.dma_semaphore, #tpu.memory_space<semaphore_mem>>) src(%arg9 : memref<32x128xf32, #tpu.memory_space<vmem>>) dst(%dma_wait3A_260 : memref<32x128xf32, #tpu.memory_space<vmem_shared>>)
      tpu.yield
    }) : () -> ()
    %barrier3A = arith.constant 0 : index
    tpu.barrier barrier_id(%barrier3A)
    "tpu.region"() ({
      %run_scoped3A = tpu.sem_alloc : memref<!tpu.dma_semaphore, #tpu.memory_space<semaphore_mem>>
      %dma_start3A_254 = arith.constant 0 : i32
      %dma_start3A_255 = arith.constant 0 : i32
      %dma_start3A_256 = tpu.memref_slice %arg3[%add3A_5, %dma_start3A_254, %dma_start3A_255] : memref<2500x1x128xi32, #tpu.memory_space<hbm>> -> memref<40x1x128xi32, #tpu.memory_space<hbm>>
      %dma_start3A_257 = arith.constant 0 : i32
      %dma_start3A_258 = arith.constant 0 : i32
      %dma_start3A_259 = tpu.memref_slice %arg3[%add3A_5, %dma_start3A_257, %dma_start3A_258] : memref<2500x1x128xi32, #tpu.memory_space<hbm>> -> memref<40x1x128xi32, #tpu.memory_space<hbm>>
      tpu.enqueue_dma source(%dma_start3A_259 : memref<40x1x128xi32, #tpu.memory_space<hbm>>) target(%arg6 : memref<40x1x128xi32, #tpu.memory_space<vmem>>) target_semaphore(%run_scoped3A : memref<!tpu.dma_semaphore, #tpu.memory_space<semaphore_mem>>)
      %dma_wait3A = arith.constant 0 : i32
      %dma_wait3A_260 = arith.constant 0 : i32
      %dma_wait3A_261 = tpu.memref_slice %arg3[%add3A_5, %dma_wait3A, %dma_wait3A_260] : memref<2500x1x128xi32, #tpu.memory_space<hbm>> -> memref<40x1x128xi32, #tpu.memory_space<hbm>>
      %dma_wait3A_262 = arith.constant 0 : i32
      %dma_wait3A_263 = arith.constant 0 : i32
      %dma_wait3A_264 = tpu.memref_slice %arg3[%add3A_5, %dma_wait3A_262, %dma_wait3A_263] : memref<2500x1x128xi32, #tpu.memory_space<hbm>> -> memref<40x1x128xi32, #tpu.memory_space<hbm>>
      tpu.wait_dma2 semaphore(%run_scoped3A : memref<!tpu.dma_semaphore, #tpu.memory_space<semaphore_mem>>) src(%dma_wait3A_264 : memref<40x1x128xi32, #tpu.memory_space<hbm>>) dst(%arg6 : memref<40x1x128xi32, #tpu.memory_space<vmem>>)
      tpu.yield
    }) : () -> ()
    "tpu.region"() ({
      %run_scoped3A = tpu.sem_alloc : memref<!tpu.dma_semaphore, #tpu.memory_space<semaphore_mem>>
      %dma_start3A_254 = arith.constant 0 : i32
      %dma_start3A_255 = arith.constant 0 : i32
      %dma_start3A_256 = tpu.memref_slice %arg4[%add3A_5, %dma_start3A_254, %dma_start3A_255] : memref<2500x1x128xi32, #tpu.memory_space<hbm>> -> memref<40x1x128xi32, #tpu.memory_space<hbm>>
      %dma_start3A_257 = arith.constant 0 : i32
      %dma_start3A_258 = arith.constant 0 : i32
      %dma_start3A_259 = tpu.memref_slice %arg4[%add3A_5, %dma_start3A_257, %dma_start3A_258] : memref<2500x1x128xi32, #tpu.memory_space<hbm>> -> memref<40x1x128xi32, #tpu.memory_space<hbm>>
      tpu.enqueue_dma source(%dma_start3A_259 : memref<40x1x128xi32, #tpu.memory_space<hbm>>) target(%arg7 : memref<40x1x128xi32, #tpu.memory_space<vmem>>) target_semaphore(%run_scoped3A : memref<!tpu.dma_semaphore, #tpu.memory_space<semaphore_mem>>)
      %dma_wait3A = arith.constant 0 : i32
      %dma_wait3A_260 = arith.constant 0 : i32
      %dma_wait3A_261 = tpu.memref_slice %arg4[%add3A_5, %dma_wait3A, %dma_wait3A_260] : memref<2500x1x128xi32, #tpu.memory_space<hbm>> -> memref<40x1x128xi32, #tpu.memory_space<hbm>>
      %dma_wait3A_262 = arith.constant 0 : i32
      %dma_wait3A_263 = arith.constant 0 : i32
      %dma_wait3A_264 = tpu.memref_slice %arg4[%add3A_5, %dma_wait3A_262, %dma_wait3A_263] : memref<2500x1x128xi32, #tpu.memory_space<hbm>> -> memref<40x1x128xi32, #tpu.memory_space<hbm>>
      tpu.wait_dma2 semaphore(%run_scoped3A : memref<!tpu.dma_semaphore, #tpu.memory_space<semaphore_mem>>) src(%dma_wait3A_264 : memref<40x1x128xi32, #tpu.memory_space<hbm>>) dst(%arg7 : memref<40x1x128xi32, #tpu.memory_space<vmem>>)
      tpu.yield
    }) : () -> ()
    %jit3A = arith.constant 0 : i32
    %jit3A_96 = arith.constant 2 : i32
    %eq3A = arith.constant 0 : i32
    %eq3A_97 = arith.cmpi eq, %jit3A_96, %eq3A : i32
    %jit3A_98 = arith.constant 1 : i32
    %select_n3A = arith.select %eq3A_97, %jit3A_98, %jit3A_96 : i32
    %rem3A = arith.remsi %jit3A, %select_n3A : i32
    %ne3A = arith.constant 0 : i32
    %ne3A_99 = arith.cmpi ne, %rem3A, %ne3A : i32
    %lt3A = arith.constant 0 : i32
    %lt3A_100 = arith.cmpi slt, %rem3A, %lt3A : i32
    %lt3A_101 = arith.constant 0 : i32
    %lt3A_102 = arith.cmpi slt, %select_n3A, %lt3A_101 : i32
    %ne3A_103 = arith.xori %lt3A_100, %lt3A_102 : i1
    %and3A = arith.andi %ne3A_103, %ne3A_99 : i1
    %add3A_104 = arith.addi %rem3A, %select_n3A : i32
    %select_n3A_105 = arith.select %and3A, %add3A_104, %rem3A : i32
    %dma_start3A = arith.constant 0 : i32
    %dma_start3A_106 = arith.constant 0 : i32
    %dma_start3A_107 = arith.constant 0 : i32
    %dma_start3A_108 = arith.constant 0 : i32
    %dma_start3A_109 = tpu.memref_slice %arg8[%select_n3A_105, %dma_start3A_107, %dma_start3A_108] : memref<2x128x128xf32, #tpu.memory_space<vmem>> -> memref<1x128x128xf32, #tpu.memory_space<vmem>>
    %dma_start3A_110 = tpu.memref_squeeze %dma_start3A_109 : memref<1x128x128xf32, #tpu.memory_space<vmem>> -> memref<128x128xf32, #tpu.memory_space<vmem>>
    %dma_start3A_111 = arith.constant 0 : i32
    %dma_start3A_112 = tpu.memref_slice %arg6[%dma_start3A, %dma_start3A_106, %dma_start3A_111] : memref<40x1x128xi32, #tpu.memory_space<vmem>> -> memref<1x1x128xi32, #tpu.memory_space<vmem>>
    %dma_start3A_113 = tpu.memref_squeeze %dma_start3A_112 : memref<1x1x128xi32, #tpu.memory_space<vmem>> -> memref<128xi32, #tpu.memory_space<vmem>>
    %dma_start3A_114 = arith.constant 0 : i32
    %dma_start3A_115 = arith.constant 0 : i32
    %dma_start3A_116 = tpu.memref_slice %arg2[%dma_start3A_114, %dma_start3A_115] : memref<10000x128xf32, #tpu.memory_space<hbm>> -> memref<10000x128xf32, #tpu.memory_space<hbm>>
    tpu.enqueue_indirect_dma source(%dma_start3A_116 : memref<10000x128xf32, #tpu.memory_space<hbm>>) target(%dma_start3A_110 : memref<128x128xf32, #tpu.memory_space<vmem>>) offsets(%dma_start3A_113 : memref<128xi32, #tpu.memory_space<vmem>>) semaphore(%arg11 : memref<!tpu.dma_semaphore, #tpu.memory_space<semaphore_mem>>)
    %while3A = arith.constant 0 : i32
    %while3A_117 = arith.constant 40 : i32
    %while3A_118 = arith.constant 0 : i32
    %while3A_119 = arith.subi %while3A_117, %while3A : i32
    %while3A_120 = arith.addi %while3A, %while3A_119 : i32
    %while3A_121 = arith.constant 1 : i32
    %while3A_122 = arith.divsi %while3A_119, %while3A_121 : i32
    %while3A_123 = arith.muli %while3A_122, %while3A_121 : i32
    %while3A_124 = arith.addi %while3A, %while3A_123 : i32
    %while3A_125 = arith.constant 1 : i32
    %while3A_126 = scf.for %while3A_254 = %while3A to %while3A_124 step %while3A_125 iter_args(%while3A_255 = %while3A_118) -> (i32)  : i32 {
      %add3A_256 = arith.constant 1 : i32
      %add3A_257 = arith.addi %while3A_254, %add3A_256 : i32
      %lt3A_258 = arith.constant 40 : i32
      %lt3A_259 = arith.cmpi slt, %add3A_257, %lt3A_258 : i32
      %convert_element_type3A_260 = arith.extui %lt3A_259 : i1 to i32
      %cond3A = arith.constant 0 : i32
      %cond3A_261 = arith.cmpi ne, %convert_element_type3A_260, %cond3A : i32
      scf.if %cond3A_261 {
        %add3A_305 = arith.constant 1 : i32
        %add3A_306 = arith.addi %while3A_254, %add3A_305 : i32
        %add3A_307 = arith.constant 1 : i32
        %add3A_308 = arith.addi %while3A_254, %add3A_307 : i32
        %jit3A_309 = arith.constant 2 : i32
        %eq3A_310 = arith.constant 0 : i32
        %eq3A_311 = arith.cmpi eq, %jit3A_309, %eq3A_310 : i32
        %jit3A_312 = arith.constant 1 : i32
        %select_n3A_313 = arith.select %eq3A_311, %jit3A_312, %jit3A_309 : i32
        %rem3A_314 = arith.remsi %add3A_308, %select_n3A_313 : i32
        %ne3A_315 = arith.constant 0 : i32
        %ne3A_316 = arith.cmpi ne, %rem3A_314, %ne3A_315 : i32
        %lt3A_317 = arith.constant 0 : i32
        %lt3A_318 = arith.cmpi slt, %rem3A_314, %lt3A_317 : i32
        %lt3A_319 = arith.constant 0 : i32
        %lt3A_320 = arith.cmpi slt, %select_n3A_313, %lt3A_319 : i32
        %ne3A_321 = arith.xori %lt3A_318, %lt3A_320 : i1
        %and3A_322 = arith.andi %ne3A_321, %ne3A_316 : i1
        %add3A_323 = arith.addi %rem3A_314, %select_n3A_313 : i32
        %select_n3A_324 = arith.select %and3A_322, %add3A_323, %rem3A_314 : i32
        %dma_start3A_325 = arith.constant 0 : i32
        %dma_start3A_326 = arith.constant 0 : i32
        %dma_start3A_327 = arith.constant 0 : i32
        %dma_start3A_328 = tpu.memref_slice %arg8[%select_n3A_324, %dma_start3A_326, %dma_start3A_327] : memref<2x128x128xf32, #tpu.memory_space<vmem>> -> memref<1x128x128xf32, #tpu.memory_space<vmem>>
        %dma_start3A_329 = tpu.memref_squeeze %dma_start3A_328 : memref<1x128x128xf32, #tpu.memory_space<vmem>> -> memref<128x128xf32, #tpu.memory_space<vmem>>
        %dma_start3A_330 = arith.constant 0 : i32
        %dma_start3A_331 = tpu.memref_slice %arg6[%add3A_306, %dma_start3A_325, %dma_start3A_330] : memref<40x1x128xi32, #tpu.memory_space<vmem>> -> memref<1x1x128xi32, #tpu.memory_space<vmem>>
        %dma_start3A_332 = tpu.memref_squeeze %dma_start3A_331 : memref<1x1x128xi32, #tpu.memory_space<vmem>> -> memref<128xi32, #tpu.memory_space<vmem>>
        %dma_start3A_333 = arith.constant 0 : i32
        %dma_start3A_334 = arith.constant 0 : i32
        %dma_start3A_335 = tpu.memref_slice %arg2[%dma_start3A_333, %dma_start3A_334] : memref<10000x128xf32, #tpu.memory_space<hbm>> -> memref<10000x128xf32, #tpu.memory_space<hbm>>
        tpu.enqueue_indirect_dma source(%dma_start3A_335 : memref<10000x128xf32, #tpu.memory_space<hbm>>) target(%dma_start3A_329 : memref<128x128xf32, #tpu.memory_space<vmem>>) offsets(%dma_start3A_332 : memref<128xi32, #tpu.memory_space<vmem>>) semaphore(%arg11 : memref<!tpu.dma_semaphore, #tpu.memory_space<semaphore_mem>>)
      } else {
      }
      %jit3A_262 = arith.constant 2 : i32
      %eq3A_263 = arith.constant 0 : i32
      %eq3A_264 = arith.cmpi eq, %jit3A_262, %eq3A_263 : i32
      %jit3A_265 = arith.constant 1 : i32
      %select_n3A_266 = arith.select %eq3A_264, %jit3A_265, %jit3A_262 : i32
      %rem3A_267 = arith.remsi %while3A_254, %select_n3A_266 : i32
      %ne3A_268 = arith.constant 0 : i32
      %ne3A_269 = arith.cmpi ne, %rem3A_267, %ne3A_268 : i32
      %lt3A_270 = arith.constant 0 : i32
      %lt3A_271 = arith.cmpi slt, %rem3A_267, %lt3A_270 : i32
      %lt3A_272 = arith.constant 0 : i32
      %lt3A_273 = arith.cmpi slt, %select_n3A_266, %lt3A_272 : i32
      %ne3A_274 = arith.xori %lt3A_271, %lt3A_273 : i1
      %and3A_275 = arith.andi %ne3A_274, %ne3A_269 : i1
      %add3A_276 = arith.addi %rem3A_267, %select_n3A_266 : i32
      %select_n3A_277 = arith.select %and3A_275, %add3A_276, %rem3A_267 : i32
      %dma_wait3A = arith.constant 0 : i32
      %dma_wait3A_278 = arith.constant 0 : i32
      %dma_wait3A_279 = arith.constant 0 : i32
      %dma_wait3A_280 = tpu.memref_slice %arg8[%select_n3A_277, %dma_wait3A_278, %dma_wait3A_279] : memref<2x128x128xf32, #tpu.memory_space<vmem>> -> memref<1x128x128xf32, #tpu.memory_space<vmem>>
      %dma_wait3A_281 = tpu.memref_squeeze %dma_wait3A_280 : memref<1x128x128xf32, #tpu.memory_space<vmem>> -> memref<128x128xf32, #tpu.memory_space<vmem>>
      %dma_wait3A_282 = arith.constant 0 : i32
      %dma_wait3A_283 = tpu.memref_slice %arg6[%while3A_254, %dma_wait3A, %dma_wait3A_282] : memref<40x1x128xi32, #tpu.memory_space<vmem>> -> memref<1x1x128xi32, #tpu.memory_space<vmem>>
      %dma_wait3A_284 = tpu.memref_squeeze %dma_wait3A_283 : memref<1x1x128xi32, #tpu.memory_space<vmem>> -> memref<128xi32, #tpu.memory_space<vmem>>
      %dma_wait3A_285 = arith.constant 0 : i32
      %dma_wait3A_286 = arith.constant 0 : i32
      %dma_wait3A_287 = tpu.memref_slice %arg2[%dma_wait3A_285, %dma_wait3A_286] : memref<10000x128xf32, #tpu.memory_space<hbm>> -> memref<10000x128xf32, #tpu.memory_space<hbm>>
      tpu.wait_indirect_dma semaphore(%arg11 : memref<!tpu.dma_semaphore, #tpu.memory_space<semaphore_mem>>) src(%dma_wait3A_287 : memref<10000x128xf32, #tpu.memory_space<hbm>>) dst(%dma_wait3A_281 : memref<128x128xf32, #tpu.memory_space<vmem>>)
      %jit3A_288 = arith.constant 2 : i32
      %eq3A_289 = arith.constant 0 : i32
      %eq3A_290 = arith.cmpi eq, %jit3A_288, %eq3A_289 : i32
      %jit3A_291 = arith.constant 1 : i32
      %select_n3A_292 = arith.select %eq3A_290, %jit3A_291, %jit3A_288 : i32
      %rem3A_293 = arith.remsi %while3A_254, %select_n3A_292 : i32
      %ne3A_294 = arith.constant 0 : i32
      %ne3A_295 = arith.cmpi ne, %rem3A_293, %ne3A_294 : i32
      %lt3A_296 = arith.constant 0 : i32
      %lt3A_297 = arith.cmpi slt, %rem3A_293, %lt3A_296 : i32
      %lt3A_298 = arith.constant 0 : i32
      %lt3A_299 = arith.cmpi slt, %select_n3A_292, %lt3A_298 : i32
      %ne3A_300 = arith.xori %lt3A_297, %lt3A_299 : i1
      %and3A_301 = arith.andi %ne3A_300, %ne3A_295 : i1
      %add3A_302 = arith.addi %rem3A_293, %select_n3A_292 : i32
      %select_n3A_303 = arith.select %and3A_301, %add3A_302, %rem3A_293 : i32
      %run_scoped3A = arith.constant 0 : i32
      "tpu.region"() ({
        %run_scoped3A_305 = tpu.sem_alloc : memref<!tpu.dma_semaphore, #tpu.memory_space<semaphore_mem>>
        %dma_start3A_306 = arith.constant 0 : i32
        %dma_start3A_307 = arith.constant 0 : i32
        %dma_start3A_308 = tpu.memref_slice %arg8[%select_n3A_303, %dma_start3A_306, %dma_start3A_307] : memref<2x128x128xf32, #tpu.memory_space<vmem>> -> memref<1x128x128xf32, #tpu.memory_space<vmem>>
        %dma_start3A_309 = tpu.memref_squeeze %dma_start3A_308 : memref<1x128x128xf32, #tpu.memory_space<vmem>> -> memref<128x128xf32, #tpu.memory_space<vmem>>
        %dma_start3A_310 = arith.constant 0 : i32
        %dma_start3A_311 = tpu.memref_slice %arg7[%while3A_254, %run_scoped3A, %dma_start3A_310] : memref<40x1x128xi32, #tpu.memory_space<vmem>> -> memref<1x1x128xi32, #tpu.memory_space<vmem>>
        %dma_start3A_312 = tpu.memref_squeeze %dma_start3A_311 : memref<1x1x128xi32, #tpu.memory_space<vmem>> -> memref<128xi32, #tpu.memory_space<vmem>>
        %dma_start3A_313 = arith.constant 0 : i32
        %dma_start3A_314 = arith.constant 0 : i32
        %dma_start3A_315 = tpu.memref_slice %arg10[%dma_start3A_313, %dma_start3A_314] : memref<10240x128xf32, #tpu.memory_space<vmem_shared>> -> memref<10240x128xf32, #tpu.memory_space<vmem_shared>>
        tpu.enqueue_indirect_dma source(%dma_start3A_309 : memref<128x128xf32, #tpu.memory_space<vmem>>) target(%dma_start3A_315 : memref<10240x128xf32, #tpu.memory_space<vmem_shared>>) offsets(%dma_start3A_312 : memref<128xi32, #tpu.memory_space<vmem>>) semaphore(%run_scoped3A_305 : memref<!tpu.dma_semaphore, #tpu.memory_space<semaphore_mem>>) {add = true}
        %dma_wait3A_316 = arith.constant 0 : i32
        %dma_wait3A_317 = arith.constant 0 : i32
        %dma_wait3A_318 = tpu.memref_slice %arg8[%select_n3A_303, %dma_wait3A_316, %dma_wait3A_317] : memref<2x128x128xf32, #tpu.memory_space<vmem>> -> memref<1x128x128xf32, #tpu.memory_space<vmem>>
        %dma_wait3A_319 = tpu.memref_squeeze %dma_wait3A_318 : memref<1x128x128xf32, #tpu.memory_space<vmem>> -> memref<128x128xf32, #tpu.memory_space<vmem>>
        %dma_wait3A_320 = arith.constant 0 : i32
        %dma_wait3A_321 = tpu.memref_slice %arg7[%while3A_254, %run_scoped3A, %dma_wait3A_320] : memref<40x1x128xi32, #tpu.memory_space<vmem>> -> memref<1x1x128xi32, #tpu.memory_space<vmem>>
        %dma_wait3A_322 = tpu.memref_squeeze %dma_wait3A_321 : memref<1x1x128xi32, #tpu.memory_space<vmem>> -> memref<128xi32, #tpu.memory_space<vmem>>
        %dma_wait3A_323 = arith.constant 0 : i32
        %dma_wait3A_324 = arith.constant 0 : i32
        %dma_wait3A_325 = tpu.memref_slice %arg10[%dma_wait3A_323, %dma_wait3A_324] : memref<10240x128xf32, #tpu.memory_space<vmem_shared>> -> memref<10240x128xf32, #tpu.memory_space<vmem_shared>>
        tpu.wait_indirect_dma semaphore(%run_scoped3A_305 : memref<!tpu.dma_semaphore, #tpu.memory_space<semaphore_mem>>) src(%dma_wait3A_319 : memref<128x128xf32, #tpu.memory_space<vmem>>) dst(%dma_wait3A_325 : memref<10240x128xf32, #tpu.memory_space<vmem_shared>>)
        tpu.yield
      }) : () -> ()
      %while3A_304 = arith.constant 0 : i32
      scf.yield %while3A_304 : i32
    }
    %while3A_127 = arith.constant 1 : i32
    %while3A_128 = scf.for %while3A_254 = %while3A_124 to %while3A_120 step %while3A_127 iter_args(%while3A_255 = %while3A_126) -> (i32)  : i32 {
      %add3A_256 = arith.constant 1 : i32
      %add3A_257 = arith.addi %while3A_254, %add3A_256 : i32
      %lt3A_258 = arith.constant 40 : i32
      %lt3A_259 = arith.cmpi slt, %add3A_257, %lt3A_258 : i32
      %convert_element_type3A_260 = arith.extui %lt3A_259 : i1 to i32
      %cond3A = arith.constant 0 : i32
      %cond3A_261 = arith.cmpi ne, %convert_element_type3A_260, %cond3A : i32
      scf.if %cond3A_261 {
        %add3A_305 = arith.constant 1 : i32
        %add3A_306 = arith.addi %while3A_254, %add3A_305 : i32
        %add3A_307 = arith.constant 1 : i32
        %add3A_308 = arith.addi %while3A_254, %add3A_307 : i32
        %jit3A_309 = arith.constant 2 : i32
        %eq3A_310 = arith.constant 0 : i32
        %eq3A_311 = arith.cmpi eq, %jit3A_309, %eq3A_310 : i32
        %jit3A_312 = arith.constant 1 : i32
        %select_n3A_313 = arith.select %eq3A_311, %jit3A_312, %jit3A_309 : i32
        %rem3A_314 = arith.remsi %add3A_308, %select_n3A_313 : i32
        %ne3A_315 = arith.constant 0 : i32
        %ne3A_316 = arith.cmpi ne, %rem3A_314, %ne3A_315 : i32
        %lt3A_317 = arith.constant 0 : i32
        %lt3A_318 = arith.cmpi slt, %rem3A_314, %lt3A_317 : i32
        %lt3A_319 = arith.constant 0 : i32
        %lt3A_320 = arith.cmpi slt, %select_n3A_313, %lt3A_319 : i32
        %ne3A_321 = arith.xori %lt3A_318, %lt3A_320 : i1
        %and3A_322 = arith.andi %ne3A_321, %ne3A_316 : i1
        %add3A_323 = arith.addi %rem3A_314, %select_n3A_313 : i32
        %select_n3A_324 = arith.select %and3A_322, %add3A_323, %rem3A_314 : i32
        %dma_start3A_325 = arith.constant 0 : i32
        %dma_start3A_326 = arith.constant 0 : i32
        %dma_start3A_327 = arith.constant 0 : i32
        %dma_start3A_328 = tpu.memref_slice %arg8[%select_n3A_324, %dma_start3A_326, %dma_start3A_327] : memref<2x128x128xf32, #tpu.memory_space<vmem>> -> memref<1x128x128xf32, #tpu.memory_space<vmem>>
        %dma_start3A_329 = tpu.memref_squeeze %dma_start3A_328 : memref<1x128x128xf32, #tpu.memory_space<vmem>> -> memref<128x128xf32, #tpu.memory_space<vmem>>
        %dma_start3A_330 = arith.constant 0 : i32
        %dma_start3A_331 = tpu.memref_slice %arg6[%add3A_306, %dma_start3A_325, %dma_start3A_330] : memref<40x1x128xi32, #tpu.memory_space<vmem>> -> memref<1x1x128xi32, #tpu.memory_space<vmem>>
        %dma_start3A_332 = tpu.memref_squeeze %dma_start3A_331 : memref<1x1x128xi32, #tpu.memory_space<vmem>> -> memref<128xi32, #tpu.memory_space<vmem>>
        %dma_start3A_333 = arith.constant 0 : i32
        %dma_start3A_334 = arith.constant 0 : i32
        %dma_start3A_335 = tpu.memref_slice %arg2[%dma_start3A_333, %dma_start3A_334] : memref<10000x128xf32, #tpu.memory_space<hbm>> -> memref<10000x128xf32, #tpu.memory_space<hbm>>
        tpu.enqueue_indirect_dma source(%dma_start3A_335 : memref<10000x128xf32, #tpu.memory_space<hbm>>) target(%dma_start3A_329 : memref<128x128xf32, #tpu.memory_space<vmem>>) offsets(%dma_start3A_332 : memref<128xi32, #tpu.memory_space<vmem>>) semaphore(%arg11 : memref<!tpu.dma_semaphore, #tpu.memory_space<semaphore_mem>>)
      } else {
      }
      %jit3A_262 = arith.constant 2 : i32
      %eq3A_263 = arith.constant 0 : i32
      %eq3A_264 = arith.cmpi eq, %jit3A_262, %eq3A_263 : i32
      %jit3A_265 = arith.constant 1 : i32
      %select_n3A_266 = arith.select %eq3A_264, %jit3A_265, %jit3A_262 : i32
      %rem3A_267 = arith.remsi %while3A_254, %select_n3A_266 : i32
      %ne3A_268 = arith.constant 0 : i32
      %ne3A_269 = arith.cmpi ne, %rem3A_267, %ne3A_268 : i32
      %lt3A_270 = arith.constant 0 : i32
      %lt3A_271 = arith.cmpi slt, %rem3A_267, %lt3A_270 : i32
      %lt3A_272 = arith.constant 0 : i32
      %lt3A_273 = arith.cmpi slt, %select_n3A_266, %lt3A_272 : i32
      %ne3A_274 = arith.xori %lt3A_271, %lt3A_273 : i1
      %and3A_275 = arith.andi %ne3A_274, %ne3A_269 : i1
      %add3A_276 = arith.addi %rem3A_267, %select_n3A_266 : i32
      %select_n3A_277 = arith.select %and3A_275, %add3A_276, %rem3A_267 : i32
      %dma_wait3A = arith.constant 0 : i32
      %dma_wait3A_278 = arith.constant 0 : i32
      %dma_wait3A_279 = arith.constant 0 : i32
      %dma_wait3A_280 = tpu.memref_slice %arg8[%select_n3A_277, %dma_wait3A_278, %dma_wait3A_279] : memref<2x128x128xf32, #tpu.memory_space<vmem>> -> memref<1x128x128xf32, #tpu.memory_space<vmem>>
      %dma_wait3A_281 = tpu.memref_squeeze %dma_wait3A_280 : memref<1x128x128xf32, #tpu.memory_space<vmem>> -> memref<128x128xf32, #tpu.memory_space<vmem>>
      %dma_wait3A_282 = arith.constant 0 : i32
      %dma_wait3A_283 = tpu.memref_slice %arg6[%while3A_254, %dma_wait3A, %dma_wait3A_282] : memref<40x1x128xi32, #tpu.memory_space<vmem>> -> memref<1x1x128xi32, #tpu.memory_space<vmem>>
      %dma_wait3A_284 = tpu.memref_squeeze %dma_wait3A_283 : memref<1x1x128xi32, #tpu.memory_space<vmem>> -> memref<128xi32, #tpu.memory_space<vmem>>
      %dma_wait3A_285 = arith.constant 0 : i32
      %dma_wait3A_286 = arith.constant 0 : i32
      %dma_wait3A_287 = tpu.memref_slice %arg2[%dma_wait3A_285, %dma_wait3A_286] : memref<10000x128xf32, #tpu.memory_space<hbm>> -> memref<10000x128xf32, #tpu.memory_space<hbm>>
      tpu.wait_indirect_dma semaphore(%arg11 : memref<!tpu.dma_semaphore, #tpu.memory_space<semaphore_mem>>) src(%dma_wait3A_287 : memref<10000x128xf32, #tpu.memory_space<hbm>>) dst(%dma_wait3A_281 : memref<128x128xf32, #tpu.memory_space<vmem>>)
      %jit3A_288 = arith.constant 2 : i32
      %eq3A_289 = arith.constant 0 : i32
      %eq3A_290 = arith.cmpi eq, %jit3A_288, %eq3A_289 : i32
      %jit3A_291 = arith.constant 1 : i32
      %select_n3A_292 = arith.select %eq3A_290, %jit3A_291, %jit3A_288 : i32
      %rem3A_293 = arith.remsi %while3A_254, %select_n3A_292 : i32
      %ne3A_294 = arith.constant 0 : i32
      %ne3A_295 = arith.cmpi ne, %rem3A_293, %ne3A_294 : i32
      %lt3A_296 = arith.constant 0 : i32
      %lt3A_297 = arith.cmpi slt, %rem3A_293, %lt3A_296 : i32
      %lt3A_298 = arith.constant 0 : i32
      %lt3A_299 = arith.cmpi slt, %select_n3A_292, %lt3A_298 : i32
      %ne3A_300 = arith.xori %lt3A_297, %lt3A_299 : i1
      %and3A_301 = arith.andi %ne3A_300, %ne3A_295 : i1
      %add3A_302 = arith.addi %rem3A_293, %select_n3A_292 : i32
      %select_n3A_303 = arith.select %and3A_301, %add3A_302, %rem3A_293 : i32
      %run_scoped3A = arith.constant 0 : i32
      "tpu.region"() ({
        %run_scoped3A_305 = tpu.sem_alloc : memref<!tpu.dma_semaphore, #tpu.memory_space<semaphore_mem>>
        %dma_start3A_306 = arith.constant 0 : i32
        %dma_start3A_307 = arith.constant 0 : i32
        %dma_start3A_308 = tpu.memref_slice %arg8[%select_n3A_303, %dma_start3A_306, %dma_start3A_307] : memref<2x128x128xf32, #tpu.memory_space<vmem>> -> memref<1x128x128xf32, #tpu.memory_space<vmem>>
        %dma_start3A_309 = tpu.memref_squeeze %dma_start3A_308 : memref<1x128x128xf32, #tpu.memory_space<vmem>> -> memref<128x128xf32, #tpu.memory_space<vmem>>
        %dma_start3A_310 = arith.constant 0 : i32
        %dma_start3A_311 = tpu.memref_slice %arg7[%while3A_254, %run_scoped3A, %dma_start3A_310] : memref<40x1x128xi32, #tpu.memory_space<vmem>> -> memref<1x1x128xi32, #tpu.memory_space<vmem>>
        %dma_start3A_312 = tpu.memref_squeeze %dma_start3A_311 : memref<1x1x128xi32, #tpu.memory_space<vmem>> -> memref<128xi32, #tpu.memory_space<vmem>>
        %dma_start3A_313 = arith.constant 0 : i32
        %dma_start3A_314 = arith.constant 0 : i32
        %dma_start3A_315 = tpu.memref_slice %arg10[%dma_start3A_313, %dma_start3A_314] : memref<10240x128xf32, #tpu.memory_space<vmem_shared>> -> memref<10240x128xf32, #tpu.memory_space<vmem_shared>>
        tpu.enqueue_indirect_dma source(%dma_start3A_309 : memref<128x128xf32, #tpu.memory_space<vmem>>) target(%dma_start3A_315 : memref<10240x128xf32, #tpu.memory_space<vmem_shared>>) offsets(%dma_start3A_312 : memref<128xi32, #tpu.memory_space<vmem>>) semaphore(%run_scoped3A_305 : memref<!tpu.dma_semaphore, #tpu.memory_space<semaphore_mem>>) {add = true}
        %dma_wait3A_316 = arith.constant 0 : i32
        %dma_wait3A_317 = arith.constant 0 : i32
        %dma_wait3A_318 = tpu.memref_slice %arg8[%select_n3A_303, %dma_wait3A_316, %dma_wait3A_317] : memref<2x128x128xf32, #tpu.memory_space<vmem>> -> memref<1x128x128xf32, #tpu.memory_space<vmem>>
        %dma_wait3A_319 = tpu.memref_squeeze %dma_wait3A_318 : memref<1x128x128xf32, #tpu.memory_space<vmem>> -> memref<128x128xf32, #tpu.memory_space<vmem>>
        %dma_wait3A_320 = arith.constant 0 : i32
        %dma_wait3A_321 = tpu.memref_slice %arg7[%while3A_254, %run_scoped3A, %dma_wait3A_320] : memref<40x1x128xi32, #tpu.memory_space<vmem>> -> memref<1x1x128xi32, #tpu.memory_space<vmem>>
        %dma_wait3A_322 = tpu.memref_squeeze %dma_wait3A_321 : memref<1x1x128xi32, #tpu.memory_space<vmem>> -> memref<128xi32, #tpu.memory_space<vmem>>
        %dma_wait3A_323 = arith.constant 0 : i32
        %dma_wait3A_324 = arith.constant 0 : i32
        %dma_wait3A_325 = tpu.memref_slice %arg10[%dma_wait3A_323, %dma_wait3A_324] : memref<10240x128xf32, #tpu.memory_space<vmem_shared>> -> memref<10240x128xf32, #tpu.memory_space<vmem_shared>>
        tpu.wait_indirect_dma semaphore(%run_scoped3A_305 : memref<!tpu.dma_semaphore, #tpu.memory_space<semaphore_mem>>) src(%dma_wait3A_319 : memref<128x128xf32, #tpu.memory_space<vmem>>) dst(%dma_wait3A_325 : memref<10240x128xf32, #tpu.memory_space<vmem_shared>>)
        tpu.yield
      }) : () -> ()
      %while3A_304 = arith.constant 0 : i32
      scf.yield %while3A_304 : i32
    }
    %add3A_129 = arith.addi %add3A_5, %add3A_8 : i32
    %sub3A_130 = arith.constant 40 : i32
    %sub3A_131 = arith.subi %add3A_129, %sub3A_130 : i32
    %sub3A_132 = arith.constant 80 : i32
    %sub3A_133 = arith.subi %sub3A_132, %add3A_8 : i32
    "tpu.region"() ({
      %run_scoped3A = tpu.sem_alloc : memref<!tpu.dma_semaphore, #tpu.memory_space<semaphore_mem>>
      %dma_start3A_254 = arith.constant 0 : i32
      %dma_start3A_255 = arith.constant 0 : i32
      %dma_start3A_256 = tpu.memref_slice %arg3[%sub3A_131, %dma_start3A_254, %dma_start3A_255] : memref<2500x1x128xi32, #tpu.memory_space<hbm>> -> memref<40x1x128xi32, #tpu.memory_space<hbm>>
      %dma_start3A_257 = arith.constant 0 : i32
      %dma_start3A_258 = arith.constant 0 : i32
      %dma_start3A_259 = tpu.memref_slice %arg3[%sub3A_131, %dma_start3A_257, %dma_start3A_258] : memref<2500x1x128xi32, #tpu.memory_space<hbm>> -> memref<40x1x128xi32, #tpu.memory_space<hbm>>
      tpu.enqueue_dma source(%dma_start3A_259 : memref<40x1x128xi32, #tpu.memory_space<hbm>>) target(%arg6 : memref<40x1x128xi32, #tpu.memory_space<vmem>>) target_semaphore(%run_scoped3A : memref<!tpu.dma_semaphore, #tpu.memory_space<semaphore_mem>>)
      %dma_wait3A = arith.constant 0 : i32
      %dma_wait3A_260 = arith.constant 0 : i32
      %dma_wait3A_261 = tpu.memref_slice %arg3[%sub3A_131, %dma_wait3A, %dma_wait3A_260] : memref<2500x1x128xi32, #tpu.memory_space<hbm>> -> memref<40x1x128xi32, #tpu.memory_space<hbm>>
      %dma_wait3A_262 = arith.constant 0 : i32
      %dma_wait3A_263 = arith.constant 0 : i32
      %dma_wait3A_264 = tpu.memref_slice %arg3[%sub3A_131, %dma_wait3A_262, %dma_wait3A_263] : memref<2500x1x128xi32, #tpu.memory_space<hbm>> -> memref<40x1x128xi32, #tpu.memory_space<hbm>>
      tpu.wait_dma2 semaphore(%run_scoped3A : memref<!tpu.dma_semaphore, #tpu.memory_space<semaphore_mem>>) src(%dma_wait3A_264 : memref<40x1x128xi32, #tpu.memory_space<hbm>>) dst(%arg6 : memref<40x1x128xi32, #tpu.memory_space<vmem>>)
      tpu.yield
    }) : () -> ()
    "tpu.region"() ({
      %run_scoped3A = tpu.sem_alloc : memref<!tpu.dma_semaphore, #tpu.memory_space<semaphore_mem>>
      %dma_start3A_254 = arith.constant 0 : i32
      %dma_start3A_255 = arith.constant 0 : i32
      %dma_start3A_256 = tpu.memref_slice %arg4[%sub3A_131, %dma_start3A_254, %dma_start3A_255] : memref<2500x1x128xi32, #tpu.memory_space<hbm>> -> memref<40x1x128xi32, #tpu.memory_space<hbm>>
      %dma_start3A_257 = arith.constant 0 : i32
      %dma_start3A_258 = arith.constant 0 : i32
      %dma_start3A_259 = tpu.memref_slice %arg4[%sub3A_131, %dma_start3A_257, %dma_start3A_258] : memref<2500x1x128xi32, #tpu.memory_space<hbm>> -> memref<40x1x128xi32, #tpu.memory_space<hbm>>
      tpu.enqueue_dma source(%dma_start3A_259 : memref<40x1x128xi32, #tpu.memory_space<hbm>>) target(%arg7 : memref<40x1x128xi32, #tpu.memory_space<vmem>>) target_semaphore(%run_scoped3A : memref<!tpu.dma_semaphore, #tpu.memory_space<semaphore_mem>>)
      %dma_wait3A = arith.constant 0 : i32
      %dma_wait3A_260 = arith.constant 0 : i32
      %dma_wait3A_261 = tpu.memref_slice %arg4[%sub3A_131, %dma_wait3A, %dma_wait3A_260] : memref<2500x1x128xi32, #tpu.memory_space<hbm>> -> memref<40x1x128xi32, #tpu.memory_space<hbm>>
      %dma_wait3A_262 = arith.constant 0 : i32
      %dma_wait3A_263 = arith.constant 0 : i32
      %dma_wait3A_264 = tpu.memref_slice %arg4[%sub3A_131, %dma_wait3A_262, %dma_wait3A_263] : memref<2500x1x128xi32, #tpu.memory_space<hbm>> -> memref<40x1x128xi32, #tpu.memory_space<hbm>>
      tpu.wait_dma2 semaphore(%run_scoped3A : memref<!tpu.dma_semaphore, #tpu.memory_space<semaphore_mem>>) src(%dma_wait3A_264 : memref<40x1x128xi32, #tpu.memory_space<hbm>>) dst(%arg7 : memref<40x1x128xi32, #tpu.memory_space<vmem>>)
      tpu.yield
    }) : () -> ()
    %jit3A_134 = arith.constant 2 : i32
    %eq3A_135 = arith.constant 0 : i32
    %eq3A_136 = arith.cmpi eq, %jit3A_134, %eq3A_135 : i32
    %jit3A_137 = arith.constant 1 : i32
    %select_n3A_138 = arith.select %eq3A_136, %jit3A_137, %jit3A_134 : i32
    %rem3A_139 = arith.remsi %sub3A_133, %select_n3A_138 : i32
    %ne3A_140 = arith.constant 0 : i32
    %ne3A_141 = arith.cmpi ne, %rem3A_139, %ne3A_140 : i32
    %lt3A_142 = arith.constant 0 : i32
    %lt3A_143 = arith.cmpi slt, %rem3A_139, %lt3A_142 : i32
    %lt3A_144 = arith.constant 0 : i32
    %lt3A_145 = arith.cmpi slt, %select_n3A_138, %lt3A_144 : i32
    %ne3A_146 = arith.xori %lt3A_143, %lt3A_145 : i1
    %and3A_147 = arith.andi %ne3A_146, %ne3A_141 : i1
    %add3A_148 = arith.addi %rem3A_139, %select_n3A_138 : i32
    %select_n3A_149 = arith.select %and3A_147, %add3A_148, %rem3A_139 : i32
    %dma_start3A_150 = arith.constant 0 : i32
    %dma_start3A_151 = arith.constant 0 : i32
    %dma_start3A_152 = arith.constant 0 : i32
    %dma_start3A_153 = tpu.memref_slice %arg8[%select_n3A_149, %dma_start3A_151, %dma_start3A_152] : memref<2x128x128xf32, #tpu.memory_space<vmem>> -> memref<1x128x128xf32, #tpu.memory_space<vmem>>
    %dma_start3A_154 = tpu.memref_squeeze %dma_start3A_153 : memref<1x128x128xf32, #tpu.memory_space<vmem>> -> memref<128x128xf32, #tpu.memory_space<vmem>>
    %dma_start3A_155 = arith.constant 0 : i32
    %dma_start3A_156 = tpu.memref_slice %arg6[%sub3A_133, %dma_start3A_150, %dma_start3A_155] : memref<40x1x128xi32, #tpu.memory_space<vmem>> -> memref<1x1x128xi32, #tpu.memory_space<vmem>>
    %dma_start3A_157 = tpu.memref_squeeze %dma_start3A_156 : memref<1x1x128xi32, #tpu.memory_space<vmem>> -> memref<128xi32, #tpu.memory_space<vmem>>
    %dma_start3A_158 = arith.constant 0 : i32
    %dma_start3A_159 = arith.constant 0 : i32
    %dma_start3A_160 = tpu.memref_slice %arg2[%dma_start3A_158, %dma_start3A_159] : memref<10000x128xf32, #tpu.memory_space<hbm>> -> memref<10000x128xf32, #tpu.memory_space<hbm>>
    tpu.enqueue_indirect_dma source(%dma_start3A_160 : memref<10000x128xf32, #tpu.memory_space<hbm>>) target(%dma_start3A_154 : memref<128x128xf32, #tpu.memory_space<vmem>>) offsets(%dma_start3A_157 : memref<128xi32, #tpu.memory_space<vmem>>) semaphore(%arg11 : memref<!tpu.dma_semaphore, #tpu.memory_space<semaphore_mem>>)
    %while3A_161 = arith.constant 40 : i32
    %while3A_162 = arith.constant 0 : i32
    %while3A_163 = arith.subi %while3A_161, %sub3A_133 : i32
    %while3A_164 = arith.addi %sub3A_133, %while3A_163 : i32
    %while3A_165 = arith.constant 1 : i32
    %while3A_166 = arith.divsi %while3A_163, %while3A_165 : i32
    %while3A_167 = arith.muli %while3A_166, %while3A_165 : i32
    %while3A_168 = arith.addi %sub3A_133, %while3A_167 : i32
    %while3A_169 = arith.constant 1 : i32
    %while3A_170 = scf.for %while3A_254 = %sub3A_133 to %while3A_168 step %while3A_169 iter_args(%while3A_255 = %while3A_162) -> (i32)  : i32 {
      %add3A_256 = arith.constant 1 : i32
      %add3A_257 = arith.addi %while3A_254, %add3A_256 : i32
      %lt3A_258 = arith.constant 40 : i32
      %lt3A_259 = arith.cmpi slt, %add3A_257, %lt3A_258 : i32
      %convert_element_type3A_260 = arith.extui %lt3A_259 : i1 to i32
      %cond3A = arith.constant 0 : i32
      %cond3A_261 = arith.cmpi ne, %convert_element_type3A_260, %cond3A : i32
      scf.if %cond3A_261 {
        %add3A_305 = arith.constant 1 : i32
        %add3A_306 = arith.addi %while3A_254, %add3A_305 : i32
        %add3A_307 = arith.constant 1 : i32
        %add3A_308 = arith.addi %while3A_254, %add3A_307 : i32
        %jit3A_309 = arith.constant 2 : i32
        %eq3A_310 = arith.constant 0 : i32
        %eq3A_311 = arith.cmpi eq, %jit3A_309, %eq3A_310 : i32
        %jit3A_312 = arith.constant 1 : i32
        %select_n3A_313 = arith.select %eq3A_311, %jit3A_312, %jit3A_309 : i32
        %rem3A_314 = arith.remsi %add3A_308, %select_n3A_313 : i32
        %ne3A_315 = arith.constant 0 : i32
        %ne3A_316 = arith.cmpi ne, %rem3A_314, %ne3A_315 : i32
        %lt3A_317 = arith.constant 0 : i32
        %lt3A_318 = arith.cmpi slt, %rem3A_314, %lt3A_317 : i32
        %lt3A_319 = arith.constant 0 : i32
        %lt3A_320 = arith.cmpi slt, %select_n3A_313, %lt3A_319 : i32
        %ne3A_321 = arith.xori %lt3A_318, %lt3A_320 : i1
        %and3A_322 = arith.andi %ne3A_321, %ne3A_316 : i1
        %add3A_323 = arith.addi %rem3A_314, %select_n3A_313 : i32
        %select_n3A_324 = arith.select %and3A_322, %add3A_323, %rem3A_314 : i32
        %dma_start3A_325 = arith.constant 0 : i32
        %dma_start3A_326 = arith.constant 0 : i32
        %dma_start3A_327 = arith.constant 0 : i32
        %dma_start3A_328 = tpu.memref_slice %arg8[%select_n3A_324, %dma_start3A_326, %dma_start3A_327] : memref<2x128x128xf32, #tpu.memory_space<vmem>> -> memref<1x128x128xf32, #tpu.memory_space<vmem>>
        %dma_start3A_329 = tpu.memref_squeeze %dma_start3A_328 : memref<1x128x128xf32, #tpu.memory_space<vmem>> -> memref<128x128xf32, #tpu.memory_space<vmem>>
        %dma_start3A_330 = arith.constant 0 : i32
        %dma_start3A_331 = tpu.memref_slice %arg6[%add3A_306, %dma_start3A_325, %dma_start3A_330] : memref<40x1x128xi32, #tpu.memory_space<vmem>> -> memref<1x1x128xi32, #tpu.memory_space<vmem>>
        %dma_start3A_332 = tpu.memref_squeeze %dma_start3A_331 : memref<1x1x128xi32, #tpu.memory_space<vmem>> -> memref<128xi32, #tpu.memory_space<vmem>>
        %dma_start3A_333 = arith.constant 0 : i32
        %dma_start3A_334 = arith.constant 0 : i32
        %dma_start3A_335 = tpu.memref_slice %arg2[%dma_start3A_333, %dma_start3A_334] : memref<10000x128xf32, #tpu.memory_space<hbm>> -> memref<10000x128xf32, #tpu.memory_space<hbm>>
        tpu.enqueue_indirect_dma source(%dma_start3A_335 : memref<10000x128xf32, #tpu.memory_space<hbm>>) target(%dma_start3A_329 : memref<128x128xf32, #tpu.memory_space<vmem>>) offsets(%dma_start3A_332 : memref<128xi32, #tpu.memory_space<vmem>>) semaphore(%arg11 : memref<!tpu.dma_semaphore, #tpu.memory_space<semaphore_mem>>)
      } else {
      }
      %jit3A_262 = arith.constant 2 : i32
      %eq3A_263 = arith.constant 0 : i32
      %eq3A_264 = arith.cmpi eq, %jit3A_262, %eq3A_263 : i32
      %jit3A_265 = arith.constant 1 : i32
      %select_n3A_266 = arith.select %eq3A_264, %jit3A_265, %jit3A_262 : i32
      %rem3A_267 = arith.remsi %while3A_254, %select_n3A_266 : i32
      %ne3A_268 = arith.constant 0 : i32
      %ne3A_269 = arith.cmpi ne, %rem3A_267, %ne3A_268 : i32
      %lt3A_270 = arith.constant 0 : i32
      %lt3A_271 = arith.cmpi slt, %rem3A_267, %lt3A_270 : i32
      %lt3A_272 = arith.constant 0 : i32
      %lt3A_273 = arith.cmpi slt, %select_n3A_266, %lt3A_272 : i32
      %ne3A_274 = arith.xori %lt3A_271, %lt3A_273 : i1
      %and3A_275 = arith.andi %ne3A_274, %ne3A_269 : i1
      %add3A_276 = arith.addi %rem3A_267, %select_n3A_266 : i32
      %select_n3A_277 = arith.select %and3A_275, %add3A_276, %rem3A_267 : i32
      %dma_wait3A = arith.constant 0 : i32
      %dma_wait3A_278 = arith.constant 0 : i32
      %dma_wait3A_279 = arith.constant 0 : i32
      %dma_wait3A_280 = tpu.memref_slice %arg8[%select_n3A_277, %dma_wait3A_278, %dma_wait3A_279] : memref<2x128x128xf32, #tpu.memory_space<vmem>> -> memref<1x128x128xf32, #tpu.memory_space<vmem>>
      %dma_wait3A_281 = tpu.memref_squeeze %dma_wait3A_280 : memref<1x128x128xf32, #tpu.memory_space<vmem>> -> memref<128x128xf32, #tpu.memory_space<vmem>>
      %dma_wait3A_282 = arith.constant 0 : i32
      %dma_wait3A_283 = tpu.memref_slice %arg6[%while3A_254, %dma_wait3A, %dma_wait3A_282] : memref<40x1x128xi32, #tpu.memory_space<vmem>> -> memref<1x1x128xi32, #tpu.memory_space<vmem>>
      %dma_wait3A_284 = tpu.memref_squeeze %dma_wait3A_283 : memref<1x1x128xi32, #tpu.memory_space<vmem>> -> memref<128xi32, #tpu.memory_space<vmem>>
      %dma_wait3A_285 = arith.constant 0 : i32
      %dma_wait3A_286 = arith.constant 0 : i32
      %dma_wait3A_287 = tpu.memref_slice %arg2[%dma_wait3A_285, %dma_wait3A_286] : memref<10000x128xf32, #tpu.memory_space<hbm>> -> memref<10000x128xf32, #tpu.memory_space<hbm>>
      tpu.wait_indirect_dma semaphore(%arg11 : memref<!tpu.dma_semaphore, #tpu.memory_space<semaphore_mem>>) src(%dma_wait3A_287 : memref<10000x128xf32, #tpu.memory_space<hbm>>) dst(%dma_wait3A_281 : memref<128x128xf32, #tpu.memory_space<vmem>>)
      %jit3A_288 = arith.constant 2 : i32
      %eq3A_289 = arith.constant 0 : i32
      %eq3A_290 = arith.cmpi eq, %jit3A_288, %eq3A_289 : i32
      %jit3A_291 = arith.constant 1 : i32
      %select_n3A_292 = arith.select %eq3A_290, %jit3A_291, %jit3A_288 : i32
      %rem3A_293 = arith.remsi %while3A_254, %select_n3A_292 : i32
      %ne3A_294 = arith.constant 0 : i32
      %ne3A_295 = arith.cmpi ne, %rem3A_293, %ne3A_294 : i32
      %lt3A_296 = arith.constant 0 : i32
      %lt3A_297 = arith.cmpi slt, %rem3A_293, %lt3A_296 : i32
      %lt3A_298 = arith.constant 0 : i32
      %lt3A_299 = arith.cmpi slt, %select_n3A_292, %lt3A_298 : i32
      %ne3A_300 = arith.xori %lt3A_297, %lt3A_299 : i1
      %and3A_301 = arith.andi %ne3A_300, %ne3A_295 : i1
      %add3A_302 = arith.addi %rem3A_293, %select_n3A_292 : i32
      %select_n3A_303 = arith.select %and3A_301, %add3A_302, %rem3A_293 : i32
      %run_scoped3A = arith.constant 0 : i32
      "tpu.region"() ({
        %run_scoped3A_305 = tpu.sem_alloc : memref<!tpu.dma_semaphore, #tpu.memory_space<semaphore_mem>>
        %dma_start3A_306 = arith.constant 0 : i32
        %dma_start3A_307 = arith.constant 0 : i32
        %dma_start3A_308 = tpu.memref_slice %arg8[%select_n3A_303, %dma_start3A_306, %dma_start3A_307] : memref<2x128x128xf32, #tpu.memory_space<vmem>> -> memref<1x128x128xf32, #tpu.memory_space<vmem>>
        %dma_start3A_309 = tpu.memref_squeeze %dma_start3A_308 : memref<1x128x128xf32, #tpu.memory_space<vmem>> -> memref<128x128xf32, #tpu.memory_space<vmem>>
        %dma_start3A_310 = arith.constant 0 : i32
        %dma_start3A_311 = tpu.memref_slice %arg7[%while3A_254, %run_scoped3A, %dma_start3A_310] : memref<40x1x128xi32, #tpu.memory_space<vmem>> -> memref<1x1x128xi32, #tpu.memory_space<vmem>>
        %dma_start3A_312 = tpu.memref_squeeze %dma_start3A_311 : memref<1x1x128xi32, #tpu.memory_space<vmem>> -> memref<128xi32, #tpu.memory_space<vmem>>
        %dma_start3A_313 = arith.constant 0 : i32
        %dma_start3A_314 = arith.constant 0 : i32
        %dma_start3A_315 = tpu.memref_slice %arg10[%dma_start3A_313, %dma_start3A_314] : memref<10240x128xf32, #tpu.memory_space<vmem_shared>> -> memref<10240x128xf32, #tpu.memory_space<vmem_shared>>
        tpu.enqueue_indirect_dma source(%dma_start3A_309 : memref<128x128xf32, #tpu.memory_space<vmem>>) target(%dma_start3A_315 : memref<10240x128xf32, #tpu.memory_space<vmem_shared>>) offsets(%dma_start3A_312 : memref<128xi32, #tpu.memory_space<vmem>>) semaphore(%run_scoped3A_305 : memref<!tpu.dma_semaphore, #tpu.memory_space<semaphore_mem>>) {add = true}
        %dma_wait3A_316 = arith.constant 0 : i32
        %dma_wait3A_317 = arith.constant 0 : i32
        %dma_wait3A_318 = tpu.memref_slice %arg8[%select_n3A_303, %dma_wait3A_316, %dma_wait3A_317] : memref<2x128x128xf32, #tpu.memory_space<vmem>> -> memref<1x128x128xf32, #tpu.memory_space<vmem>>
        %dma_wait3A_319 = tpu.memref_squeeze %dma_wait3A_318 : memref<1x128x128xf32, #tpu.memory_space<vmem>> -> memref<128x128xf32, #tpu.memory_space<vmem>>
        %dma_wait3A_320 = arith.constant 0 : i32
        %dma_wait3A_321 = tpu.memref_slice %arg7[%while3A_254, %run_scoped3A, %dma_wait3A_320] : memref<40x1x128xi32, #tpu.memory_space<vmem>> -> memref<1x1x128xi32, #tpu.memory_space<vmem>>
        %dma_wait3A_322 = tpu.memref_squeeze %dma_wait3A_321 : memref<1x1x128xi32, #tpu.memory_space<vmem>> -> memref<128xi32, #tpu.memory_space<vmem>>
        %dma_wait3A_323 = arith.constant 0 : i32
        %dma_wait3A_324 = arith.constant 0 : i32
        %dma_wait3A_325 = tpu.memref_slice %arg10[%dma_wait3A_323, %dma_wait3A_324] : memref<10240x128xf32, #tpu.memory_space<vmem_shared>> -> memref<10240x128xf32, #tpu.memory_space<vmem_shared>>
        tpu.wait_indirect_dma semaphore(%run_scoped3A_305 : memref<!tpu.dma_semaphore, #tpu.memory_space<semaphore_mem>>) src(%dma_wait3A_319 : memref<128x128xf32, #tpu.memory_space<vmem>>) dst(%dma_wait3A_325 : memref<10240x128xf32, #tpu.memory_space<vmem_shared>>)
        tpu.yield
      }) : () -> ()
      %while3A_304 = arith.constant 0 : i32
      scf.yield %while3A_304 : i32
    }
    %while3A_171 = arith.constant 1 : i32
    %while3A_172 = scf.for %while3A_254 = %while3A_168 to %while3A_164 step %while3A_171 iter_args(%while3A_255 = %while3A_170) -> (i32)  : i32 {
      %add3A_256 = arith.constant 1 : i32
      %add3A_257 = arith.addi %while3A_254, %add3A_256 : i32
      %lt3A_258 = arith.constant 40 : i32
      %lt3A_259 = arith.cmpi slt, %add3A_257, %lt3A_258 : i32
      %convert_element_type3A_260 = arith.extui %lt3A_259 : i1 to i32
      %cond3A = arith.constant 0 : i32
      %cond3A_261 = arith.cmpi ne, %convert_element_type3A_260, %cond3A : i32
      scf.if %cond3A_261 {
        %add3A_305 = arith.constant 1 : i32
        %add3A_306 = arith.addi %while3A_254, %add3A_305 : i32
        %add3A_307 = arith.constant 1 : i32
        %add3A_308 = arith.addi %while3A_254, %add3A_307 : i32
        %jit3A_309 = arith.constant 2 : i32
        %eq3A_310 = arith.constant 0 : i32
        %eq3A_311 = arith.cmpi eq, %jit3A_309, %eq3A_310 : i32
        %jit3A_312 = arith.constant 1 : i32
        %select_n3A_313 = arith.select %eq3A_311, %jit3A_312, %jit3A_309 : i32
        %rem3A_314 = arith.remsi %add3A_308, %select_n3A_313 : i32
        %ne3A_315 = arith.constant 0 : i32
        %ne3A_316 = arith.cmpi ne, %rem3A_314, %ne3A_315 : i32
        %lt3A_317 = arith.constant 0 : i32
        %lt3A_318 = arith.cmpi slt, %rem3A_314, %lt3A_317 : i32
        %lt3A_319 = arith.constant 0 : i32
        %lt3A_320 = arith.cmpi slt, %select_n3A_313, %lt3A_319 : i32
        %ne3A_321 = arith.xori %lt3A_318, %lt3A_320 : i1
        %and3A_322 = arith.andi %ne3A_321, %ne3A_316 : i1
        %add3A_323 = arith.addi %rem3A_314, %select_n3A_313 : i32
        %select_n3A_324 = arith.select %and3A_322, %add3A_323, %rem3A_314 : i32
        %dma_start3A_325 = arith.constant 0 : i32
        %dma_start3A_326 = arith.constant 0 : i32
        %dma_start3A_327 = arith.constant 0 : i32
        %dma_start3A_328 = tpu.memref_slice %arg8[%select_n3A_324, %dma_start3A_326, %dma_start3A_327] : memref<2x128x128xf32, #tpu.memory_space<vmem>> -> memref<1x128x128xf32, #tpu.memory_space<vmem>>
        %dma_start3A_329 = tpu.memref_squeeze %dma_start3A_328 : memref<1x128x128xf32, #tpu.memory_space<vmem>> -> memref<128x128xf32, #tpu.memory_space<vmem>>
        %dma_start3A_330 = arith.constant 0 : i32
        %dma_start3A_331 = tpu.memref_slice %arg6[%add3A_306, %dma_start3A_325, %dma_start3A_330] : memref<40x1x128xi32, #tpu.memory_space<vmem>> -> memref<1x1x128xi32, #tpu.memory_space<vmem>>
        %dma_start3A_332 = tpu.memref_squeeze %dma_start3A_331 : memref<1x1x128xi32, #tpu.memory_space<vmem>> -> memref<128xi32, #tpu.memory_space<vmem>>
        %dma_start3A_333 = arith.constant 0 : i32
        %dma_start3A_334 = arith.constant 0 : i32
        %dma_start3A_335 = tpu.memref_slice %arg2[%dma_start3A_333, %dma_start3A_334] : memref<10000x128xf32, #tpu.memory_space<hbm>> -> memref<10000x128xf32, #tpu.memory_space<hbm>>
        tpu.enqueue_indirect_dma source(%dma_start3A_335 : memref<10000x128xf32, #tpu.memory_space<hbm>>) target(%dma_start3A_329 : memref<128x128xf32, #tpu.memory_space<vmem>>) offsets(%dma_start3A_332 : memref<128xi32, #tpu.memory_space<vmem>>) semaphore(%arg11 : memref<!tpu.dma_semaphore, #tpu.memory_space<semaphore_mem>>)
      } else {
      }
      %jit3A_262 = arith.constant 2 : i32
      %eq3A_263 = arith.constant 0 : i32
      %eq3A_264 = arith.cmpi eq, %jit3A_262, %eq3A_263 : i32
      %jit3A_265 = arith.constant 1 : i32
      %select_n3A_266 = arith.select %eq3A_264, %jit3A_265, %jit3A_262 : i32
      %rem3A_267 = arith.remsi %while3A_254, %select_n3A_266 : i32
      %ne3A_268 = arith.constant 0 : i32
      %ne3A_269 = arith.cmpi ne, %rem3A_267, %ne3A_268 : i32
      %lt3A_270 = arith.constant 0 : i32
      %lt3A_271 = arith.cmpi slt, %rem3A_267, %lt3A_270 : i32
      %lt3A_272 = arith.constant 0 : i32
      %lt3A_273 = arith.cmpi slt, %select_n3A_266, %lt3A_272 : i32
      %ne3A_274 = arith.xori %lt3A_271, %lt3A_273 : i1
      %and3A_275 = arith.andi %ne3A_274, %ne3A_269 : i1
      %add3A_276 = arith.addi %rem3A_267, %select_n3A_266 : i32
      %select_n3A_277 = arith.select %and3A_275, %add3A_276, %rem3A_267 : i32
      %dma_wait3A = arith.constant 0 : i32
      %dma_wait3A_278 = arith.constant 0 : i32
      %dma_wait3A_279 = arith.constant 0 : i32
      %dma_wait3A_280 = tpu.memref_slice %arg8[%select_n3A_277, %dma_wait3A_278, %dma_wait3A_279] : memref<2x128x128xf32, #tpu.memory_space<vmem>> -> memref<1x128x128xf32, #tpu.memory_space<vmem>>
      %dma_wait3A_281 = tpu.memref_squeeze %dma_wait3A_280 : memref<1x128x128xf32, #tpu.memory_space<vmem>> -> memref<128x128xf32, #tpu.memory_space<vmem>>
      %dma_wait3A_282 = arith.constant 0 : i32
      %dma_wait3A_283 = tpu.memref_slice %arg6[%while3A_254, %dma_wait3A, %dma_wait3A_282] : memref<40x1x128xi32, #tpu.memory_space<vmem>> -> memref<1x1x128xi32, #tpu.memory_space<vmem>>
      %dma_wait3A_284 = tpu.memref_squeeze %dma_wait3A_283 : memref<1x1x128xi32, #tpu.memory_space<vmem>> -> memref<128xi32, #tpu.memory_space<vmem>>
      %dma_wait3A_285 = arith.constant 0 : i32
      %dma_wait3A_286 = arith.constant 0 : i32
      %dma_wait3A_287 = tpu.memref_slice %arg2[%dma_wait3A_285, %dma_wait3A_286] : memref<10000x128xf32, #tpu.memory_space<hbm>> -> memref<10000x128xf32, #tpu.memory_space<hbm>>
      tpu.wait_indirect_dma semaphore(%arg11 : memref<!tpu.dma_semaphore, #tpu.memory_space<semaphore_mem>>) src(%dma_wait3A_287 : memref<10000x128xf32, #tpu.memory_space<hbm>>) dst(%dma_wait3A_281 : memref<128x128xf32, #tpu.memory_space<vmem>>)
      %jit3A_288 = arith.constant 2 : i32
      %eq3A_289 = arith.constant 0 : i32
      %eq3A_290 = arith.cmpi eq, %jit3A_288, %eq3A_289 : i32
      %jit3A_291 = arith.constant 1 : i32
      %select_n3A_292 = arith.select %eq3A_290, %jit3A_291, %jit3A_288 : i32
      %rem3A_293 = arith.remsi %while3A_254, %select_n3A_292 : i32
      %ne3A_294 = arith.constant 0 : i32
      %ne3A_295 = arith.cmpi ne, %rem3A_293, %ne3A_294 : i32
      %lt3A_296 = arith.constant 0 : i32
      %lt3A_297 = arith.cmpi slt, %rem3A_293, %lt3A_296 : i32
      %lt3A_298 = arith.constant 0 : i32
      %lt3A_299 = arith.cmpi slt, %select_n3A_292, %lt3A_298 : i32
      %ne3A_300 = arith.xori %lt3A_297, %lt3A_299 : i1
      %and3A_301 = arith.andi %ne3A_300, %ne3A_295 : i1
      %add3A_302 = arith.addi %rem3A_293, %select_n3A_292 : i32
      %select_n3A_303 = arith.select %and3A_301, %add3A_302, %rem3A_293 : i32
      %run_scoped3A = arith.constant 0 : i32
      "tpu.region"() ({
        %run_scoped3A_305 = tpu.sem_alloc : memref<!tpu.dma_semaphore, #tpu.memory_space<semaphore_mem>>
        %dma_start3A_306 = arith.constant 0 : i32
        %dma_start3A_307 = arith.constant 0 : i32
        %dma_start3A_308 = tpu.memref_slice %arg8[%select_n3A_303, %dma_start3A_306, %dma_start3A_307] : memref<2x128x128xf32, #tpu.memory_space<vmem>> -> memref<1x128x128xf32, #tpu.memory_space<vmem>>
        %dma_start3A_309 = tpu.memref_squeeze %dma_start3A_308 : memref<1x128x128xf32, #tpu.memory_space<vmem>> -> memref<128x128xf32, #tpu.memory_space<vmem>>
        %dma_start3A_310 = arith.constant 0 : i32
        %dma_start3A_311 = tpu.memref_slice %arg7[%while3A_254, %run_scoped3A, %dma_start3A_310] : memref<40x1x128xi32, #tpu.memory_space<vmem>> -> memref<1x1x128xi32, #tpu.memory_space<vmem>>
        %dma_start3A_312 = tpu.memref_squeeze %dma_start3A_311 : memref<1x1x128xi32, #tpu.memory_space<vmem>> -> memref<128xi32, #tpu.memory_space<vmem>>
        %dma_start3A_313 = arith.constant 0 : i32
        %dma_start3A_314 = arith.constant 0 : i32
        %dma_start3A_315 = tpu.memref_slice %arg10[%dma_start3A_313, %dma_start3A_314] : memref<10240x128xf32, #tpu.memory_space<vmem_shared>> -> memref<10240x128xf32, #tpu.memory_space<vmem_shared>>
        tpu.enqueue_indirect_dma source(%dma_start3A_309 : memref<128x128xf32, #tpu.memory_space<vmem>>) target(%dma_start3A_315 : memref<10240x128xf32, #tpu.memory_space<vmem_shared>>) offsets(%dma_start3A_312 : memref<128xi32, #tpu.memory_space<vmem>>) semaphore(%run_scoped3A_305 : memref<!tpu.dma_semaphore, #tpu.memory_space<semaphore_mem>>) {add = true}
        %dma_wait3A_316 = arith.constant 0 : i32
        %dma_wait3A_317 = arith.constant 0 : i32
        %dma_wait3A_318 = tpu.memref_slice %arg8[%select_n3A_303, %dma_wait3A_316, %dma_wait3A_317] : memref<2x128x128xf32, #tpu.memory_space<vmem>> -> memref<1x128x128xf32, #tpu.memory_space<vmem>>
        %dma_wait3A_319 = tpu.memref_squeeze %dma_wait3A_318 : memref<1x128x128xf32, #tpu.memory_space<vmem>> -> memref<128x128xf32, #tpu.memory_space<vmem>>
        %dma_wait3A_320 = arith.constant 0 : i32
        %dma_wait3A_321 = tpu.memref_slice %arg7[%while3A_254, %run_scoped3A, %dma_wait3A_320] : memref<40x1x128xi32, #tpu.memory_space<vmem>> -> memref<1x1x128xi32, #tpu.memory_space<vmem>>
        %dma_wait3A_322 = tpu.memref_squeeze %dma_wait3A_321 : memref<1x1x128xi32, #tpu.memory_space<vmem>> -> memref<128xi32, #tpu.memory_space<vmem>>
        %dma_wait3A_323 = arith.constant 0 : i32
        %dma_wait3A_324 = arith.constant 0 : i32
        %dma_wait3A_325 = tpu.memref_slice %arg10[%dma_wait3A_323, %dma_wait3A_324] : memref<10240x128xf32, #tpu.memory_space<vmem_shared>> -> memref<10240x128xf32, #tpu.memory_space<vmem_shared>>
        tpu.wait_indirect_dma semaphore(%run_scoped3A_305 : memref<!tpu.dma_semaphore, #tpu.memory_space<semaphore_mem>>) src(%dma_wait3A_319 : memref<128x128xf32, #tpu.memory_space<vmem>>) dst(%dma_wait3A_325 : memref<10240x128xf32, #tpu.memory_space<vmem_shared>>)
        tpu.yield
      }) : () -> ()
      %while3A_304 = arith.constant 0 : i32
      scf.yield %while3A_304 : i32
    }
    %barrier3A_173 = arith.constant 0 : index
    tpu.barrier barrier_id(%barrier3A_173)
    %mul3A_174 = arith.constant 640 : i32
    %mul3A_175 = arith.muli %arg1, %mul3A_174 : i32
    %add3A_176 = arith.constant 0 : i32
    %add3A_177 = arith.addi %mul3A_175, %add3A_176 : i32
    "tpu.region"() ({
      %run_scoped3A = tpu.sem_alloc : memref<!tpu.dma_semaphore, #tpu.memory_space<semaphore_mem>>
      %dma_start3A_254 = arith.constant 0 : i32
      %dma_start3A_255 = tpu.memref_slice %arg5[%arg0, %add3A_177, %dma_start3A_254] : memref<2x10240x128xf32, #tpu.memory_space<hbm>> -> memref<1x32x128xf32, #tpu.memory_space<hbm>>
      %dma_start3A_256 = tpu.memref_squeeze %dma_start3A_255 : memref<1x32x128xf32, #tpu.memory_space<hbm>> -> memref<32x128xf32, #tpu.memory_space<hbm>>
      %dma_start3A_257 = arith.constant 0 : i32
      %dma_start3A_258 = tpu.memref_slice %arg10[%add3A_177, %dma_start3A_257] : memref<10240x128xf32, #tpu.memory_space<vmem_shared>> -> memref<32x128xf32, #tpu.memory_space<vmem_shared>>
      tpu.enqueue_dma source(%dma_start3A_258 : memref<32x128xf32, #tpu.memory_space<vmem_shared>>) target(%dma_start3A_256 : memref<32x128xf32, #tpu.memory_space<hbm>>) target_semaphore(%run_scoped3A : memref<!tpu.dma_semaphore, #tpu.memory_space<semaphore_mem>>)
      %dma_wait3A = arith.constant 0 : i32
      %dma_wait3A_259 = tpu.memref_slice %arg5[%arg0, %add3A_177, %dma_wait3A] : memref<2x10240x128xf32, #tpu.memory_space<hbm>> -> memref<1x32x128xf32, #tpu.memory_space<hbm>>
      %dma_wait3A_260 = tpu.memref_squeeze %dma_wait3A_259 : memref<1x32x128xf32, #tpu.memory_space<hbm>> -> memref<32x128xf32, #tpu.memory_space<hbm>>
      %dma_wait3A_261 = arith.constant 0 : i32
      %dma_wait3A_262 = tpu.memref_slice %arg10[%add3A_177, %dma_wait3A_261] : memref<10240x128xf32, #tpu.memory_space<vmem_shared>> -> memref<32x128xf32, #tpu.memory_space<vmem_shared>>
      tpu.wait_dma2 semaphore(%run_scoped3A : memref<!tpu.dma_semaphore, #tpu.memory_space<semaphore_mem>>) src(%dma_wait3A_262 : memref<32x128xf32, #tpu.memory_space<vmem_shared>>) dst(%dma_wait3A_260 : memref<32x128xf32, #tpu.memory_space<hbm>>)
      tpu.yield
    }) : () -> ()
    %mul3A_178 = arith.constant 640 : i32
    %mul3A_179 = arith.muli %arg1, %mul3A_178 : i32
    %add3A_180 = arith.constant 32 : i32
    %add3A_181 = arith.addi %mul3A_179, %add3A_180 : i32
    "tpu.region"() ({
      %run_scoped3A = tpu.sem_alloc : memref<!tpu.dma_semaphore, #tpu.memory_space<semaphore_mem>>
      %dma_start3A_254 = arith.constant 0 : i32
      %dma_start3A_255 = tpu.memref_slice %arg5[%arg0, %add3A_181, %dma_start3A_254] : memref<2x10240x128xf32, #tpu.memory_space<hbm>> -> memref<1x32x128xf32, #tpu.memory_space<hbm>>
      %dma_start3A_256 = tpu.memref_squeeze %dma_start3A_255 : memref<1x32x128xf32, #tpu.memory_space<hbm>> -> memref<32x128xf32, #tpu.memory_space<hbm>>
      %dma_start3A_257 = arith.constant 0 : i32
      %dma_start3A_258 = tpu.memref_slice %arg10[%add3A_181, %dma_start3A_257] : memref<10240x128xf32, #tpu.memory_space<vmem_shared>> -> memref<32x128xf32, #tpu.memory_space<vmem_shared>>
      tpu.enqueue_dma source(%dma_start3A_258 : memref<32x128xf32, #tpu.memory_space<vmem_shared>>) target(%dma_start3A_256 : memref<32x128xf32, #tpu.memory_space<hbm>>) target_semaphore(%run_scoped3A : memref<!tpu.dma_semaphore, #tpu.memory_space<semaphore_mem>>)
      %dma_wait3A = arith.constant 0 : i32
      %dma_wait3A_259 = tpu.memref_slice %arg5[%arg0, %add3A_181, %dma_wait3A] : memref<2x10240x128xf32, #tpu.memory_space<hbm>> -> memref<1x32x128xf32, #tpu.memory_space<hbm>>
      %dma_wait3A_260 = tpu.memref_squeeze %dma_wait3A_259 : memref<1x32x128xf32, #tpu.memory_space<hbm>> -> memref<32x128xf32, #tpu.memory_space<hbm>>
      %dma_wait3A_261 = arith.constant 0 : i32
      %dma_wait3A_262 = tpu.memref_slice %arg10[%add3A_181, %dma_wait3A_261] : memref<10240x128xf32, #tpu.memory_space<vmem_shared>> -> memref<32x128xf32, #tpu.memory_space<vmem_shared>>
      tpu.wait_dma2 semaphore(%run_scoped3A : memref<!tpu.dma_semaphore, #tpu.memory_space<semaphore_mem>>) src(%dma_wait3A_262 : memref<32x128xf32, #tpu.memory_space<vmem_shared>>) dst(%dma_wait3A_260 : memref<32x128xf32, #tpu.memory_space<hbm>>)
      tpu.yield
    }) : () -> ()
    %mul3A_182 = arith.constant 640 : i32
    %mul3A_183 = arith.muli %arg1, %mul3A_182 : i32
    %add3A_184 = arith.constant 64 : i32
    %add3A_185 = arith.addi %mul3A_183, %add3A_184 : i32
    "tpu.region"() ({
      %run_scoped3A = tpu.sem_alloc : memref<!tpu.dma_semaphore, #tpu.memory_space<semaphore_mem>>
      %dma_start3A_254 = arith.constant 0 : i32
      %dma_start3A_255 = tpu.memref_slice %arg5[%arg0, %add3A_185, %dma_start3A_254] : memref<2x10240x128xf32, #tpu.memory_space<hbm>> -> memref<1x32x128xf32, #tpu.memory_space<hbm>>
      %dma_start3A_256 = tpu.memref_squeeze %dma_start3A_255 : memref<1x32x128xf32, #tpu.memory_space<hbm>> -> memref<32x128xf32, #tpu.memory_space<hbm>>
      %dma_start3A_257 = arith.constant 0 : i32
      %dma_start3A_258 = tpu.memref_slice %arg10[%add3A_185, %dma_start3A_257] : memref<10240x128xf32, #tpu.memory_space<vmem_shared>> -> memref<32x128xf32, #tpu.memory_space<vmem_shared>>
      tpu.enqueue_dma source(%dma_start3A_258 : memref<32x128xf32, #tpu.memory_space<vmem_shared>>) target(%dma_start3A_256 : memref<32x128xf32, #tpu.memory_space<hbm>>) target_semaphore(%run_scoped3A : memref<!tpu.dma_semaphore, #tpu.memory_space<semaphore_mem>>)
      %dma_wait3A = arith.constant 0 : i32
      %dma_wait3A_259 = tpu.memref_slice %arg5[%arg0, %add3A_185, %dma_wait3A] : memref<2x10240x128xf32, #tpu.memory_space<hbm>> -> memref<1x32x128xf32, #tpu.memory_space<hbm>>
      %dma_wait3A_260 = tpu.memref_squeeze %dma_wait3A_259 : memref<1x32x128xf32, #tpu.memory_space<hbm>> -> memref<32x128xf32, #tpu.memory_space<hbm>>
      %dma_wait3A_261 = arith.constant 0 : i32
      %dma_wait3A_262 = tpu.memref_slice %arg10[%add3A_185, %dma_wait3A_261] : memref<10240x128xf32, #tpu.memory_space<vmem_shared>> -> memref<32x128xf32, #tpu.memory_space<vmem_shared>>
      tpu.wait_dma2 semaphore(%run_scoped3A : memref<!tpu.dma_semaphore, #tpu.memory_space<semaphore_mem>>) src(%dma_wait3A_262 : memref<32x128xf32, #tpu.memory_space<vmem_shared>>) dst(%dma_wait3A_260 : memref<32x128xf32, #tpu.memory_space<hbm>>)
      tpu.yield
    }) : () -> ()
    %mul3A_186 = arith.constant 640 : i32
    %mul3A_187 = arith.muli %arg1, %mul3A_186 : i32
    %add3A_188 = arith.constant 96 : i32
    %add3A_189 = arith.addi %mul3A_187, %add3A_188 : i32
    "tpu.region"() ({
      %run_scoped3A = tpu.sem_alloc : memref<!tpu.dma_semaphore, #tpu.memory_space<semaphore_mem>>
      %dma_start3A_254 = arith.constant 0 : i32
      %dma_start3A_255 = tpu.memref_slice %arg5[%arg0, %add3A_189, %dma_start3A_254] : memref<2x10240x128xf32, #tpu.memory_space<hbm>> -> memref<1x32x128xf32, #tpu.memory_space<hbm>>
      %dma_start3A_256 = tpu.memref_squeeze %dma_start3A_255 : memref<1x32x128xf32, #tpu.memory_space<hbm>> -> memref<32x128xf32, #tpu.memory_space<hbm>>
      %dma_start3A_257 = arith.constant 0 : i32
      %dma_start3A_258 = tpu.memref_slice %arg10[%add3A_189, %dma_start3A_257] : memref<10240x128xf32, #tpu.memory_space<vmem_shared>> -> memref<32x128xf32, #tpu.memory_space<vmem_shared>>
      tpu.enqueue_dma source(%dma_start3A_258 : memref<32x128xf32, #tpu.memory_space<vmem_shared>>) target(%dma_start3A_256 : memref<32x128xf32, #tpu.memory_space<hbm>>) target_semaphore(%run_scoped3A : memref<!tpu.dma_semaphore, #tpu.memory_space<semaphore_mem>>)
      %dma_wait3A = arith.constant 0 : i32
      %dma_wait3A_259 = tpu.memref_slice %arg5[%arg0, %add3A_189, %dma_wait3A] : memref<2x10240x128xf32, #tpu.memory_space<hbm>> -> memref<1x32x128xf32, #tpu.memory_space<hbm>>
      %dma_wait3A_260 = tpu.memref_squeeze %dma_wait3A_259 : memref<1x32x128xf32, #tpu.memory_space<hbm>> -> memref<32x128xf32, #tpu.memory_space<hbm>>
      %dma_wait3A_261 = arith.constant 0 : i32
      %dma_wait3A_262 = tpu.memref_slice %arg10[%add3A_189, %dma_wait3A_261] : memref<10240x128xf32, #tpu.memory_space<vmem_shared>> -> memref<32x128xf32, #tpu.memory_space<vmem_shared>>
      tpu.wait_dma2 semaphore(%run_scoped3A : memref<!tpu.dma_semaphore, #tpu.memory_space<semaphore_mem>>) src(%dma_wait3A_262 : memref<32x128xf32, #tpu.memory_space<vmem_shared>>) dst(%dma_wait3A_260 : memref<32x128xf32, #tpu.memory_space<hbm>>)
      tpu.yield
    }) : () -> ()
    %mul3A_190 = arith.constant 640 : i32
    %mul3A_191 = arith.muli %arg1, %mul3A_190 : i32
    %add3A_192 = arith.constant 128 : i32
    %add3A_193 = arith.addi %mul3A_191, %add3A_192 : i32
    "tpu.region"() ({
      %run_scoped3A = tpu.sem_alloc : memref<!tpu.dma_semaphore, #tpu.memory_space<semaphore_mem>>
      %dma_start3A_254 = arith.constant 0 : i32
      %dma_start3A_255 = tpu.memref_slice %arg5[%arg0, %add3A_193, %dma_start3A_254] : memref<2x10240x128xf32, #tpu.memory_space<hbm>> -> memref<1x32x128xf32, #tpu.memory_space<hbm>>
      %dma_start3A_256 = tpu.memref_squeeze %dma_start3A_255 : memref<1x32x128xf32, #tpu.memory_space<hbm>> -> memref<32x128xf32, #tpu.memory_space<hbm>>
      %dma_start3A_257 = arith.constant 0 : i32
      %dma_start3A_258 = tpu.memref_slice %arg10[%add3A_193, %dma_start3A_257] : memref<10240x128xf32, #tpu.memory_space<vmem_shared>> -> memref<32x128xf32, #tpu.memory_space<vmem_shared>>
      tpu.enqueue_dma source(%dma_start3A_258 : memref<32x128xf32, #tpu.memory_space<vmem_shared>>) target(%dma_start3A_256 : memref<32x128xf32, #tpu.memory_space<hbm>>) target_semaphore(%run_scoped3A : memref<!tpu.dma_semaphore, #tpu.memory_space<semaphore_mem>>)
      %dma_wait3A = arith.constant 0 : i32
      %dma_wait3A_259 = tpu.memref_slice %arg5[%arg0, %add3A_193, %dma_wait3A] : memref<2x10240x128xf32, #tpu.memory_space<hbm>> -> memref<1x32x128xf32, #tpu.memory_space<hbm>>
      %dma_wait3A_260 = tpu.memref_squeeze %dma_wait3A_259 : memref<1x32x128xf32, #tpu.memory_space<hbm>> -> memref<32x128xf32, #tpu.memory_space<hbm>>
      %dma_wait3A_261 = arith.constant 0 : i32
      %dma_wait3A_262 = tpu.memref_slice %arg10[%add3A_193, %dma_wait3A_261] : memref<10240x128xf32, #tpu.memory_space<vmem_shared>> -> memref<32x128xf32, #tpu.memory_space<vmem_shared>>
      tpu.wait_dma2 semaphore(%run_scoped3A : memref<!tpu.dma_semaphore, #tpu.memory_space<semaphore_mem>>) src(%dma_wait3A_262 : memref<32x128xf32, #tpu.memory_space<vmem_shared>>) dst(%dma_wait3A_260 : memref<32x128xf32, #tpu.memory_space<hbm>>)
      tpu.yield
    }) : () -> ()
    %mul3A_194 = arith.constant 640 : i32
    %mul3A_195 = arith.muli %arg1, %mul3A_194 : i32
    %add3A_196 = arith.constant 160 : i32
    %add3A_197 = arith.addi %mul3A_195, %add3A_196 : i32
    "tpu.region"() ({
      %run_scoped3A = tpu.sem_alloc : memref<!tpu.dma_semaphore, #tpu.memory_space<semaphore_mem>>
      %dma_start3A_254 = arith.constant 0 : i32
      %dma_start3A_255 = tpu.memref_slice %arg5[%arg0, %add3A_197, %dma_start3A_254] : memref<2x10240x128xf32, #tpu.memory_space<hbm>> -> memref<1x32x128xf32, #tpu.memory_space<hbm>>
      %dma_start3A_256 = tpu.memref_squeeze %dma_start3A_255 : memref<1x32x128xf32, #tpu.memory_space<hbm>> -> memref<32x128xf32, #tpu.memory_space<hbm>>
      %dma_start3A_257 = arith.constant 0 : i32
      %dma_start3A_258 = tpu.memref_slice %arg10[%add3A_197, %dma_start3A_257] : memref<10240x128xf32, #tpu.memory_space<vmem_shared>> -> memref<32x128xf32, #tpu.memory_space<vmem_shared>>
      tpu.enqueue_dma source(%dma_start3A_258 : memref<32x128xf32, #tpu.memory_space<vmem_shared>>) target(%dma_start3A_256 : memref<32x128xf32, #tpu.memory_space<hbm>>) target_semaphore(%run_scoped3A : memref<!tpu.dma_semaphore, #tpu.memory_space<semaphore_mem>>)
      %dma_wait3A = arith.constant 0 : i32
      %dma_wait3A_259 = tpu.memref_slice %arg5[%arg0, %add3A_197, %dma_wait3A] : memref<2x10240x128xf32, #tpu.memory_space<hbm>> -> memref<1x32x128xf32, #tpu.memory_space<hbm>>
      %dma_wait3A_260 = tpu.memref_squeeze %dma_wait3A_259 : memref<1x32x128xf32, #tpu.memory_space<hbm>> -> memref<32x128xf32, #tpu.memory_space<hbm>>
      %dma_wait3A_261 = arith.constant 0 : i32
      %dma_wait3A_262 = tpu.memref_slice %arg10[%add3A_197, %dma_wait3A_261] : memref<10240x128xf32, #tpu.memory_space<vmem_shared>> -> memref<32x128xf32, #tpu.memory_space<vmem_shared>>
      tpu.wait_dma2 semaphore(%run_scoped3A : memref<!tpu.dma_semaphore, #tpu.memory_space<semaphore_mem>>) src(%dma_wait3A_262 : memref<32x128xf32, #tpu.memory_space<vmem_shared>>) dst(%dma_wait3A_260 : memref<32x128xf32, #tpu.memory_space<hbm>>)
      tpu.yield
    }) : () -> ()
    %mul3A_198 = arith.constant 640 : i32
    %mul3A_199 = arith.muli %arg1, %mul3A_198 : i32
    %add3A_200 = arith.constant 192 : i32
    %add3A_201 = arith.addi %mul3A_199, %add3A_200 : i32
    "tpu.region"() ({
      %run_scoped3A = tpu.sem_alloc : memref<!tpu.dma_semaphore, #tpu.memory_space<semaphore_mem>>
      %dma_start3A_254 = arith.constant 0 : i32
      %dma_start3A_255 = tpu.memref_slice %arg5[%arg0, %add3A_201, %dma_start3A_254] : memref<2x10240x128xf32, #tpu.memory_space<hbm>> -> memref<1x32x128xf32, #tpu.memory_space<hbm>>
      %dma_start3A_256 = tpu.memref_squeeze %dma_start3A_255 : memref<1x32x128xf32, #tpu.memory_space<hbm>> -> memref<32x128xf32, #tpu.memory_space<hbm>>
      %dma_start3A_257 = arith.constant 0 : i32
      %dma_start3A_258 = tpu.memref_slice %arg10[%add3A_201, %dma_start3A_257] : memref<10240x128xf32, #tpu.memory_space<vmem_shared>> -> memref<32x128xf32, #tpu.memory_space<vmem_shared>>
      tpu.enqueue_dma source(%dma_start3A_258 : memref<32x128xf32, #tpu.memory_space<vmem_shared>>) target(%dma_start3A_256 : memref<32x128xf32, #tpu.memory_space<hbm>>) target_semaphore(%run_scoped3A : memref<!tpu.dma_semaphore, #tpu.memory_space<semaphore_mem>>)
      %dma_wait3A = arith.constant 0 : i32
      %dma_wait3A_259 = tpu.memref_slice %arg5[%arg0, %add3A_201, %dma_wait3A] : memref<2x10240x128xf32, #tpu.memory_space<hbm>> -> memref<1x32x128xf32, #tpu.memory_space<hbm>>
      %dma_wait3A_260 = tpu.memref_squeeze %dma_wait3A_259 : memref<1x32x128xf32, #tpu.memory_space<hbm>> -> memref<32x128xf32, #tpu.memory_space<hbm>>
      %dma_wait3A_261 = arith.constant 0 : i32
      %dma_wait3A_262 = tpu.memref_slice %arg10[%add3A_201, %dma_wait3A_261] : memref<10240x128xf32, #tpu.memory_space<vmem_shared>> -> memref<32x128xf32, #tpu.memory_space<vmem_shared>>
      tpu.wait_dma2 semaphore(%run_scoped3A : memref<!tpu.dma_semaphore, #tpu.memory_space<semaphore_mem>>) src(%dma_wait3A_262 : memref<32x128xf32, #tpu.memory_space<vmem_shared>>) dst(%dma_wait3A_260 : memref<32x128xf32, #tpu.memory_space<hbm>>)
      tpu.yield
    }) : () -> ()
    %mul3A_202 = arith.constant 640 : i32
    %mul3A_203 = arith.muli %arg1, %mul3A_202 : i32
    %add3A_204 = arith.constant 224 : i32
    %add3A_205 = arith.addi %mul3A_203, %add3A_204 : i32
    "tpu.region"() ({
      %run_scoped3A = tpu.sem_alloc : memref<!tpu.dma_semaphore, #tpu.memory_space<semaphore_mem>>
      %dma_start3A_254 = arith.constant 0 : i32
      %dma_start3A_255 = tpu.memref_slice %arg5[%arg0, %add3A_205, %dma_start3A_254] : memref<2x10240x128xf32, #tpu.memory_space<hbm>> -> memref<1x32x128xf32, #tpu.memory_space<hbm>>
      %dma_start3A_256 = tpu.memref_squeeze %dma_start3A_255 : memref<1x32x128xf32, #tpu.memory_space<hbm>> -> memref<32x128xf32, #tpu.memory_space<hbm>>
      %dma_start3A_257 = arith.constant 0 : i32
      %dma_start3A_258 = tpu.memref_slice %arg10[%add3A_205, %dma_start3A_257] : memref<10240x128xf32, #tpu.memory_space<vmem_shared>> -> memref<32x128xf32, #tpu.memory_space<vmem_shared>>
      tpu.enqueue_dma source(%dma_start3A_258 : memref<32x128xf32, #tpu.memory_space<vmem_shared>>) target(%dma_start3A_256 : memref<32x128xf32, #tpu.memory_space<hbm>>) target_semaphore(%run_scoped3A : memref<!tpu.dma_semaphore, #tpu.memory_space<semaphore_mem>>)
      %dma_wait3A = arith.constant 0 : i32
      %dma_wait3A_259 = tpu.memref_slice %arg5[%arg0, %add3A_205, %dma_wait3A] : memref<2x10240x128xf32, #tpu.memory_space<hbm>> -> memref<1x32x128xf32, #tpu.memory_space<hbm>>
      %dma_wait3A_260 = tpu.memref_squeeze %dma_wait3A_259 : memref<1x32x128xf32, #tpu.memory_space<hbm>> -> memref<32x128xf32, #tpu.memory_space<hbm>>
      %dma_wait3A_261 = arith.constant 0 : i32
      %dma_wait3A_262 = tpu.memref_slice %arg10[%add3A_205, %dma_wait3A_261] : memref<10240x128xf32, #tpu.memory_space<vmem_shared>> -> memref<32x128xf32, #tpu.memory_space<vmem_shared>>
      tpu.wait_dma2 semaphore(%run_scoped3A : memref<!tpu.dma_semaphore, #tpu.memory_space<semaphore_mem>>) src(%dma_wait3A_262 : memref<32x128xf32, #tpu.memory_space<vmem_shared>>) dst(%dma_wait3A_260 : memref<32x128xf32, #tpu.memory_space<hbm>>)
      tpu.yield
    }) : () -> ()
    %mul3A_206 = arith.constant 640 : i32
    %mul3A_207 = arith.muli %arg1, %mul3A_206 : i32
    %add3A_208 = arith.constant 256 : i32
    %add3A_209 = arith.addi %mul3A_207, %add3A_208 : i32
    "tpu.region"() ({
      %run_scoped3A = tpu.sem_alloc : memref<!tpu.dma_semaphore, #tpu.memory_space<semaphore_mem>>
      %dma_start3A_254 = arith.constant 0 : i32
      %dma_start3A_255 = tpu.memref_slice %arg5[%arg0, %add3A_209, %dma_start3A_254] : memref<2x10240x128xf32, #tpu.memory_space<hbm>> -> memref<1x32x128xf32, #tpu.memory_space<hbm>>
      %dma_start3A_256 = tpu.memref_squeeze %dma_start3A_255 : memref<1x32x128xf32, #tpu.memory_space<hbm>> -> memref<32x128xf32, #tpu.memory_space<hbm>>
      %dma_start3A_257 = arith.constant 0 : i32
      %dma_start3A_258 = tpu.memref_slice %arg10[%add3A_209, %dma_start3A_257] : memref<10240x128xf32, #tpu.memory_space<vmem_shared>> -> memref<32x128xf32, #tpu.memory_space<vmem_shared>>
      tpu.enqueue_dma source(%dma_start3A_258 : memref<32x128xf32, #tpu.memory_space<vmem_shared>>) target(%dma_start3A_256 : memref<32x128xf32, #tpu.memory_space<hbm>>) target_semaphore(%run_scoped3A : memref<!tpu.dma_semaphore, #tpu.memory_space<semaphore_mem>>)
      %dma_wait3A = arith.constant 0 : i32
      %dma_wait3A_259 = tpu.memref_slice %arg5[%arg0, %add3A_209, %dma_wait3A] : memref<2x10240x128xf32, #tpu.memory_space<hbm>> -> memref<1x32x128xf32, #tpu.memory_space<hbm>>
      %dma_wait3A_260 = tpu.memref_squeeze %dma_wait3A_259 : memref<1x32x128xf32, #tpu.memory_space<hbm>> -> memref<32x128xf32, #tpu.memory_space<hbm>>
      %dma_wait3A_261 = arith.constant 0 : i32
      %dma_wait3A_262 = tpu.memref_slice %arg10[%add3A_209, %dma_wait3A_261] : memref<10240x128xf32, #tpu.memory_space<vmem_shared>> -> memref<32x128xf32, #tpu.memory_space<vmem_shared>>
      tpu.wait_dma2 semaphore(%run_scoped3A : memref<!tpu.dma_semaphore, #tpu.memory_space<semaphore_mem>>) src(%dma_wait3A_262 : memref<32x128xf32, #tpu.memory_space<vmem_shared>>) dst(%dma_wait3A_260 : memref<32x128xf32, #tpu.memory_space<hbm>>)
      tpu.yield
    }) : () -> ()
    %mul3A_210 = arith.constant 640 : i32
    %mul3A_211 = arith.muli %arg1, %mul3A_210 : i32
    %add3A_212 = arith.constant 288 : i32
    %add3A_213 = arith.addi %mul3A_211, %add3A_212 : i32
    "tpu.region"() ({
      %run_scoped3A = tpu.sem_alloc : memref<!tpu.dma_semaphore, #tpu.memory_space<semaphore_mem>>
      %dma_start3A_254 = arith.constant 0 : i32
      %dma_start3A_255 = tpu.memref_slice %arg5[%arg0, %add3A_213, %dma_start3A_254] : memref<2x10240x128xf32, #tpu.memory_space<hbm>> -> memref<1x32x128xf32, #tpu.memory_space<hbm>>
      %dma_start3A_256 = tpu.memref_squeeze %dma_start3A_255 : memref<1x32x128xf32, #tpu.memory_space<hbm>> -> memref<32x128xf32, #tpu.memory_space<hbm>>
      %dma_start3A_257 = arith.constant 0 : i32
      %dma_start3A_258 = tpu.memref_slice %arg10[%add3A_213, %dma_start3A_257] : memref<10240x128xf32, #tpu.memory_space<vmem_shared>> -> memref<32x128xf32, #tpu.memory_space<vmem_shared>>
      tpu.enqueue_dma source(%dma_start3A_258 : memref<32x128xf32, #tpu.memory_space<vmem_shared>>) target(%dma_start3A_256 : memref<32x128xf32, #tpu.memory_space<hbm>>) target_semaphore(%run_scoped3A : memref<!tpu.dma_semaphore, #tpu.memory_space<semaphore_mem>>)
      %dma_wait3A = arith.constant 0 : i32
      %dma_wait3A_259 = tpu.memref_slice %arg5[%arg0, %add3A_213, %dma_wait3A] : memref<2x10240x128xf32, #tpu.memory_space<hbm>> -> memref<1x32x128xf32, #tpu.memory_space<hbm>>
      %dma_wait3A_260 = tpu.memref_squeeze %dma_wait3A_259 : memref<1x32x128xf32, #tpu.memory_space<hbm>> -> memref<32x128xf32, #tpu.memory_space<hbm>>
      %dma_wait3A_261 = arith.constant 0 : i32
      %dma_wait3A_262 = tpu.memref_slice %arg10[%add3A_213, %dma_wait3A_261] : memref<10240x128xf32, #tpu.memory_space<vmem_shared>> -> memref<32x128xf32, #tpu.memory_space<vmem_shared>>
      tpu.wait_dma2 semaphore(%run_scoped3A : memref<!tpu.dma_semaphore, #tpu.memory_space<semaphore_mem>>) src(%dma_wait3A_262 : memref<32x128xf32, #tpu.memory_space<vmem_shared>>) dst(%dma_wait3A_260 : memref<32x128xf32, #tpu.memory_space<hbm>>)
      tpu.yield
    }) : () -> ()
    %mul3A_214 = arith.constant 640 : i32
    %mul3A_215 = arith.muli %arg1, %mul3A_214 : i32
    %add3A_216 = arith.constant 320 : i32
    %add3A_217 = arith.addi %mul3A_215, %add3A_216 : i32
    "tpu.region"() ({
      %run_scoped3A = tpu.sem_alloc : memref<!tpu.dma_semaphore, #tpu.memory_space<semaphore_mem>>
      %dma_start3A_254 = arith.constant 0 : i32
      %dma_start3A_255 = tpu.memref_slice %arg5[%arg0, %add3A_217, %dma_start3A_254] : memref<2x10240x128xf32, #tpu.memory_space<hbm>> -> memref<1x32x128xf32, #tpu.memory_space<hbm>>
      %dma_start3A_256 = tpu.memref_squeeze %dma_start3A_255 : memref<1x32x128xf32, #tpu.memory_space<hbm>> -> memref<32x128xf32, #tpu.memory_space<hbm>>
      %dma_start3A_257 = arith.constant 0 : i32
      %dma_start3A_258 = tpu.memref_slice %arg10[%add3A_217, %dma_start3A_257] : memref<10240x128xf32, #tpu.memory_space<vmem_shared>> -> memref<32x128xf32, #tpu.memory_space<vmem_shared>>
      tpu.enqueue_dma source(%dma_start3A_258 : memref<32x128xf32, #tpu.memory_space<vmem_shared>>) target(%dma_start3A_256 : memref<32x128xf32, #tpu.memory_space<hbm>>) target_semaphore(%run_scoped3A : memref<!tpu.dma_semaphore, #tpu.memory_space<semaphore_mem>>)
      %dma_wait3A = arith.constant 0 : i32
      %dma_wait3A_259 = tpu.memref_slice %arg5[%arg0, %add3A_217, %dma_wait3A] : memref<2x10240x128xf32, #tpu.memory_space<hbm>> -> memref<1x32x128xf32, #tpu.memory_space<hbm>>
      %dma_wait3A_260 = tpu.memref_squeeze %dma_wait3A_259 : memref<1x32x128xf32, #tpu.memory_space<hbm>> -> memref<32x128xf32, #tpu.memory_space<hbm>>
      %dma_wait3A_261 = arith.constant 0 : i32
      %dma_wait3A_262 = tpu.memref_slice %arg10[%add3A_217, %dma_wait3A_261] : memref<10240x128xf32, #tpu.memory_space<vmem_shared>> -> memref<32x128xf32, #tpu.memory_space<vmem_shared>>
      tpu.wait_dma2 semaphore(%run_scoped3A : memref<!tpu.dma_semaphore, #tpu.memory_space<semaphore_mem>>) src(%dma_wait3A_262 : memref<32x128xf32, #tpu.memory_space<vmem_shared>>) dst(%dma_wait3A_260 : memref<32x128xf32, #tpu.memory_space<hbm>>)
      tpu.yield
    }) : () -> ()
    %mul3A_218 = arith.constant 640 : i32
    %mul3A_219 = arith.muli %arg1, %mul3A_218 : i32
    %add3A_220 = arith.constant 352 : i32
    %add3A_221 = arith.addi %mul3A_219, %add3A_220 : i32
    "tpu.region"() ({
      %run_scoped3A = tpu.sem_alloc : memref<!tpu.dma_semaphore, #tpu.memory_space<semaphore_mem>>
      %dma_start3A_254 = arith.constant 0 : i32
      %dma_start3A_255 = tpu.memref_slice %arg5[%arg0, %add3A_221, %dma_start3A_254] : memref<2x10240x128xf32, #tpu.memory_space<hbm>> -> memref<1x32x128xf32, #tpu.memory_space<hbm>>
      %dma_start3A_256 = tpu.memref_squeeze %dma_start3A_255 : memref<1x32x128xf32, #tpu.memory_space<hbm>> -> memref<32x128xf32, #tpu.memory_space<hbm>>
      %dma_start3A_257 = arith.constant 0 : i32
      %dma_start3A_258 = tpu.memref_slice %arg10[%add3A_221, %dma_start3A_257] : memref<10240x128xf32, #tpu.memory_space<vmem_shared>> -> memref<32x128xf32, #tpu.memory_space<vmem_shared>>
      tpu.enqueue_dma source(%dma_start3A_258 : memref<32x128xf32, #tpu.memory_space<vmem_shared>>) target(%dma_start3A_256 : memref<32x128xf32, #tpu.memory_space<hbm>>) target_semaphore(%run_scoped3A : memref<!tpu.dma_semaphore, #tpu.memory_space<semaphore_mem>>)
      %dma_wait3A = arith.constant 0 : i32
      %dma_wait3A_259 = tpu.memref_slice %arg5[%arg0, %add3A_221, %dma_wait3A] : memref<2x10240x128xf32, #tpu.memory_space<hbm>> -> memref<1x32x128xf32, #tpu.memory_space<hbm>>
      %dma_wait3A_260 = tpu.memref_squeeze %dma_wait3A_259 : memref<1x32x128xf32, #tpu.memory_space<hbm>> -> memref<32x128xf32, #tpu.memory_space<hbm>>
      %dma_wait3A_261 = arith.constant 0 : i32
      %dma_wait3A_262 = tpu.memref_slice %arg10[%add3A_221, %dma_wait3A_261] : memref<10240x128xf32, #tpu.memory_space<vmem_shared>> -> memref<32x128xf32, #tpu.memory_space<vmem_shared>>
      tpu.wait_dma2 semaphore(%run_scoped3A : memref<!tpu.dma_semaphore, #tpu.memory_space<semaphore_mem>>) src(%dma_wait3A_262 : memref<32x128xf32, #tpu.memory_space<vmem_shared>>) dst(%dma_wait3A_260 : memref<32x128xf32, #tpu.memory_space<hbm>>)
      tpu.yield
    }) : () -> ()
    %mul3A_222 = arith.constant 640 : i32
    %mul3A_223 = arith.muli %arg1, %mul3A_222 : i32
    %add3A_224 = arith.constant 384 : i32
    %add3A_225 = arith.addi %mul3A_223, %add3A_224 : i32
    "tpu.region"() ({
      %run_scoped3A = tpu.sem_alloc : memref<!tpu.dma_semaphore, #tpu.memory_space<semaphore_mem>>
      %dma_start3A_254 = arith.constant 0 : i32
      %dma_start3A_255 = tpu.memref_slice %arg5[%arg0, %add3A_225, %dma_start3A_254] : memref<2x10240x128xf32, #tpu.memory_space<hbm>> -> memref<1x32x128xf32, #tpu.memory_space<hbm>>
      %dma_start3A_256 = tpu.memref_squeeze %dma_start3A_255 : memref<1x32x128xf32, #tpu.memory_space<hbm>> -> memref<32x128xf32, #tpu.memory_space<hbm>>
      %dma_start3A_257 = arith.constant 0 : i32
      %dma_start3A_258 = tpu.memref_slice %arg10[%add3A_225, %dma_start3A_257] : memref<10240x128xf32, #tpu.memory_space<vmem_shared>> -> memref<32x128xf32, #tpu.memory_space<vmem_shared>>
      tpu.enqueue_dma source(%dma_start3A_258 : memref<32x128xf32, #tpu.memory_space<vmem_shared>>) target(%dma_start3A_256 : memref<32x128xf32, #tpu.memory_space<hbm>>) target_semaphore(%run_scoped3A : memref<!tpu.dma_semaphore, #tpu.memory_space<semaphore_mem>>)
      %dma_wait3A = arith.constant 0 : i32
      %dma_wait3A_259 = tpu.memref_slice %arg5[%arg0, %add3A_225, %dma_wait3A] : memref<2x10240x128xf32, #tpu.memory_space<hbm>> -> memref<1x32x128xf32, #tpu.memory_space<hbm>>
      %dma_wait3A_260 = tpu.memref_squeeze %dma_wait3A_259 : memref<1x32x128xf32, #tpu.memory_space<hbm>> -> memref<32x128xf32, #tpu.memory_space<hbm>>
      %dma_wait3A_261 = arith.constant 0 : i32
      %dma_wait3A_262 = tpu.memref_slice %arg10[%add3A_225, %dma_wait3A_261] : memref<10240x128xf32, #tpu.memory_space<vmem_shared>> -> memref<32x128xf32, #tpu.memory_space<vmem_shared>>
      tpu.wait_dma2 semaphore(%run_scoped3A : memref<!tpu.dma_semaphore, #tpu.memory_space<semaphore_mem>>) src(%dma_wait3A_262 : memref<32x128xf32, #tpu.memory_space<vmem_shared>>) dst(%dma_wait3A_260 : memref<32x128xf32, #tpu.memory_space<hbm>>)
      tpu.yield
    }) : () -> ()
    %mul3A_226 = arith.constant 640 : i32
    %mul3A_227 = arith.muli %arg1, %mul3A_226 : i32
    %add3A_228 = arith.constant 416 : i32
    %add3A_229 = arith.addi %mul3A_227, %add3A_228 : i32
    "tpu.region"() ({
      %run_scoped3A = tpu.sem_alloc : memref<!tpu.dma_semaphore, #tpu.memory_space<semaphore_mem>>
      %dma_start3A_254 = arith.constant 0 : i32
      %dma_start3A_255 = tpu.memref_slice %arg5[%arg0, %add3A_229, %dma_start3A_254] : memref<2x10240x128xf32, #tpu.memory_space<hbm>> -> memref<1x32x128xf32, #tpu.memory_space<hbm>>
      %dma_start3A_256 = tpu.memref_squeeze %dma_start3A_255 : memref<1x32x128xf32, #tpu.memory_space<hbm>> -> memref<32x128xf32, #tpu.memory_space<hbm>>
      %dma_start3A_257 = arith.constant 0 : i32
      %dma_start3A_258 = tpu.memref_slice %arg10[%add3A_229, %dma_start3A_257] : memref<10240x128xf32, #tpu.memory_space<vmem_shared>> -> memref<32x128xf32, #tpu.memory_space<vmem_shared>>
      tpu.enqueue_dma source(%dma_start3A_258 : memref<32x128xf32, #tpu.memory_space<vmem_shared>>) target(%dma_start3A_256 : memref<32x128xf32, #tpu.memory_space<hbm>>) target_semaphore(%run_scoped3A : memref<!tpu.dma_semaphore, #tpu.memory_space<semaphore_mem>>)
      %dma_wait3A = arith.constant 0 : i32
      %dma_wait3A_259 = tpu.memref_slice %arg5[%arg0, %add3A_229, %dma_wait3A] : memref<2x10240x128xf32, #tpu.memory_space<hbm>> -> memref<1x32x128xf32, #tpu.memory_space<hbm>>
      %dma_wait3A_260 = tpu.memref_squeeze %dma_wait3A_259 : memref<1x32x128xf32, #tpu.memory_space<hbm>> -> memref<32x128xf32, #tpu.memory_space<hbm>>
      %dma_wait3A_261 = arith.constant 0 : i32
      %dma_wait3A_262 = tpu.memref_slice %arg10[%add3A_229, %dma_wait3A_261] : memref<10240x128xf32, #tpu.memory_space<vmem_shared>> -> memref<32x128xf32, #tpu.memory_space<vmem_shared>>
      tpu.wait_dma2 semaphore(%run_scoped3A : memref<!tpu.dma_semaphore, #tpu.memory_space<semaphore_mem>>) src(%dma_wait3A_262 : memref<32x128xf32, #tpu.memory_space<vmem_shared>>) dst(%dma_wait3A_260 : memref<32x128xf32, #tpu.memory_space<hbm>>)
      tpu.yield
    }) : () -> ()
    %mul3A_230 = arith.constant 640 : i32
    %mul3A_231 = arith.muli %arg1, %mul3A_230 : i32
    %add3A_232 = arith.constant 448 : i32
    %add3A_233 = arith.addi %mul3A_231, %add3A_232 : i32
    "tpu.region"() ({
      %run_scoped3A = tpu.sem_alloc : memref<!tpu.dma_semaphore, #tpu.memory_space<semaphore_mem>>
      %dma_start3A_254 = arith.constant 0 : i32
      %dma_start3A_255 = tpu.memref_slice %arg5[%arg0, %add3A_233, %dma_start3A_254] : memref<2x10240x128xf32, #tpu.memory_space<hbm>> -> memref<1x32x128xf32, #tpu.memory_space<hbm>>
      %dma_start3A_256 = tpu.memref_squeeze %dma_start3A_255 : memref<1x32x128xf32, #tpu.memory_space<hbm>> -> memref<32x128xf32, #tpu.memory_space<hbm>>
      %dma_start3A_257 = arith.constant 0 : i32
      %dma_start3A_258 = tpu.memref_slice %arg10[%add3A_233, %dma_start3A_257] : memref<10240x128xf32, #tpu.memory_space<vmem_shared>> -> memref<32x128xf32, #tpu.memory_space<vmem_shared>>
      tpu.enqueue_dma source(%dma_start3A_258 : memref<32x128xf32, #tpu.memory_space<vmem_shared>>) target(%dma_start3A_256 : memref<32x128xf32, #tpu.memory_space<hbm>>) target_semaphore(%run_scoped3A : memref<!tpu.dma_semaphore, #tpu.memory_space<semaphore_mem>>)
      %dma_wait3A = arith.constant 0 : i32
      %dma_wait3A_259 = tpu.memref_slice %arg5[%arg0, %add3A_233, %dma_wait3A] : memref<2x10240x128xf32, #tpu.memory_space<hbm>> -> memref<1x32x128xf32, #tpu.memory_space<hbm>>
      %dma_wait3A_260 = tpu.memref_squeeze %dma_wait3A_259 : memref<1x32x128xf32, #tpu.memory_space<hbm>> -> memref<32x128xf32, #tpu.memory_space<hbm>>
      %dma_wait3A_261 = arith.constant 0 : i32
      %dma_wait3A_262 = tpu.memref_slice %arg10[%add3A_233, %dma_wait3A_261] : memref<10240x128xf32, #tpu.memory_space<vmem_shared>> -> memref<32x128xf32, #tpu.memory_space<vmem_shared>>
      tpu.wait_dma2 semaphore(%run_scoped3A : memref<!tpu.dma_semaphore, #tpu.memory_space<semaphore_mem>>) src(%dma_wait3A_262 : memref<32x128xf32, #tpu.memory_space<vmem_shared>>) dst(%dma_wait3A_260 : memref<32x128xf32, #tpu.memory_space<hbm>>)
      tpu.yield
    }) : () -> ()
    %mul3A_234 = arith.constant 640 : i32
    %mul3A_235 = arith.muli %arg1, %mul3A_234 : i32
    %add3A_236 = arith.constant 480 : i32
    %add3A_237 = arith.addi %mul3A_235, %add3A_236 : i32
    "tpu.region"() ({
      %run_scoped3A = tpu.sem_alloc : memref<!tpu.dma_semaphore, #tpu.memory_space<semaphore_mem>>
      %dma_start3A_254 = arith.constant 0 : i32
      %dma_start3A_255 = tpu.memref_slice %arg5[%arg0, %add3A_237, %dma_start3A_254] : memref<2x10240x128xf32, #tpu.memory_space<hbm>> -> memref<1x32x128xf32, #tpu.memory_space<hbm>>
      %dma_start3A_256 = tpu.memref_squeeze %dma_start3A_255 : memref<1x32x128xf32, #tpu.memory_space<hbm>> -> memref<32x128xf32, #tpu.memory_space<hbm>>
      %dma_start3A_257 = arith.constant 0 : i32
      %dma_start3A_258 = tpu.memref_slice %arg10[%add3A_237, %dma_start3A_257] : memref<10240x128xf32, #tpu.memory_space<vmem_shared>> -> memref<32x128xf32, #tpu.memory_space<vmem_shared>>
      tpu.enqueue_dma source(%dma_start3A_258 : memref<32x128xf32, #tpu.memory_space<vmem_shared>>) target(%dma_start3A_256 : memref<32x128xf32, #tpu.memory_space<hbm>>) target_semaphore(%run_scoped3A : memref<!tpu.dma_semaphore, #tpu.memory_space<semaphore_mem>>)
      %dma_wait3A = arith.constant 0 : i32
      %dma_wait3A_259 = tpu.memref_slice %arg5[%arg0, %add3A_237, %dma_wait3A] : memref<2x10240x128xf32, #tpu.memory_space<hbm>> -> memref<1x32x128xf32, #tpu.memory_space<hbm>>
      %dma_wait3A_260 = tpu.memref_squeeze %dma_wait3A_259 : memref<1x32x128xf32, #tpu.memory_space<hbm>> -> memref<32x128xf32, #tpu.memory_space<hbm>>
      %dma_wait3A_261 = arith.constant 0 : i32
      %dma_wait3A_262 = tpu.memref_slice %arg10[%add3A_237, %dma_wait3A_261] : memref<10240x128xf32, #tpu.memory_space<vmem_shared>> -> memref<32x128xf32, #tpu.memory_space<vmem_shared>>
      tpu.wait_dma2 semaphore(%run_scoped3A : memref<!tpu.dma_semaphore, #tpu.memory_space<semaphore_mem>>) src(%dma_wait3A_262 : memref<32x128xf32, #tpu.memory_space<vmem_shared>>) dst(%dma_wait3A_260 : memref<32x128xf32, #tpu.memory_space<hbm>>)
      tpu.yield
    }) : () -> ()
    %mul3A_238 = arith.constant 640 : i32
    %mul3A_239 = arith.muli %arg1, %mul3A_238 : i32
    %add3A_240 = arith.constant 512 : i32
    %add3A_241 = arith.addi %mul3A_239, %add3A_240 : i32
    "tpu.region"() ({
      %run_scoped3A = tpu.sem_alloc : memref<!tpu.dma_semaphore, #tpu.memory_space<semaphore_mem>>
      %dma_start3A_254 = arith.constant 0 : i32
      %dma_start3A_255 = tpu.memref_slice %arg5[%arg0, %add3A_241, %dma_start3A_254] : memref<2x10240x128xf32, #tpu.memory_space<hbm>> -> memref<1x32x128xf32, #tpu.memory_space<hbm>>
      %dma_start3A_256 = tpu.memref_squeeze %dma_start3A_255 : memref<1x32x128xf32, #tpu.memory_space<hbm>> -> memref<32x128xf32, #tpu.memory_space<hbm>>
      %dma_start3A_257 = arith.constant 0 : i32
      %dma_start3A_258 = tpu.memref_slice %arg10[%add3A_241, %dma_start3A_257] : memref<10240x128xf32, #tpu.memory_space<vmem_shared>> -> memref<32x128xf32, #tpu.memory_space<vmem_shared>>
      tpu.enqueue_dma source(%dma_start3A_258 : memref<32x128xf32, #tpu.memory_space<vmem_shared>>) target(%dma_start3A_256 : memref<32x128xf32, #tpu.memory_space<hbm>>) target_semaphore(%run_scoped3A : memref<!tpu.dma_semaphore, #tpu.memory_space<semaphore_mem>>)
      %dma_wait3A = arith.constant 0 : i32
      %dma_wait3A_259 = tpu.memref_slice %arg5[%arg0, %add3A_241, %dma_wait3A] : memref<2x10240x128xf32, #tpu.memory_space<hbm>> -> memref<1x32x128xf32, #tpu.memory_space<hbm>>
      %dma_wait3A_260 = tpu.memref_squeeze %dma_wait3A_259 : memref<1x32x128xf32, #tpu.memory_space<hbm>> -> memref<32x128xf32, #tpu.memory_space<hbm>>
      %dma_wait3A_261 = arith.constant 0 : i32
      %dma_wait3A_262 = tpu.memref_slice %arg10[%add3A_241, %dma_wait3A_261] : memref<10240x128xf32, #tpu.memory_space<vmem_shared>> -> memref<32x128xf32, #tpu.memory_space<vmem_shared>>
      tpu.wait_dma2 semaphore(%run_scoped3A : memref<!tpu.dma_semaphore, #tpu.memory_space<semaphore_mem>>) src(%dma_wait3A_262 : memref<32x128xf32, #tpu.memory_space<vmem_shared>>) dst(%dma_wait3A_260 : memref<32x128xf32, #tpu.memory_space<hbm>>)
      tpu.yield
    }) : () -> ()
    %mul3A_242 = arith.constant 640 : i32
    %mul3A_243 = arith.muli %arg1, %mul3A_242 : i32
    %add3A_244 = arith.constant 544 : i32
    %add3A_245 = arith.addi %mul3A_243, %add3A_244 : i32
    "tpu.region"() ({
      %run_scoped3A = tpu.sem_alloc : memref<!tpu.dma_semaphore, #tpu.memory_space<semaphore_mem>>
      %dma_start3A_254 = arith.constant 0 : i32
      %dma_start3A_255 = tpu.memref_slice %arg5[%arg0, %add3A_245, %dma_start3A_254] : memref<2x10240x128xf32, #tpu.memory_space<hbm>> -> memref<1x32x128xf32, #tpu.memory_space<hbm>>
      %dma_start3A_256 = tpu.memref_squeeze %dma_start3A_255 : memref<1x32x128xf32, #tpu.memory_space<hbm>> -> memref<32x128xf32, #tpu.memory_space<hbm>>
      %dma_start3A_257 = arith.constant 0 : i32
      %dma_start3A_258 = tpu.memref_slice %arg10[%add3A_245, %dma_start3A_257] : memref<10240x128xf32, #tpu.memory_space<vmem_shared>> -> memref<32x128xf32, #tpu.memory_space<vmem_shared>>
      tpu.enqueue_dma source(%dma_start3A_258 : memref<32x128xf32, #tpu.memory_space<vmem_shared>>) target(%dma_start3A_256 : memref<32x128xf32, #tpu.memory_space<hbm>>) target_semaphore(%run_scoped3A : memref<!tpu.dma_semaphore, #tpu.memory_space<semaphore_mem>>)
      %dma_wait3A = arith.constant 0 : i32
      %dma_wait3A_259 = tpu.memref_slice %arg5[%arg0, %add3A_245, %dma_wait3A] : memref<2x10240x128xf32, #tpu.memory_space<hbm>> -> memref<1x32x128xf32, #tpu.memory_space<hbm>>
      %dma_wait3A_260 = tpu.memref_squeeze %dma_wait3A_259 : memref<1x32x128xf32, #tpu.memory_space<hbm>> -> memref<32x128xf32, #tpu.memory_space<hbm>>
      %dma_wait3A_261 = arith.constant 0 : i32
      %dma_wait3A_262 = tpu.memref_slice %arg10[%add3A_245, %dma_wait3A_261] : memref<10240x128xf32, #tpu.memory_space<vmem_shared>> -> memref<32x128xf32, #tpu.memory_space<vmem_shared>>
      tpu.wait_dma2 semaphore(%run_scoped3A : memref<!tpu.dma_semaphore, #tpu.memory_space<semaphore_mem>>) src(%dma_wait3A_262 : memref<32x128xf32, #tpu.memory_space<vmem_shared>>) dst(%dma_wait3A_260 : memref<32x128xf32, #tpu.memory_space<hbm>>)
      tpu.yield
    }) : () -> ()
    %mul3A_246 = arith.constant 640 : i32
    %mul3A_247 = arith.muli %arg1, %mul3A_246 : i32
    %add3A_248 = arith.constant 576 : i32
    %add3A_249 = arith.addi %mul3A_247, %add3A_248 : i32
    "tpu.region"() ({
      %run_scoped3A = tpu.sem_alloc : memref<!tpu.dma_semaphore, #tpu.memory_space<semaphore_mem>>
      %dma_start3A_254 = arith.constant 0 : i32
      %dma_start3A_255 = tpu.memref_slice %arg5[%arg0, %add3A_249, %dma_start3A_254] : memref<2x10240x128xf32, #tpu.memory_space<hbm>> -> memref<1x32x128xf32, #tpu.memory_space<hbm>>
      %dma_start3A_256 = tpu.memref_squeeze %dma_start3A_255 : memref<1x32x128xf32, #tpu.memory_space<hbm>> -> memref<32x128xf32, #tpu.memory_space<hbm>>
      %dma_start3A_257 = arith.constant 0 : i32
      %dma_start3A_258 = tpu.memref_slice %arg10[%add3A_249, %dma_start3A_257] : memref<10240x128xf32, #tpu.memory_space<vmem_shared>> -> memref<32x128xf32, #tpu.memory_space<vmem_shared>>
      tpu.enqueue_dma source(%dma_start3A_258 : memref<32x128xf32, #tpu.memory_space<vmem_shared>>) target(%dma_start3A_256 : memref<32x128xf32, #tpu.memory_space<hbm>>) target_semaphore(%run_scoped3A : memref<!tpu.dma_semaphore, #tpu.memory_space<semaphore_mem>>)
      %dma_wait3A = arith.constant 0 : i32
      %dma_wait3A_259 = tpu.memref_slice %arg5[%arg0, %add3A_249, %dma_wait3A] : memref<2x10240x128xf32, #tpu.memory_space<hbm>> -> memref<1x32x128xf32, #tpu.memory_space<hbm>>
      %dma_wait3A_260 = tpu.memref_squeeze %dma_wait3A_259 : memref<1x32x128xf32, #tpu.memory_space<hbm>> -> memref<32x128xf32, #tpu.memory_space<hbm>>
      %dma_wait3A_261 = arith.constant 0 : i32
      %dma_wait3A_262 = tpu.memref_slice %arg10[%add3A_249, %dma_wait3A_261] : memref<10240x128xf32, #tpu.memory_space<vmem_shared>> -> memref<32x128xf32, #tpu.memory_space<vmem_shared>>
      tpu.wait_dma2 semaphore(%run_scoped3A : memref<!tpu.dma_semaphore, #tpu.memory_space<semaphore_mem>>) src(%dma_wait3A_262 : memref<32x128xf32, #tpu.memory_space<vmem_shared>>) dst(%dma_wait3A_260 : memref<32x128xf32, #tpu.memory_space<hbm>>)
      tpu.yield
    }) : () -> ()
    %mul3A_250 = arith.constant 640 : i32
    %mul3A_251 = arith.muli %arg1, %mul3A_250 : i32
    %add3A_252 = arith.constant 608 : i32
    %add3A_253 = arith.addi %mul3A_251, %add3A_252 : i32
    "tpu.region"() ({
      %run_scoped3A = tpu.sem_alloc : memref<!tpu.dma_semaphore, #tpu.memory_space<semaphore_mem>>
      %dma_start3A_254 = arith.constant 0 : i32
      %dma_start3A_255 = tpu.memref_slice %arg5[%arg0, %add3A_253, %dma_start3A_254] : memref<2x10240x128xf32, #tpu.memory_space<hbm>> -> memref<1x32x128xf32, #tpu.memory_space<hbm>>
      %dma_start3A_256 = tpu.memref_squeeze %dma_start3A_255 : memref<1x32x128xf32, #tpu.memory_space<hbm>> -> memref<32x128xf32, #tpu.memory_space<hbm>>
      %dma_start3A_257 = arith.constant 0 : i32
      %dma_start3A_258 = tpu.memref_slice %arg10[%add3A_253, %dma_start3A_257] : memref<10240x128xf32, #tpu.memory_space<vmem_shared>> -> memref<32x128xf32, #tpu.memory_space<vmem_shared>>
      tpu.enqueue_dma source(%dma_start3A_258 : memref<32x128xf32, #tpu.memory_space<vmem_shared>>) target(%dma_start3A_256 : memref<32x128xf32, #tpu.memory_space<hbm>>) target_semaphore(%run_scoped3A : memref<!tpu.dma_semaphore, #tpu.memory_space<semaphore_mem>>)
      %dma_wait3A = arith.constant 0 : i32
      %dma_wait3A_259 = tpu.memref_slice %arg5[%arg0, %add3A_253, %dma_wait3A] : memref<2x10240x128xf32, #tpu.memory_space<hbm>> -> memref<1x32x128xf32, #tpu.memory_space<hbm>>
      %dma_wait3A_260 = tpu.memref_squeeze %dma_wait3A_259 : memref<1x32x128xf32, #tpu.memory_space<hbm>> -> memref<32x128xf32, #tpu.memory_space<hbm>>
      %dma_wait3A_261 = arith.constant 0 : i32
      %dma_wait3A_262 = tpu.memref_slice %arg10[%add3A_253, %dma_wait3A_261] : memref<10240x128xf32, #tpu.memory_space<vmem_shared>> -> memref<32x128xf32, #tpu.memory_space<vmem_shared>>
      tpu.wait_dma2 semaphore(%run_scoped3A : memref<!tpu.dma_semaphore, #tpu.memory_space<semaphore_mem>>) src(%dma_wait3A_262 : memref<32x128xf32, #tpu.memory_space<vmem_shared>>) dst(%dma_wait3A_260 : memref<32x128xf32, #tpu.memory_space<hbm>>)
      tpu.yield
    }) : () -> ()
    return
  }
}

#map = affine_map<(d0, d1) -> (0, 0, 0)>
#map1 = affine_map<(d0, d1) -> (0)>
module attributes {stable_mosaic.version = 14 : i64} {
  func.func @_deg_kernel(%arg0: i32, %arg1: i32, %arg2: memref<2500x1x128xi32, #tpu.memory_space<hbm>>, %arg3: memref<20480xf32, #tpu.memory_space<hbm>>, %arg4: memref<79x1x128xi32, #tpu.memory_space<vmem>>, %arg5: memref<128xf32, #tpu.memory_space<vmem>>, %arg6: memref<640xf32, #tpu.memory_space<vmem>>, %arg7: memref<10240xf32, #tpu.memory_space<vmem_shared>>) attributes {dimension_semantics = [#tpu.dimension_semantics<core_parallel>, #tpu.dimension_semantics<subcore_parallel>], iteration_bounds = array<i64: 2, 16>, scalar_prefetch = 0 : i64, scratch_operands = 4 : i64, tpu.core_type = #tpu.core_type<sc_vector_subcore>, window_params = [{transform_indices = #map}, {transform_indices = #map1}]} {
    %mul3A = arith.constant 16 : i32
    %mul3A_0 = arith.muli %arg0, %mul3A : i32
    %add3A = arith.addi %mul3A_0, %arg1 : i32
    %mul3A_1 = arith.constant 78 : i32
    %mul3A_2 = arith.muli %add3A, %mul3A_1 : i32
    %sub3A = arith.constant 28 : i32
    %sub3A_3 = arith.subi %add3A, %sub3A : i32
    %max3A = arith.constant 0 : i32
    %max3A_4 = arith.maxsi %sub3A_3, %max3A : i32
    %add3A_5 = arith.addi %mul3A_2, %max3A_4 : i32
    %ge3A = arith.constant 28 : i32
    %ge3A_6 = arith.cmpi sge, %add3A, %ge3A : i32
    %convert_element_type3A = arith.extui %ge3A_6 : i1 to i32
    %add3A_7 = arith.constant 78 : i32
    %add3A_8 = arith.addi %add3A_7, %convert_element_type3A : i32
    %broadcast_in_dim3A = arith.constant 1.000000e+00 : f32
    %broadcast_in_dim3A_9 = vector.broadcast %broadcast_in_dim3A : f32 to vector<16xf32>
    %broadcast_in_dim3A_10 = arith.constant 0.000000e+00 : f32
    %broadcast_in_dim3A_11 = vector.broadcast %broadcast_in_dim3A_10 : f32 to vector<16xf32>
    %scan3A = arith.constant 0 : i32
    %scan3A_12 = arith.constant 0 : i32
    %scan3A_13 = arith.constant 8 : i32
    %scan3A_14 = arith.addi %scan3A_12, %scan3A_13 : i32
    %scan3A_15 = arith.constant 1 : i32
    %scan3A_16 = scf.for %scan3A_46 = %scan3A_12 to %scan3A_14 step %scan3A_15 iter_args(%scan3A_47 = %scan3A) -> (i32)  : i32 {
      %mul3A_48 = arith.constant 16 : i32
      %mul3A_49 = arith.muli %scan3A_46, %mul3A_48 : i32
      %swap3A = arith.index_cast %mul3A_49 : i32 to index
      %swap3A_50 = tpu.vector_load %arg5[%swap3A] {strides = array<i32>} : memref<128xf32, #tpu.memory_space<vmem>>, vector<16xf32>,
      %swap3A_51 = vector.shape_cast %swap3A_50 : vector<16xf32> to vector<16xf32>
      %swap3A_52 = vector.shape_cast %broadcast_in_dim3A_9 : vector<16xf32> to vector<16xf32>
      tpu.vector_store %arg5[%swap3A], %swap3A_52 {strides = array<i32>} : memref<128xf32, #tpu.memory_space<vmem>>, vector<16xf32>,
      %scan3A_53 = arith.constant 0 : i32
      scf.yield %scan3A_53 : i32
    }
    %scan3A_17 = arith.constant 8 : i32
    %scan3A_18 = arith.constant 0 : i32
    %scan3A_19 = arith.constant 0 : i32
    %scan3A_20 = arith.constant 40 : i32
    %scan3A_21 = arith.addi %scan3A_19, %scan3A_20 : i32
    %scan3A_22 = arith.constant 1 : i32
    %scan3A_23 = scf.for %scan3A_46 = %scan3A_19 to %scan3A_21 step %scan3A_22 iter_args(%scan3A_47 = %scan3A_18) -> (i32)  : i32 {
      %mul3A_48 = arith.constant 16 : i32
      %mul3A_49 = arith.muli %scan3A_46, %mul3A_48 : i32
      %swap3A = arith.index_cast %mul3A_49 : i32 to index
      %swap3A_50 = tpu.vector_load %arg6[%swap3A] {strides = array<i32>} : memref<640xf32, #tpu.memory_space<vmem>>, vector<16xf32>,
      %swap3A_51 = vector.shape_cast %swap3A_50 : vector<16xf32> to vector<16xf32>
      %swap3A_52 = vector.shape_cast %broadcast_in_dim3A_11 : vector<16xf32> to vector<16xf32>
      tpu.vector_store %arg6[%swap3A], %swap3A_52 {strides = array<i32>} : memref<640xf32, #tpu.memory_space<vmem>>, vector<16xf32>,
      %scan3A_53 = arith.constant 0 : i32
      scf.yield %scan3A_53 : i32
    }
    %scan3A_24 = arith.constant 40 : i32
    %mul3A_25 = arith.constant 640 : i32
    %mul3A_26 = arith.muli %arg1, %mul3A_25 : i32
    "tpu.region"() ({
      %run_scoped3A = tpu.sem_alloc : memref<!tpu.dma_semaphore, #tpu.memory_space<semaphore_mem>>
      %dma_start3A = tpu.memref_slice %arg7[%mul3A_26] : memref<10240xf32, #tpu.memory_space<vmem_shared>> -> memref<640xf32, #tpu.memory_space<vmem_shared>>
      %dma_start3A_46 = tpu.memref_slice %arg7[%mul3A_26] : memref<10240xf32, #tpu.memory_space<vmem_shared>> -> memref<640xf32, #tpu.memory_space<vmem_shared>>
      tpu.enqueue_dma source(%arg6 : memref<640xf32, #tpu.memory_space<vmem>>) target(%dma_start3A_46 : memref<640xf32, #tpu.memory_space<vmem_shared>>) target_semaphore(%run_scoped3A : memref<!tpu.dma_semaphore, #tpu.memory_space<semaphore_mem>>)
      %dma_wait3A = tpu.memref_slice %arg7[%mul3A_26] : memref<10240xf32, #tpu.memory_space<vmem_shared>> -> memref<640xf32, #tpu.memory_space<vmem_shared>>
      %dma_wait3A_47 = tpu.memref_slice %arg7[%mul3A_26] : memref<10240xf32, #tpu.memory_space<vmem_shared>> -> memref<640xf32, #tpu.memory_space<vmem_shared>>
      tpu.wait_dma2 semaphore(%run_scoped3A : memref<!tpu.dma_semaphore, #tpu.memory_space<semaphore_mem>>) src(%arg6 : memref<640xf32, #tpu.memory_space<vmem>>) dst(%dma_wait3A_47 : memref<640xf32, #tpu.memory_space<vmem_shared>>)
      tpu.yield
    }) : () -> ()
    %barrier3A = arith.constant 0 : index
    tpu.barrier barrier_id(%barrier3A)
    "tpu.region"() ({
      %run_scoped3A = tpu.sem_alloc : memref<!tpu.dma_semaphore, #tpu.memory_space<semaphore_mem>>
      %dma_start3A = arith.constant 0 : i32
      %dma_start3A_46 = arith.constant 0 : i32
      %dma_start3A_47 = tpu.memref_slice %arg2[%add3A_5, %dma_start3A, %dma_start3A_46] : memref<2500x1x128xi32, #tpu.memory_space<hbm>> -> memref<79x1x128xi32, #tpu.memory_space<hbm>>
      %dma_start3A_48 = arith.constant 0 : i32
      %dma_start3A_49 = arith.constant 0 : i32
      %dma_start3A_50 = tpu.memref_slice %arg2[%add3A_5, %dma_start3A_48, %dma_start3A_49] : memref<2500x1x128xi32, #tpu.memory_space<hbm>> -> memref<79x1x128xi32, #tpu.memory_space<hbm>>
      tpu.enqueue_dma source(%dma_start3A_50 : memref<79x1x128xi32, #tpu.memory_space<hbm>>) target(%arg4 : memref<79x1x128xi32, #tpu.memory_space<vmem>>) target_semaphore(%run_scoped3A : memref<!tpu.dma_semaphore, #tpu.memory_space<semaphore_mem>>)
      %dma_wait3A = arith.constant 0 : i32
      %dma_wait3A_51 = arith.constant 0 : i32
      %dma_wait3A_52 = tpu.memref_slice %arg2[%add3A_5, %dma_wait3A, %dma_wait3A_51] : memref<2500x1x128xi32, #tpu.memory_space<hbm>> -> memref<79x1x128xi32, #tpu.memory_space<hbm>>
      %dma_wait3A_53 = arith.constant 0 : i32
      %dma_wait3A_54 = arith.constant 0 : i32
      %dma_wait3A_55 = tpu.memref_slice %arg2[%add3A_5, %dma_wait3A_53, %dma_wait3A_54] : memref<2500x1x128xi32, #tpu.memory_space<hbm>> -> memref<79x1x128xi32, #tpu.memory_space<hbm>>
      tpu.wait_dma2 semaphore(%run_scoped3A : memref<!tpu.dma_semaphore, #tpu.memory_space<semaphore_mem>>) src(%dma_wait3A_55 : memref<79x1x128xi32, #tpu.memory_space<hbm>>) dst(%arg4 : memref<79x1x128xi32, #tpu.memory_space<vmem>>)
      tpu.yield
    }) : () -> ()
    %while3A = arith.constant 0 : i32
    %while3A_27 = arith.constant 0 : i32
    %while3A_28 = arith.subi %add3A_8, %while3A : i32
    %while3A_29 = arith.addi %while3A, %while3A_28 : i32
    %while3A_30 = arith.constant 1 : i32
    %while3A_31 = arith.divsi %while3A_28, %while3A_30 : i32
    %while3A_32 = arith.muli %while3A_31, %while3A_30 : i32
    %while3A_33 = arith.addi %while3A, %while3A_32 : i32
    %while3A_34 = arith.constant 1 : i32
    %while3A_35 = scf.for %while3A_46 = %while3A to %while3A_33 step %while3A_34 iter_args(%while3A_47 = %while3A_27) -> (i32)  : i32 {
      %run_scoped3A = arith.constant 0 : i32
      "tpu.region"() ({
        %run_scoped3A_49 = tpu.sem_alloc : memref<!tpu.dma_semaphore, #tpu.memory_space<semaphore_mem>>
        %dma_start3A = arith.constant 0 : i32
        %dma_start3A_50 = tpu.memref_slice %arg4[%while3A_46, %run_scoped3A, %dma_start3A] : memref<79x1x128xi32, #tpu.memory_space<vmem>> -> memref<1x1x128xi32, #tpu.memory_space<vmem>>
        %dma_start3A_51 = tpu.memref_squeeze %dma_start3A_50 : memref<1x1x128xi32, #tpu.memory_space<vmem>> -> memref<128xi32, #tpu.memory_space<vmem>>
        %dma_start3A_52 = arith.constant 0 : i32
        %dma_start3A_53 = tpu.memref_slice %arg7[%dma_start3A_52] : memref<10240xf32, #tpu.memory_space<vmem_shared>> -> memref<10240xf32, #tpu.memory_space<vmem_shared>>
        tpu.enqueue_indirect_dma source(%arg5 : memref<128xf32, #tpu.memory_space<vmem>>) target(%dma_start3A_53 : memref<10240xf32, #tpu.memory_space<vmem_shared>>) offsets(%dma_start3A_51 : memref<128xi32, #tpu.memory_space<vmem>>) semaphore(%run_scoped3A_49 : memref<!tpu.dma_semaphore, #tpu.memory_space<semaphore_mem>>) {add = true}
        %dma_wait3A = arith.constant 0 : i32
        %dma_wait3A_54 = tpu.memref_slice %arg4[%while3A_46, %run_scoped3A, %dma_wait3A] : memref<79x1x128xi32, #tpu.memory_space<vmem>> -> memref<1x1x128xi32, #tpu.memory_space<vmem>>
        %dma_wait3A_55 = tpu.memref_squeeze %dma_wait3A_54 : memref<1x1x128xi32, #tpu.memory_space<vmem>> -> memref<128xi32, #tpu.memory_space<vmem>>
        %dma_wait3A_56 = arith.constant 0 : i32
        %dma_wait3A_57 = tpu.memref_slice %arg7[%dma_wait3A_56] : memref<10240xf32, #tpu.memory_space<vmem_shared>> -> memref<10240xf32, #tpu.memory_space<vmem_shared>>
        tpu.wait_indirect_dma semaphore(%run_scoped3A_49 : memref<!tpu.dma_semaphore, #tpu.memory_space<semaphore_mem>>) src(%arg5 : memref<128xf32, #tpu.memory_space<vmem>>) dst(%dma_wait3A_57 : memref<10240xf32, #tpu.memory_space<vmem_shared>>)
        tpu.yield
      }) : () -> ()
      %while3A_48 = arith.constant 0 : i32
      scf.yield %while3A_48 : i32
    }
    %while3A_36 = arith.constant 1 : i32
    %while3A_37 = scf.for %while3A_46 = %while3A_33 to %while3A_29 step %while3A_36 iter_args(%while3A_47 = %while3A_35) -> (i32)  : i32 {
      %run_scoped3A = arith.constant 0 : i32
      "tpu.region"() ({
        %run_scoped3A_49 = tpu.sem_alloc : memref<!tpu.dma_semaphore, #tpu.memory_space<semaphore_mem>>
        %dma_start3A = arith.constant 0 : i32
        %dma_start3A_50 = tpu.memref_slice %arg4[%while3A_46, %run_scoped3A, %dma_start3A] : memref<79x1x128xi32, #tpu.memory_space<vmem>> -> memref<1x1x128xi32, #tpu.memory_space<vmem>>
        %dma_start3A_51 = tpu.memref_squeeze %dma_start3A_50 : memref<1x1x128xi32, #tpu.memory_space<vmem>> -> memref<128xi32, #tpu.memory_space<vmem>>
        %dma_start3A_52 = arith.constant 0 : i32
        %dma_start3A_53 = tpu.memref_slice %arg7[%dma_start3A_52] : memref<10240xf32, #tpu.memory_space<vmem_shared>> -> memref<10240xf32, #tpu.memory_space<vmem_shared>>
        tpu.enqueue_indirect_dma source(%arg5 : memref<128xf32, #tpu.memory_space<vmem>>) target(%dma_start3A_53 : memref<10240xf32, #tpu.memory_space<vmem_shared>>) offsets(%dma_start3A_51 : memref<128xi32, #tpu.memory_space<vmem>>) semaphore(%run_scoped3A_49 : memref<!tpu.dma_semaphore, #tpu.memory_space<semaphore_mem>>) {add = true}
        %dma_wait3A = arith.constant 0 : i32
        %dma_wait3A_54 = tpu.memref_slice %arg4[%while3A_46, %run_scoped3A, %dma_wait3A] : memref<79x1x128xi32, #tpu.memory_space<vmem>> -> memref<1x1x128xi32, #tpu.memory_space<vmem>>
        %dma_wait3A_55 = tpu.memref_squeeze %dma_wait3A_54 : memref<1x1x128xi32, #tpu.memory_space<vmem>> -> memref<128xi32, #tpu.memory_space<vmem>>
        %dma_wait3A_56 = arith.constant 0 : i32
        %dma_wait3A_57 = tpu.memref_slice %arg7[%dma_wait3A_56] : memref<10240xf32, #tpu.memory_space<vmem_shared>> -> memref<10240xf32, #tpu.memory_space<vmem_shared>>
        tpu.wait_indirect_dma semaphore(%run_scoped3A_49 : memref<!tpu.dma_semaphore, #tpu.memory_space<semaphore_mem>>) src(%arg5 : memref<128xf32, #tpu.memory_space<vmem>>) dst(%dma_wait3A_57 : memref<10240xf32, #tpu.memory_space<vmem_shared>>)
        tpu.yield
      }) : () -> ()
      %while3A_48 = arith.constant 0 : i32
      scf.yield %while3A_48 : i32
    }
    %barrier3A_38 = arith.constant 0 : index
    tpu.barrier barrier_id(%barrier3A_38)
    %mul3A_39 = arith.constant 640 : i32
    %mul3A_40 = arith.muli %arg1, %mul3A_39 : i32
    %mul3A_41 = arith.constant 10240 : i32
    %mul3A_42 = arith.muli %arg0, %mul3A_41 : i32
    %mul3A_43 = arith.constant 640 : i32
    %mul3A_44 = arith.muli %arg1, %mul3A_43 : i32
    %add3A_45 = arith.addi %mul3A_42, %mul3A_44 : i32
    "tpu.region"() ({
      %run_scoped3A = tpu.sem_alloc : memref<!tpu.dma_semaphore, #tpu.memory_space<semaphore_mem>>
      %dma_start3A = tpu.memref_slice %arg3[%add3A_45] : memref<20480xf32, #tpu.memory_space<hbm>> -> memref<640xf32, #tpu.memory_space<hbm>>
      %dma_start3A_46 = tpu.memref_slice %arg7[%mul3A_40] : memref<10240xf32, #tpu.memory_space<vmem_shared>> -> memref<640xf32, #tpu.memory_space<vmem_shared>>
      tpu.enqueue_dma source(%dma_start3A_46 : memref<640xf32, #tpu.memory_space<vmem_shared>>) target(%dma_start3A : memref<640xf32, #tpu.memory_space<hbm>>) target_semaphore(%run_scoped3A : memref<!tpu.dma_semaphore, #tpu.memory_space<semaphore_mem>>)
      %dma_wait3A = tpu.memref_slice %arg3[%add3A_45] : memref<20480xf32, #tpu.memory_space<hbm>> -> memref<640xf32, #tpu.memory_space<hbm>>
      %dma_wait3A_47 = tpu.memref_slice %arg7[%mul3A_40] : memref<10240xf32, #tpu.memory_space<vmem_shared>> -> memref<640xf32, #tpu.memory_space<vmem_shared>>
      tpu.wait_dma2 semaphore(%run_scoped3A : memref<!tpu.dma_semaphore, #tpu.memory_space<semaphore_mem>>) src(%dma_wait3A_47 : memref<640xf32, #tpu.memory_space<vmem_shared>>) dst(%dma_wait3A : memref<640xf32, #tpu.memory_space<hbm>>)
      tpu.yield
    }) : () -> ()
    return
  }
}

module attributes {stable_mosaic.version = 14 : i64} {
  func.func @_transform_body(%arg0: i32, %arg1: memref<1280x128xf32, #tpu.memory_space<vmem>>, %arg2: memref<128x128xf32, #tpu.memory_space<vmem>>, %arg3: memref<2x1280xf32, #tpu.memory_space<vmem>>, %arg4: memref<1280x128xf32, #tpu.memory_space<vmem>>, %arg5: memref<1x1280xf32, #tpu.memory_space<vmem>>) attributes {dimension_semantics = [#tpu.dimension_semantics<arbitrary>], iteration_bounds = array<i64: 8>, scalar_prefetch = 0 : i64, scratch_operands = 0 : i64, tpu.core_type = #tpu.core_type<tc>, window_params = [{transform_indices = @transform_0, window_bounds = array<i64: 1280, 128>}, {pipeline_mode = #tpu.pipeline_mode<synchronous>, transform_indices = @transform_1, window_bounds = array<i64: 128, 128>}, {transform_indices = @transform_2, window_bounds = array<i64: 2, 1280>}, {transform_indices = @transform_3, window_bounds = array<i64: 1280, 128>}, {transform_indices = @transform_4, window_bounds = array<i64: 1, 1280>}]} {
    %get3A = arith.constant 0 : index
    %get3A_0 = arith.constant 0 : index
    %get3A_1 = vector.load %arg3[%get3A, %get3A_0] : memref<2x1280xf32, #tpu.memory_space<vmem>>, vector<1x1280xf32>
    %get3A_2 = vector.shape_cast %get3A_1 : vector<1x1280xf32> to vector<1280xf32>
    %get3A_3 = arith.constant 1 : index
    %get3A_4 = arith.constant 0 : index
    %get3A_5 = vector.load %arg3[%get3A_3, %get3A_4] : memref<2x1280xf32, #tpu.memory_space<vmem>>, vector<1x1280xf32>
    %get3A_6 = vector.shape_cast %get3A_5 : vector<1x1280xf32> to vector<1280xf32>
    %add3A = arith.addf %get3A_2, %get3A_6 : vector<1280xf32>
    %add3A_7 = arith.constant 1.000000e+00 : f32
    %add3A_8 = vector.broadcast %add3A_7 : f32 to vector<1280xf32>
    %add3A_9 = arith.addf %add3A, %add3A_8 : vector<1280xf32>
    %rsqrt3A = math.rsqrt %add3A_9 : vector<1280xf32>
    %broadcast_in_dim3A = vector.shape_cast %rsqrt3A : vector<1280xf32> to vector<1x1280xf32>
    %swap3A = arith.constant 0 : index
    %swap3A_10 = arith.constant 0 : index
    %swap3A_11 = vector.load %arg5[%swap3A, %swap3A_10] : memref<1x1280xf32, #tpu.memory_space<vmem>>, vector<1x1280xf32>
    tpu.vector_store %arg5[%swap3A, %swap3A_10], %broadcast_in_dim3A {strides = array<i32>} : memref<1x1280xf32, #tpu.memory_space<vmem>>, vector<1x1280xf32>,
    %get3A_12 = arith.constant 0 : index
    %get3A_13 = arith.constant 0 : index
    %get3A_14 = vector.load %arg1[%get3A_12, %get3A_13] : memref<1280x128xf32, #tpu.memory_space<vmem>>, vector<1280x128xf32>
    %get3A_15 = arith.constant 0 : index
    %get3A_16 = arith.constant 0 : index
    %get3A_17 = vector.load %arg2[%get3A_15, %get3A_16] : memref<128x128xf32, #tpu.memory_space<vmem>>, vector<128x128xf32>
    %dot_general3A = arith.constant dense<0.000000e+00> : vector<1280x128xf32>
    %dot_general3A_18 = tpu.matmul %get3A_14, %get3A_17, %dot_general3A {dimension_numbers = #tpu.dot_dimension_numbers<[1], [0], [0], [1], [0, 0, 1, 1], [], []>, transpose_lhs_hint = false} : vector<1280x128xf32>, vector<128x128xf32>, vector<1280x128xf32> -> vector<1280x128xf32>
    %broadcast_in_dim3A_19 = vector.shape_cast %rsqrt3A : vector<1280xf32> to vector<1280x1xf32>
    %mul3A = vector.broadcast %broadcast_in_dim3A_19 : vector<1280x1xf32> to vector<1280x128xf32>
    %mul3A_20 = arith.mulf %dot_general3A_18, %mul3A : vector<1280x128xf32>
    %swap3A_21 = arith.constant 0 : index
    %swap3A_22 = arith.constant 0 : index
    %swap3A_23 = vector.load %arg4[%swap3A_21, %swap3A_22] : memref<1280x128xf32, #tpu.memory_space<vmem>>, vector<1280x128xf32>
    tpu.vector_store %arg4[%swap3A_21, %swap3A_22], %mul3A_20 {strides = array<i32>} : memref<1280x128xf32, #tpu.memory_space<vmem>>, vector<1280x128xf32>,
    return
  }
  func.func @transform_0(%arg0: i32) -> (i32, i32) {
    %c0_i32 = arith.constant 0 : i32
    %c0_i32_0 = arith.constant 0 : i32
    return %arg0, %c0_i32 : i32, i32
  }
  func.func @transform_1(%arg0: i32) -> (i32, i32) {
    %c0_i32 = arith.constant 0 : i32
    %c0_i32_0 = arith.constant 0 : i32
    %c0_i32_1 = arith.constant 0 : i32
    return %c0_i32, %c0_i32_0 : i32, i32
  }
  func.func @transform_2(%arg0: i32) -> (i32, i32) {
    %c0_i32 = arith.constant 0 : i32
    %c0_i32_0 = arith.constant 0 : i32
    return %c0_i32, %arg0 : i32, i32
  }
  func.func @transform_3(%arg0: i32) -> (i32, i32) {
    %c0_i32 = arith.constant 0 : i32
    %c0_i32_0 = arith.constant 0 : i32
    return %arg0, %c0_i32 : i32, i32
  }
  func.func @transform_4(%arg0: i32) -> (i32, i32) {
    %c0_i32 = arith.constant 0 : i32
    %c0_i32_0 = arith.constant 0 : i32
    return %c0_i32, %arg0 : i32, i32
  }
}

module attributes {stable_mosaic.version = 14 : i64} {
  func.func @_finalize_body(%arg0: i32, %arg1: memref<2x1280x128xf32, #tpu.memory_space<vmem>>, %arg2: memref<1280x128xf32, #tpu.memory_space<vmem>>, %arg3: memref<1x1280xf32, #tpu.memory_space<vmem>>, %arg4: memref<1x128xf32, #tpu.memory_space<vmem>>, %arg5: memref<1280x128xf32, #tpu.memory_space<vmem>>) attributes {dimension_semantics = [#tpu.dimension_semantics<arbitrary>], iteration_bounds = array<i64: 8>, scalar_prefetch = 0 : i64, scratch_operands = 0 : i64, tpu.core_type = #tpu.core_type<tc>, window_params = [{transform_indices = @transform_0, window_bounds = array<i64: 2, 1280, 128>}, {transform_indices = @transform_1, window_bounds = array<i64: 1280, 128>}, {transform_indices = @transform_2, window_bounds = array<i64: 1, 1280>}, {pipeline_mode = #tpu.pipeline_mode<synchronous>, transform_indices = @transform_3, window_bounds = array<i64: 1, 128>}, {transform_indices = @transform_4, window_bounds = array<i64: 1280, 128>}]} {
    %get3A = arith.constant 0 : index
    %get3A_0 = arith.constant 0 : index
    %get3A_1 = arith.constant 0 : index
    %get3A_2 = vector.load %arg1[%get3A, %get3A_0, %get3A_1] : memref<2x1280x128xf32, #tpu.memory_space<vmem>>, vector<1x1280x128xf32>
    %get3A_3 = vector.shape_cast %get3A_2 : vector<1x1280x128xf32> to vector<1280x128xf32>
    %get3A_4 = arith.constant 1 : index
    %get3A_5 = arith.constant 0 : index
    %get3A_6 = arith.constant 0 : index
    %get3A_7 = vector.load %arg1[%get3A_4, %get3A_5, %get3A_6] : memref<2x1280x128xf32, #tpu.memory_space<vmem>>, vector<1x1280x128xf32>
    %get3A_8 = vector.shape_cast %get3A_7 : vector<1x1280x128xf32> to vector<1280x128xf32>
    %add3A = arith.addf %get3A_3, %get3A_8 : vector<1280x128xf32>
    %get3A_9 = arith.constant 0 : index
    %get3A_10 = arith.constant 0 : index
    %get3A_11 = vector.load %arg2[%get3A_9, %get3A_10] : memref<1280x128xf32, #tpu.memory_space<vmem>>, vector<1280x128xf32>
    %add3A_12 = arith.addf %add3A, %get3A_11 : vector<1280x128xf32>
    %get3A_13 = arith.constant 0 : index
    %get3A_14 = arith.constant 0 : index
    %get3A_15 = vector.load %arg3[%get3A_13, %get3A_14] : memref<1x1280xf32, #tpu.memory_space<vmem>>, vector<1x1280xf32>
    %get3A_16 = vector.shape_cast %get3A_15 : vector<1x1280xf32> to vector<1280xf32>
    %broadcast_in_dim3A = vector.shape_cast %get3A_16 : vector<1280xf32> to vector<1280x1xf32>
    %mul3A = vector.broadcast %broadcast_in_dim3A : vector<1280x1xf32> to vector<1280x128xf32>
    %mul3A_17 = arith.mulf %add3A_12, %mul3A : vector<1280x128xf32>
    %get3A_18 = arith.constant 0 : index
    %get3A_19 = arith.constant 0 : index
    %get3A_20 = vector.load %arg4[%get3A_18, %get3A_19] : memref<1x128xf32, #tpu.memory_space<vmem>>, vector<1x128xf32>
    %get3A_21 = vector.shape_cast %get3A_20 : vector<1x128xf32> to vector<128xf32>
    %broadcast_in_dim3A_22 = vector.shape_cast %get3A_21 : vector<128xf32> to vector<1x128xf32>
    %add3A_23 = vector.broadcast %broadcast_in_dim3A_22 : vector<1x128xf32> to vector<1280x128xf32>
    %add3A_24 = arith.addf %mul3A_17, %add3A_23 : vector<1280x128xf32>
    %max3A = arith.constant 0.000000e+00 : f32
    %max3A_25 = vector.broadcast %max3A : f32 to vector<1280x128xf32>
    %max3A_26 = arith.maximumf %add3A_24, %max3A_25 : vector<1280x128xf32>
    %swap3A = arith.constant 0 : index
    %swap3A_27 = arith.constant 0 : index
    %swap3A_28 = vector.load %arg5[%swap3A, %swap3A_27] : memref<1280x128xf32, #tpu.memory_space<vmem>>, vector<1280x128xf32>
    tpu.vector_store %arg5[%swap3A, %swap3A_27], %max3A_26 {strides = array<i32>} : memref<1280x128xf32, #tpu.memory_space<vmem>>, vector<1280x128xf32>,
    return
  }
  func.func @transform_0(%arg0: i32) -> (i32, i32, i32) {
    %c0_i32 = arith.constant 0 : i32
    %c0_i32_0 = arith.constant 0 : i32
    %c0_i32_1 = arith.constant 0 : i32
    return %c0_i32, %arg0, %c0_i32_0 : i32, i32, i32
  }
  func.func @transform_1(%arg0: i32) -> (i32, i32) {
    %c0_i32 = arith.constant 0 : i32
    %c0_i32_0 = arith.constant 0 : i32
    return %arg0, %c0_i32 : i32, i32
  }
  func.func @transform_2(%arg0: i32) -> (i32, i32) {
    %c0_i32 = arith.constant 0 : i32
    %c0_i32_0 = arith.constant 0 : i32
    return %c0_i32, %arg0 : i32, i32
  }
  func.func @transform_3(%arg0: i32) -> (i32, i32) {
    %c0_i32 = arith.constant 0 : i32
    %c0_i32_0 = arith.constant 0 : i32
    %c0_i32_1 = arith.constant 0 : i32
    return %c0_i32, %c0_i32_0 : i32, i32
  }
  func.func @transform_4(%arg0: i32) -> (i32, i32) {
    %c0_i32 = arith.constant 0 : i32
    %c0_i32_0 = arith.constant 0 : i32
    return %arg0, %c0_i32 : i32, i32
  }
}

</mosaic_0001>

<sc_bundles>
// kernel: kernel.6.cloned.1.call-start
scs
__scs_entry_jumppad:
0x0: {  	(pc) =	sbr.rel $0x88, $3  }
0x1: {  	(tag) =	ssettag $0x0;
	lr =	simm.s32 $0x1  }
0x2: {  	[smem:$0x3F9D] =	sst lr;
	_ =	strace $0xD0000000  }
0x3: {  	_ = 	snop  }
0x4: {  	_ = 	snop  }
0x5: {  	_ = 	snop  }
0x6: {  	_ = 	snop  }
0x7: {  	_ = 	snop  }
__scs_overlays_trampoline_lowered:
0x8: {  	[smem:$0x3FAC] =	sst s0  }
0x9: {  	[smem:$0x3FAD] =	sst s1  }
0xa: {  	[smem:$0x3FAE] =	sst s2  }
0xb: {  	[smem:$0x3FAF] =	sst s3  }
0xc: {  	[smem:$0x3FB0] =	sst s4  }
0xd: {  	[smem:$0x3FB1] =	sst s5  }
0xe: {  	[smem:$0x3FB2] =	sst s6  }
0xf: {  	[smem:$0x3FB3] =	sst s7  }
0x10: {  	[smem:$0x3FB4] =	sst s8  }
0x11: {  	[smem:$0x3FB5] =	sst s9;
	s0 =	simm.s32 @!p0 $0x0  }
0x12: {  	s1 =	sld [smem:$0x3F9B];
	s0 =	simm.s32 @p0 $0x1  }
0x13: {  	[smem:$0x3FB6] =	sst s0;
	s0 =	simm.s32 @!p1 $0x0  }
0x14: {  	s2 =	sld [smem:$0x3F9A];
	s0 =	simm.s32 @p1 $0x1  }
0x15: {  	[smem:$0x3FB7] =	sst s0;
	s0 =	simm.s32 @!p2 $0x0  }
0x16: {  	s3 =	sld [smem:$0x3FDB];
	s0 =	simm.s32 @p2 $0x1  }
0x17: {  	s4 =	simm.s32 $0x1BF5;
	[smem:$0x3FB9] =	sst s0  }
0x18: {  	s0 =	sld [smem:$0x3F9C];
	_ =	swait.ge [sflag:s4], $0x0  }
0x19: {  	s7 =	sld [smem:$0x3F9D]  }
0x1a: {  	s8 =	sadd.s32 $0xFFFFE003, lr  }
0x1b: {  	s9 =	sadd.s32 $0xFFFFFEF7, lr;
	s5 =	simm.s32 $0xFFFFFFFF;
	p2 =	slt.u32 s8, $0xFFFFF086  }
0x1c: {  	p1 =	slt.u32 s9, $0xF7A;
	s5 =	simm.s32 @!p2 $0x0  }
0x1d: {  	s5 =	simm.s32 @p1 $0x1;
	p0 =	seq.s32 s7, s2  }
0x1e: {  	s7 =	smul.u32 @!p0 $0xF7A, s2;
	p2 =	seq.s32 @!p0 s5, $0x0  }
0x1f: {  	s9 =	smul.u32 $0xF7A, s1;
	s8 =	simm.s32 @!p0 $0x1BF5;
	p2 =	por !p2, p0  }
0x20: {  	[sflag:s8] =	ssyncset.s32 @!p0 $0xFFFFF086;
	s6 =	sadd.s32 @!p0 s3, s7;
	s7 =	simm.s32 @!p0 $0x108  }
0x21: {  	s3 =	sadd.s32 s3, s9;
	s6 =	sadd.s32 @!p0 $0x88, s6;
	s7 =	simm.s32 @p2 $0x1082  }
0x22: {  	[simem:s7], [sflag:s8] =	dma.local @!p0 [hbm:s6], $0xF7A  }
0x23: {  	s9 =	sor.u32 $0xD0000000, s2;
	s6 =	simm.s32 $0x108;
	_ =	swait.ge @!p0 [sflag:s8], $0x0  }
0x24: {  	s3 =	sadd.s32 $0x88, s3;
	s6 =	simm.s32 @!p1 $0x1082;
	[sflag:s4] =	ssyncset.s32 $0xFFFFF086  }
0x25: {  	[simem:s6], [sflag:s4] =	dma.local [hbm:s3], $0xF7A  }
0x26: {  	[smem:$0x3F9D] =	sst s1;
	(tag) =	ssettag s2;
	_ =	strace s9  }
0x27: {  	s1 =	sld [smem:$0x3FAD]  }
0x28: {  	s2 =	sld [smem:$0x3FAE]  }
0x29: {  	s4 =	sld [smem:$0x3FB0]  }
0x2a: {  	p0 =	seq.s32 s5, $0x0;
	s5 =	sld [smem:$0x3FB1]  }
0x2b: {  	s6 =	sld [smem:$0x3FB2]  }
0x2c: {  	s7 =	sld [smem:$0x3FB3]  }
0x2d: {  	s3 =	simm.s32 $0x108;
	s8 =	sld [smem:$0x3FB4]  }
0x2e: {  	s3 =	simm.s32 @!p0 $0x1082;
	s9 =	sld [smem:$0x3FB5]  }
0x2f: {  	lr =	sadd.s32 s0, s3;
	s0 =	sld [smem:$0x3FAC]  }
0x30: {  	s3 =	sld [smem:$0x3FAF]  }
0x31: {  	[smem:$0x3FB8] =	sst s10  }
0x32: {  	s10 =	sld [smem:$0x3FB6];
	_ =	sdelay $0x3  }
0x33: {  	p0 =	seq.s32 s10, $0x1;
	s10 =	sld [smem:$0x3FB8];
	_ =	sdelay $0x3  }
0x34: {  	[smem:$0x3FB8] =	sst s10  }
0x35: {  	s10 =	sld [smem:$0x3FB7];
	_ =	sdelay $0x3  }
0x36: {  	p1 =	seq.s32 s10, $0x1;
	s10 =	sld [smem:$0x3FB8];
	_ =	sdelay $0x3  }
0x37: {  	[smem:$0x3FB8] =	sst s10  }
0x38: {  	s10 =	sld [smem:$0x3FB9]  }
0x39: {  	_ = 	snop;
	(pc) =	sbr.ind lr, $3  }
0x3a: {  	_ = 	snop  }
0x3b: {  	_ = 	snop  }
0x3c: {  	p2 =	seq.s32 s10, $0x1;
	s10 =	sld [smem:$0x3FB8]  }
0x3d: {  	_ =	shalt  }
0x3e: {  	_ =	shalt  }
0x3f: {  	_ =	shalt  }
0x40: {  	_ =	shalt  }
0x41: {  	_ =	shalt  }
0x42: {  	_ =	shalt  }
0x43: {  	_ =	shalt  }
0x44: {  	_ =	shalt  }
0x45: {  	_ =	shalt  }
0x46: {  	_ =	shalt  }
0x47: {  	_ =	shalt  }
0x48: {  	_ =	shalt  }
0x49: {  	_ =	shalt  }
0x4a: {  	_ =	shalt  }
0x4b: {  	_ =	shalt  }
0x4c: {  	_ =	shalt  }
0x4d: {  	_ =	shalt  }
0x4e: {  	_ =	shalt  }
0x4f: {  	_ =	shalt  }
0x50: {  	_ =	shalt  }
0x51: {  	_ =	shalt  }
0x52: {  	_ =	shalt  }
0x53: {  	_ =	shalt  }
0x54: {  	_ =	shalt  }
0x55: {  	_ =	shalt  }
0x56: {  	_ =	shalt  }
0x57: {  	_ =	shalt  }
0x58: {  	_ =	shalt  }
0x59: {  	_ =	shalt  }
0x5a: {  	_ =	shalt  }
0x5b: {  	_ =	shalt  }
0x5c: {  	_ =	shalt  }
0x5d: {  	_ =	shalt  }
0x5e: {  	_ =	shalt  }
0x5f: {  	_ =	shalt  }
0x60: {  	_ =	shalt  }
0x61: {  	_ =	shalt  }
0x62: {  	_ =	shalt  }
0x63: {  	_ =	shalt  }
0x64: {  	_ =	shalt  }
0x65: {  	_ =	shalt  }
0x66: {  	_ =	shalt  }
0x67: {  	_ =	shalt  }
0x68: {  	_ =	shalt  }
0x69: {  	_ =	shalt  }
0x6a: {  	_ =	shalt  }
0x6b: {  	_ =	shalt  }
0x6c: {  	_ =	shalt  }
0x6d: {  	_ =	shalt  }
0x6e: {  	_ =	shalt  }
0x6f: {  	_ =	shalt  }
0x70: {  	_ =	shalt  }
0x71: {  	_ =	shalt  }
0x72: {  	_ =	shalt  }
0x73: {  	_ =	shalt  }
0x74: {  	_ =	shalt  }
0x75: {  	_ =	shalt  }
0x76: {  	_ =	shalt  }
0x77: {  	_ =	shalt  }
0x78: {  	_ =	shalt  }
0x79: {  	_ =	shalt  }
0x7a: {  	_ =	shalt  }
0x7b: {  	_ =	shalt  }
0x7c: {  	_ =	shalt  }
0x7d: {  	_ =	shalt  }
0x7e: {  	_ =	shalt  }
0x7f: {  	_ =	shalt  }
0x80: {  	_ =	shalt  }
0x81: {  	_ =	shalt  }
0x82: {  	_ =	shalt  }
0x83: {  	_ =	shalt  }
0x84: {  	_ =	shalt  }
0x85: {  	_ =	shalt  }
0x86: {  	_ =	shalt  }
0x87: {  	_ =	shalt  }
.Lfunc_end0:
.L_simem_size_0:
called_computation_lowered:
.L_overlay_start_0:
0x88: {  	s2 =	sld [smem:$0x3FD9]  }
0x89: {  	s3 =	sld [smem:$0x3FFE];
	_ =	sdelay $0x1  }
0x8a: {  	s1 =	srdreg.scid  }
0x8b: {  	s0 =	sand.u32 $0x1, s1  }
0x8c: {  	s17 =	sshll.u32 s0, $0xA;
	s2 =	sadd.s32 s3, s2  }
0x8d: {  	s2 =	sadd.s32 s2, s17  }
0x8e: {  	[smem:$0x3FC4] =	sst s2  }
0x8f: {  	_ = 	snop  }
0x90: {  	s2 =	sld [smem:$0x3FD0];
	(tm) =	ssettm $0x1  }
0x91: {  	s18 =	sld [smem:$0x3FFB];
	_ =	sdelay $0x3  }
0x92: {  	_ =	strace s18  }
0x93: {  	s3 =	sld [smem:$0x3FFC];
	_ =	sdelay $0x3  }
0x94: {  	_ =	strace s3  }
0x95: {  	s3 =	sld [smem:$0x3FFD];
	_ =	sdelay $0x3  }
0x96: {  	_ =	strace s3  }
0x97: {  	_ =	strace $0x8FFFFFFF  }
0x98: {  	s19 =	sld [smem:$0x3FDB];
	_ =	sdelay $0x1  }
0x99: {  	s4 =	simm.s32 $_scs_section_size  }
0x9a: {  	s5 =	simm.s32 $_size__tile_overlayer_lowered;
	s6 =	simm.s32 $_tile_overlayer_lowered  }
0x9b: {  	s22 =	simm.s32 $0x1BFF;
	s21 =	sshll.u32 s6, $0x1;
	s3 =	sadd.s32 s4, s19  }
0x9c: {  	s7 =	simm.s32 $0x0;
	s20 =	sshll.u32 s5, $0x1;
	s5 =	sadd.s32 s21, s3  }
0x9d: {  	[timem:s7], [sflag:s22] =	dma.local [hbm:s5], s20  }
0x9e: {  	_ =	swait.ge [sflag:s22], s20  }
0x9f: {  	s4 =	ssub.s32 $0x0, s20;
	[sflag:s22] =	ssyncset.done $0x0  }
0xa0: {  	[sflag:s22] =	ssyncadd.s32 s4;
	_ =	sdelay $0x1  }
0xa1: {  	s23 =	simm.s32 $0x1B8B  }
0xa2: {  	_ =	swait.ge [sflag:s23], $0x1  }
0xa3: {  	[sflag:s23] =	ssyncset.done $0x0  }
0xa4: {  	s25 =	simm.s32 $0x1B8E;
	s24 =	sld [smem:$0x3FFE];
	[sflag:s23] =	ssyncadd.s32 $0xFFFFFFFF  }
0xa5: {  	s26 =	simm.s32 $execute0_lowered;
	[smem:$0x3FD2] =	sst s25  }
0xa6: {  	s5 =	sshll.u32 s26, $0x1;
	_ =	strace $0x80000046;
	[dreg:$0x1] =	wrdreg $0xFFFFFFFF  }
0xa7: {  	s28 =	simm.s32 $_size_execute0_lowered;
	s3 =	sadd.s32 s3, s5;
	[dreg:$0x0] =	wrdreg $0x0  }
0xa8: {  	s5 =	sshll.u32 s28, $0x1;
	[dreg:$0x2] =	wrdreg s3  }
0xa9: {  	[dreg:$0x3] =	wrdreg s5  }
0xaa: {  	[dreg:$0x4] =	wrdreg $0xC0  }
0xab: {  	_ =	task [dreg:s7], $0x5FFFF  }
0xac: {  	[dreg:$0x1] =	wrdreg $0xFFFFFFFF  }
0xad: {  	[dreg:$0x0] =	wrdreg $0x60  }
0xae: {  	[dreg:$0x2] =	wrdreg s24  }
0xaf: {  	[dreg:$0x3] =	wrdreg s2  }
0xb0: {  	[dreg:$0x4] =	wrdreg $0x2A800  }
0xb1: {  	[dreg:$0x5] =	wrdreg $0x9  }
0xb2: {  	_ =	task.clear_ibuf [dreg:s7], $0x6FFFF;
	_ =	strace $0x90000046  }
0xb3: {  	s29 =	simm.s32 $0x9;
	_ =	strace $0x80000048  }
0xb4: {  	_ =	swait.ge [sflag:s29], $0x1  }
0xb5: {  	[sflag:s29] =	ssyncadd.s32 $0xFFFFFFFF  }
0xb6: {  	_ =	strace $0x90000048  }
0xb7: {  	_ =	sfence  }
0xb8: {  	s30 =	sld [smem:$0x0];
	_ =	sdelay $0x2  }
0xb9: {  	s31 =	sshll.u32 s1, $0xD;
	s1 =	sshrl.u32 s1, $0x2  }
0xba: {  	s3 =	sand.u32 $0x4000, s31;
	s1 =	sadd.s32 s1, s30  }
0xbb: {  	s0 =	sor.u32 s3, s0;
	s1 =	sshll.u32 s1, $0x11  }
0xbc: {  	s0 =	sor.u32 s1, s0  }
0xbd: {  	s0 =	sadd.s32 $0x8F2B, s0  }
0xbe: {  	[sflag:s0] =	ssyncadd.remote.s32 $0x1  }
0xbf: {  	_ =	sfence.sel $0xFFFF  }
0xc0: {  	[dreg:$0x0] =	wrdreg $0xFFFFFFFF;
	(pc) =	sbr.abs _section_cstart, $3  }
0xc1: {  	[dreg:$0x1] =	wrdreg $0xFFFFFFFF  }
0xc2: {  	_ =	task.clear_ibuf [dreg:s7], $0x2FFFF;
	_ =	strace $0x9FFFFFFF  }
0xc3: {  	(tm) =	ssettm $0x7FFFFFFF  }
tec
execute0_lowered:
.L_overlay_start_1:
0x0: {  	(tag) =	ssettag $0x1  }
0x1: {  	s5 =	rddreg [dreg:$0x0]  }
0x2: {  	s0 =	srdreg.scid;
	s7 =	rddreg [dreg:$0x1]  }
0x3: {  	s2 =	rddreg [dreg:$0x2];
	s1 =	stileid.u32;
	s3 =	simm.s32 $0x0  }
0x4: {  	s15 =	simm.s32 $0x0;
	s4 =	sand.u32 $0x1, s0;
	s0 =	rddreg [dreg:$0x3]  }
0x5: {  	[smem:$0x7FF] =	sst s3;
	s11 =	smul.u32 $0x280, s1;
	s13 =	sshll.u32 s1, $0x6  }
0x6: {  	s6 =	sshll.u32 s4, $0x4;
	s9 =	ssub.s32 $0x2, s4;
	s30 =	smul.u32 $0x2800, s4  }
0x7: {  	_ =	strace $0x80000047;
	s4 =	simm.s32 $0x4F;
	s6 =	sor.u32 s1, s6  }
0x8: {  	s13 =	sor.u32 $0x1C01, s13;
	s12 =	sshrl.u32 s9, $0x1;
	s8 =	smul.u32 $0x4E, s6  }
0x9: {  	s10 =	smax.u32 s6, $0x1C;
	s9 =	ssub.s32 s9, s12;
	p0 =	sgt.u32 s6, $0x1B  }
0xa: {  	s31 =	sadd.s32 s11, s30;
	s12 =	simm.s32 $0x2780;
	s8 =	sadd.s32 s8, s10  }
0xb: {  	s4 =	simm.s32 @!p0 $0x4E;
	s10 =	sshrl.u32 s31, $0x3;
	s8 =	sshll.u32 s8, $0x4  }
0xc: {  	s7 =	sadd.s32 s7, s10;
	s10 =	simm.s32 $0x1;
	s8 =	sadd.s32 s5, s8  }
0xd: {  	s5 =	sadd.s32 s11, s2;
	s11 =	simm.s32 $0x80;
	s6 =	sadd.s32 $0xC040, s8  }
0xe: {  	v0 =	vimm.f32 $1.000000000e+00;
	v1 =	vimm.f32 $0.0e+00;
	s8 =	smax.u32 s9, $0x1;
	s9 =	simm.s32 $0x2800;
	s14 =	sshrl.u32 s5, $0x3  }
.LBB2_1:
0xf: {  	[tilespmem:$0x2780] =	vst v0  }
0x10: {  	[tilespmem:$0x2790] =	vst v0  }
0x11: {  	[tilespmem:$0x27A0] =	vst v0  }
0x12: {  	[tilespmem:$0x27B0] =	vst v0  }
0x13: {  	[tilespmem:$0x27C0] =	vst v0  }
0x14: {  	[tilespmem:$0x27D0] =	vst v0  }
0x15: {  	[tilespmem:$0x27E0] =	vst v0  }
0x16: {  	[tilespmem:$0x27F0] =	vst v0  }
0x17: {  	[tilespmem:$0x2800] =	vst v1  }
0x18: {  	[tilespmem:$0x2810] =	vst v1  }
0x19: {  	[tilespmem:$0x2820] =	vst v1  }
0x1a: {  	[tilespmem:$0x2830] =	vst v1  }
0x1b: {  	[tilespmem:$0x2840] =	vst v1  }
0x1c: {  	[tilespmem:$0x2850] =	vst v1  }
0x1d: {  	[tilespmem:$0x2860] =	vst v1  }
0x1e: {  	[tilespmem:$0x2870] =	vst v1  }
0x1f: {  	[tilespmem:$0x2880] =	vst v1  }
0x20: {  	[tilespmem:$0x2890] =	vst v1  }
0x21: {  	[tilespmem:$0x28A0] =	vst v1  }
0x22: {  	[tilespmem:$0x28B0] =	vst v1  }
0x23: {  	[tilespmem:$0x28C0] =	vst v1  }
0x24: {  	[tilespmem:$0x28D0] =	vst v1  }
0x25: {  	[tilespmem:$0x28E0] =	vst v1  }
0x26: {  	[tilespmem:$0x28F0] =	vst v1  }
0x27: {  	[tilespmem:$0x2900] =	vst v1  }
0x28: {  	[tilespmem:$0x2910] =	vst v1  }
0x29: {  	[tilespmem:$0x2920] =	vst v1  }
0x2a: {  	[tilespmem:$0x2930] =	vst v1  }
0x2b: {  	[tilespmem:$0x2940] =	vst v1  }
0x2c: {  	[tilespmem:$0x2950] =	vst v1  }
0x2d: {  	[tilespmem:$0x2960] =	vst v1  }
0x2e: {  	[tilespmem:$0x2970] =	vst v1  }
0x2f: {  	[tilespmem:$0x2980] =	vst v1  }
0x30: {  	[tilespmem:$0x2990] =	vst v1  }
0x31: {  	[tilespmem:$0x29A0] =	vst v1  }
0x32: {  	[tilespmem:$0x29B0] =	vst v1  }
0x33: {  	[tilespmem:$0x29C0] =	vst v1  }
0x34: {  	[tilespmem:$0x29D0] =	vst v1  }
0x35: {  	[tilespmem:$0x29E0] =	vst v1  }
0x36: {  	[tilespmem:$0x29F0] =	vst v1  }
0x37: {  	[tilespmem:$0x2A00] =	vst v1  }
0x38: {  	[tilespmem:$0x2A10] =	vst v1  }
0x39: {  	[tilespmem:$0x2A20] =	vst v1  }
0x3a: {  	[tilespmem:$0x2A30] =	vst v1  }
0x3b: {  	[tilespmem:$0x2A40] =	vst v1  }
0x3c: {  	[tilespmem:$0x2A50] =	vst v1  }
0x3d: {  	[tilespmem:$0x2A60] =	vst v1  }
0x3e: {  	[tilespmem:$0x2A70] =	vst v1  }
0x3f: {  	[spmem:s5] =	stream.linear.scatter [tilespmem:s9], [sflag:$0x1], $0x280, $0x38;
	[tilespmem:$0x2D00] =	vst v63  }
0x40: {  	_ =	swait.ge [sflag:s10], $0x280  }
0x41: {  	[sflag:s10] =	ssyncset.done $0x0  }
0x42: {  	[sflag:s10] =	ssyncadd.s32 $0xFFFFFD80  }
0x43: {  	[bflag:$0x0] =	sbarrier.arrive $0xFFFF  }
0x44: {  	[tilespmem:s3], [sflag:$0x1] =	stream.linear.gather [hbm4b:s6+s3], $0x2780, $0x38;
	[tilespmem:$0x2D00] =	vst v63  }
0x45: {  	p0 =	sne.s32 s4, $0x1;
	_ =	swait.ge [sflag:s10], $0x2780  }
.Ltmp0:
0x46: {  	[sflag:s10] =	ssyncset.done $0x0;
	(pc) =	sbr.rel @!p0 .LBB2_3-.Ltmp0, $4  }
0x47: {  	[sflag:s10] =	ssyncadd.s32 $0xFFFFD880  }
0x48: {  	[spmem:s2] =	stream.indirect.scatter.add.f32 [tilespmem:s12], [sflag:$0x1], $0x1, s3, s11, $0xb8;
	[tilespmem:$0x2D00] =	vst v63  }
0x49: {  	_ =	swait.ge [sflag:s10], $0x80  }
0x4a: {  	s16 =	sadd.s32 $0xFFFFFFFF, s4;
	s17 =	simm.s32 $0x0;
	[sflag:s10] =	ssyncset.done $0x0  }
.LBB2_2:
0x4b: {  	p0 =	sne.s32 s16, $0x1;
	[sflag:s10] =	ssyncadd.s32 $0xFFFFFF80;
	s17 =	sadd.s32 $0x80, s17  }
.Ltmp1:
0x4c: {  	s16 =	sadd.s32 $0xFFFFFFFF, s16;
	(pc) =	sbr.rel @p0 .LBB2_2-.Ltmp1, $4  }
0x4d: {  	_ = 	snop  }
0x4e: {  	[spmem:s2] =	stream.indirect.scatter.add.f32 [tilespmem:s12], [sflag:$0x1], $0x1, s17, s11, $0xb8;
	[tilespmem:$0x2D00] =	vst v63  }
0x4f: {  	_ =	swait.ge [sflag:s10], $0x80  }
0x50: {  	[sflag:s10] =	ssyncset.done $0x0  }
.LBB2_3:
0x51: {  	s15 =	sadd.s32 $0x1, s15  }
0x52: {  	[sflag:s10] =	ssyncadd.s32 $0xFFFFFF80;
	p0 =	sne.s32 s15, s8  }
.Ltmp2:
0x53: {  	[bflag:$0x0] =	sbarrier.arrive $0xFFFF;
	(pc) =	sbr.rel @p0 .LBB2_1-.Ltmp2, $4  }
0x54: {  	[hbm:s7], [sflag:s13] =	dma.local [spmem:s14], $0x50  }
0x55: {  	_ =	swait.ge [sflag:s10], $0x50  }
0x56: {  	[sflag:s10] =	ssyncset.done $0x0  }
0x57: {  	[sflag:s10] =	ssyncadd.s32 $0xFFFFFFB0  }
0x58: {  	_ =	sfence.sel $0x180000  }
0x59: {  	[bflag:$0x0] =	sbarrier.arrive $0xFFFF  }
0x5a: {  	p0 =	sne.s32 s1, $0x0;
	_ =	strace $0x90000047  }
0x5b: {  	s0 =	sadd.s32 @!p0 $0x100000, s0;
	[bflag:$0x2] =	sbarrier.arrive $0xFFFF  }
0x5c: {  	[sflag:s0] =	ssyncadd.tile.s32 @!p0 $0x1;
	_ =	shalt  }
.Lfunc_end2:
_tile_overlayer_lowered:
.L_overlay_start_2:
0x5d: {  	(tag) =	ssettag $0x2  }
0x5e: {  	s0 =	rddreg [dreg:$0x0];
	s2 =	stileid.u32  }
0x5f: {  	s1 =	rddreg [dreg:$0x1];
	p0 =	sne.s32 s2, $0x0  }
0x60: {  	s3 =	rddreg [dreg:$0x2];
	[bflag:$0x3] =	sbarrier.arrive $0xFFFF;
	s2 =	simm.s32 @!p0 $0x1C01  }
0x61: {  	[timem:s3], [sflag:s2] =	dma.local @!p0 [hbm:s0], s1  }
0x62: {  	s0 =	simm.s32 @!p0 $0x1  }
0x63: {  	_ =	swait.ge @!p0 [sflag:s0], s1  }
0x64: {  	s1 =	ssub.s32 @!p0 $0x0, s1;
	[sflag:s0] =	ssyncset.done @!p0 $0x0  }
0x65: {  	[sflag:s0] =	ssyncadd.s32 @!p0 s1  }
0x66: {  	[bflag:$0x3] =	sbarrier.arrive $0xFFFF  }
0x67: {  	_ =	shalt  }

// kernel: kernel.9.cloned.1.call-start
scs
__scs_entry_jumppad:
0x0: {  	(pc) =	sbr.rel $0x88, $3  }
0x1: {  	(tag) =	ssettag $0x0;
	lr =	simm.s32 $0x1  }
0x2: {  	[smem:$0x3F9D] =	sst lr;
	_ =	strace $0xD0000000  }
0x3: {  	_ = 	snop  }
0x4: {  	_ = 	snop  }
0x5: {  	_ = 	snop  }
0x6: {  	_ = 	snop  }
0x7: {  	_ = 	snop  }
__scs_overlays_trampoline_lowered:
0x8: {  	[smem:$0x3FAC] =	sst s0  }
0x9: {  	[smem:$0x3FAD] =	sst s1  }
0xa: {  	[smem:$0x3FAE] =	sst s2  }
0xb: {  	[smem:$0x3FAF] =	sst s3  }
0xc: {  	[smem:$0x3FB0] =	sst s4  }
0xd: {  	[smem:$0x3FB1] =	sst s5  }
0xe: {  	[smem:$0x3FB2] =	sst s6  }
0xf: {  	[smem:$0x3FB3] =	sst s7  }
0x10: {  	[smem:$0x3FB4] =	sst s8  }
0x11: {  	[smem:$0x3FB5] =	sst s9;
	s0 =	simm.s32 @!p0 $0x0  }
0x12: {  	s1 =	sld [smem:$0x3F9B];
	s0 =	simm.s32 @p0 $0x1  }
0x13: {  	[smem:$0x3FB6] =	sst s0;
	s0 =	simm.s32 @!p1 $0x0  }
0x14: {  	s2 =	sld [smem:$0x3F9A];
	s0 =	simm.s32 @p1 $0x1  }
0x15: {  	[smem:$0x3FB7] =	sst s0;
	s0 =	simm.s32 @!p2 $0x0  }
0x16: {  	s3 =	sld [smem:$0x3FDB];
	s0 =	simm.s32 @p2 $0x1  }
0x17: {  	s4 =	simm.s32 $0x1BF5;
	[smem:$0x3FB9] =	sst s0  }
0x18: {  	s0 =	sld [smem:$0x3F9C];
	_ =	swait.ge [sflag:s4], $0x0  }
0x19: {  	s7 =	sld [smem:$0x3F9D]  }
0x1a: {  	s8 =	sadd.s32 $0xFFFFE003, lr  }
0x1b: {  	s9 =	sadd.s32 $0xFFFFFEF7, lr;
	s5 =	simm.s32 $0xFFFFFFFF;
	p2 =	slt.u32 s8, $0xFFFFF086  }
0x1c: {  	p1 =	slt.u32 s9, $0xF7A;
	s5 =	simm.s32 @!p2 $0x0  }
0x1d: {  	s5 =	simm.s32 @p1 $0x1;
	p0 =	seq.s32 s7, s2  }
0x1e: {  	s7 =	smul.u32 @!p0 $0xF7A, s2;
	p2 =	seq.s32 @!p0 s5, $0x0  }
0x1f: {  	s9 =	smul.u32 $0xF7A, s1;
	s8 =	simm.s32 @!p0 $0x1BF5;
	p2 =	por !p2, p0  }
0x20: {  	[sflag:s8] =	ssyncset.s32 @!p0 $0xFFFFF086;
	s6 =	sadd.s32 @!p0 s3, s7;
	s7 =	simm.s32 @!p0 $0x108  }
0x21: {  	s3 =	sadd.s32 s3, s9;
	s6 =	sadd.s32 @!p0 $0x88, s6;
	s7 =	simm.s32 @p2 $0x1082  }
0x22: {  	[simem:s7], [sflag:s8] =	dma.local @!p0 [hbm:s6], $0xF7A  }
0x23: {  	s9 =	sor.u32 $0xD0000000, s2;
	s6 =	simm.s32 $0x108;
	_ =	swait.ge @!p0 [sflag:s8], $0x0  }
0x24: {  	s3 =	sadd.s32 $0x88, s3;
	s6 =	simm.s32 @!p1 $0x1082;
	[sflag:s4] =	ssyncset.s32 $0xFFFFF086  }
0x25: {  	[simem:s6], [sflag:s4] =	dma.local [hbm:s3], $0xF7A  }
0x26: {  	[smem:$0x3F9D] =	sst s1;
	(tag) =	ssettag s2;
	_ =	strace s9  }
0x27: {  	s1 =	sld [smem:$0x3FAD]  }
0x28: {  	s2 =	sld [smem:$0x3FAE]  }
0x29: {  	s4 =	sld [smem:$0x3FB0]  }
0x2a: {  	p0 =	seq.s32 s5, $0x0;
	s5 =	sld [smem:$0x3FB1]  }
0x2b: {  	s6 =	sld [smem:$0x3FB2]  }
0x2c: {  	s7 =	sld [smem:$0x3FB3]  }
0x2d: {  	s3 =	simm.s32 $0x108;
	s8 =	sld [smem:$0x3FB4]  }
0x2e: {  	s3 =	simm.s32 @!p0 $0x1082;
	s9 =	sld [smem:$0x3FB5]  }
0x2f: {  	lr =	sadd.s32 s0, s3;
	s0 =	sld [smem:$0x3FAC]  }
0x30: {  	s3 =	sld [smem:$0x3FAF]  }
0x31: {  	[smem:$0x3FB8] =	sst s10  }
0x32: {  	s10 =	sld [smem:$0x3FB6];
	_ =	sdelay $0x3  }
0x33: {  	p0 =	seq.s32 s10, $0x1;
	s10 =	sld [smem:$0x3FB8];
	_ =	sdelay $0x3  }
0x34: {  	[smem:$0x3FB8] =	sst s10  }
0x35: {  	s10 =	sld [smem:$0x3FB7];
	_ =	sdelay $0x3  }
0x36: {  	p1 =	seq.s32 s10, $0x1;
	s10 =	sld [smem:$0x3FB8];
	_ =	sdelay $0x3  }
0x37: {  	[smem:$0x3FB8] =	sst s10  }
0x38: {  	s10 =	sld [smem:$0x3FB9]  }
0x39: {  	_ = 	snop;
	(pc) =	sbr.ind lr, $3  }
0x3a: {  	_ = 	snop  }
0x3b: {  	_ = 	snop  }
0x3c: {  	p2 =	seq.s32 s10, $0x1;
	s10 =	sld [smem:$0x3FB8]  }
0x3d: {  	_ =	shalt  }
0x3e: {  	_ =	shalt  }
0x3f: {  	_ =	shalt  }
0x40: {  	_ =	shalt  }
0x41: {  	_ =	shalt  }
0x42: {  	_ =	shalt  }
0x43: {  	_ =	shalt  }
0x44: {  	_ =	shalt  }
0x45: {  	_ =	shalt  }
0x46: {  	_ =	shalt  }
0x47: {  	_ =	shalt  }
0x48: {  	_ =	shalt  }
0x49: {  	_ =	shalt  }
0x4a: {  	_ =	shalt  }
0x4b: {  	_ =	shalt  }
0x4c: {  	_ =	shalt  }
0x4d: {  	_ =	shalt  }
0x4e: {  	_ =	shalt  }
0x4f: {  	_ =	shalt  }
0x50: {  	_ =	shalt  }
0x51: {  	_ =	shalt  }
0x52: {  	_ =	shalt  }
0x53: {  	_ =	shalt  }
0x54: {  	_ =	shalt  }
0x55: {  	_ =	shalt  }
0x56: {  	_ =	shalt  }
0x57: {  	_ =	shalt  }
0x58: {  	_ =	shalt  }
0x59: {  	_ =	shalt  }
0x5a: {  	_ =	shalt  }
0x5b: {  	_ =	shalt  }
0x5c: {  	_ =	shalt  }
0x5d: {  	_ =	shalt  }
0x5e: {  	_ =	shalt  }
0x5f: {  	_ =	shalt  }
0x60: {  	_ =	shalt  }
0x61: {  	_ =	shalt  }
0x62: {  	_ =	shalt  }
0x63: {  	_ =	shalt  }
0x64: {  	_ =	shalt  }
0x65: {  	_ =	shalt  }
0x66: {  	_ =	shalt  }
0x67: {  	_ =	shalt  }
0x68: {  	_ =	shalt  }
0x69: {  	_ =	shalt  }
0x6a: {  	_ =	shalt  }
0x6b: {  	_ =	shalt  }
0x6c: {  	_ =	shalt  }
0x6d: {  	_ =	shalt  }
0x6e: {  	_ =	shalt  }
0x6f: {  	_ =	shalt  }
0x70: {  	_ =	shalt  }
0x71: {  	_ =	shalt  }
0x72: {  	_ =	shalt  }
0x73: {  	_ =	shalt  }
0x74: {  	_ =	shalt  }
0x75: {  	_ =	shalt  }
0x76: {  	_ =	shalt  }
0x77: {  	_ =	shalt  }
0x78: {  	_ =	shalt  }
0x79: {  	_ =	shalt  }
0x7a: {  	_ =	shalt  }
0x7b: {  	_ =	shalt  }
0x7c: {  	_ =	shalt  }
0x7d: {  	_ =	shalt  }
0x7e: {  	_ =	shalt  }
0x7f: {  	_ =	shalt  }
0x80: {  	_ =	shalt  }
0x81: {  	_ =	shalt  }
0x82: {  	_ =	shalt  }
0x83: {  	_ =	shalt  }
0x84: {  	_ =	shalt  }
0x85: {  	_ =	shalt  }
0x86: {  	_ =	shalt  }
0x87: {  	_ =	shalt  }
.Lfunc_end0:
.L_simem_size_0:
called_computation.1_lowered:
.L_overlay_start_0:
0x88: {  	s2 =	sld [smem:$0x3FD9]  }
0x89: {  	s3 =	sld [smem:$0x3FFE];
	_ =	sdelay $0x1  }
0x8a: {  	s1 =	srdreg.scid  }
0x8b: {  	s0 =	sand.u32 $0x1, s1  }
0x8c: {  	s17 =	sshll.u32 s0, $0xA;
	s2 =	sadd.s32 s3, s2  }
0x8d: {  	s2 =	sadd.s32 s2, s17  }
0x8e: {  	[smem:$0x3FC4] =	sst s2  }
0x8f: {  	_ = 	snop  }
0x90: {  	s2 =	sld [smem:$0x3FD0];
	(tm) =	ssettm $0x1  }
0x91: {  	s18 =	sld [smem:$0x3FFB];
	_ =	sdelay $0x3  }
0x92: {  	_ =	strace s18  }
0x93: {  	s3 =	sld [smem:$0x3FFC];
	_ =	sdelay $0x3  }
0x94: {  	_ =	strace s3  }
0x95: {  	s3 =	sld [smem:$0x3FFD];
	_ =	sdelay $0x3  }
0x96: {  	_ =	strace s3  }
0x97: {  	_ =	strace $0x8FFFFFFF  }
0x98: {  	s19 =	sld [smem:$0x3FDB];
	_ =	sdelay $0x1  }
0x99: {  	s4 =	simm.s32 $_scs_section_size  }
0x9a: {  	s5 =	simm.s32 $_size__tile_overlayer_lowered;
	s6 =	simm.s32 $_tile_overlayer_lowered  }
0x9b: {  	s22 =	simm.s32 $0x1BFF;
	s21 =	sshll.u32 s6, $0x1;
	s3 =	sadd.s32 s4, s19  }
0x9c: {  	s7 =	simm.s32 $0x0;
	s20 =	sshll.u32 s5, $0x1;
	s5 =	sadd.s32 s21, s3  }
0x9d: {  	[timem:s7], [sflag:s22] =	dma.local [hbm:s5], s20  }
0x9e: {  	_ =	swait.ge [sflag:s22], s20  }
0x9f: {  	s4 =	ssub.s32 $0x0, s20;
	[sflag:s22] =	ssyncset.done $0x0  }
0xa0: {  	[sflag:s22] =	ssyncadd.s32 s4;
	_ =	sdelay $0x1  }
0xa1: {  	s23 =	simm.s32 $0x1B8B  }
0xa2: {  	_ =	swait.ge [sflag:s23], $0x1  }
0xa3: {  	[sflag:s23] =	ssyncset.done $0x0  }
0xa4: {  	s25 =	simm.s32 $0x1B8E;
	s24 =	sld [smem:$0x3FFE];
	[sflag:s23] =	ssyncadd.s32 $0xFFFFFFFF  }
0xa5: {  	s26 =	simm.s32 $execute0_lowered;
	[smem:$0x3FD2] =	sst s25  }
0xa6: {  	s5 =	sshll.u32 s26, $0x1;
	_ =	strace $0x80000049;
	[dreg:$0x1] =	wrdreg $0xFFFFFFFF  }
0xa7: {  	s28 =	simm.s32 $_size_execute0_lowered;
	s3 =	sadd.s32 s3, s5;
	[dreg:$0x0] =	wrdreg $0x0  }
0xa8: {  	s5 =	sshll.u32 s28, $0x1;
	[dreg:$0x2] =	wrdreg s3  }
0xa9: {  	[dreg:$0x3] =	wrdreg s5  }
0xaa: {  	[dreg:$0x4] =	wrdreg $0xC0  }
0xab: {  	_ =	task [dreg:s7], $0x5FFFF  }
0xac: {  	[dreg:$0x1] =	wrdreg $0xFFFFFFFF  }
0xad: {  	[dreg:$0x0] =	wrdreg $0x60  }
0xae: {  	[dreg:$0x2] =	wrdreg s2  }
0xaf: {  	[dreg:$0x3] =	wrdreg s24  }
0xb0: {  	[dreg:$0x4] =	wrdreg $0xB8000  }
0xb1: {  	[dreg:$0x5] =	wrdreg $0x9  }
0xb2: {  	_ =	task.clear_ibuf [dreg:s7], $0x6FFFF;
	_ =	strace $0x90000049  }
0xb3: {  	s29 =	simm.s32 $0x9;
	_ =	strace $0x8000004B  }
0xb4: {  	_ =	swait.ge [sflag:s29], $0x1  }
0xb5: {  	[sflag:s29] =	ssyncadd.s32 $0xFFFFFFFF  }
0xb6: {  	_ =	strace $0x9000004B  }
0xb7: {  	_ =	sfence  }
0xb8: {  	s30 =	sld [smem:$0x0];
	_ =	sdelay $0x2  }
0xb9: {  	s31 =	sshll.u32 s1, $0xD;
	s1 =	sshrl.u32 s1, $0x2  }
0xba: {  	s3 =	sand.u32 $0x4000, s31;
	s1 =	sadd.s32 s1, s30  }
0xbb: {  	s0 =	sor.u32 s3, s0;
	s1 =	sshll.u32 s1, $0x11  }
0xbc: {  	s0 =	sor.u32 s1, s0  }
0xbd: {  	s0 =	sadd.s32 $0x8F2B, s0  }
0xbe: {  	[sflag:s0] =	ssyncadd.remote.s32 $0x1  }
0xbf: {  	_ =	sfence.sel $0xFFFF  }
0xc0: {  	[dreg:$0x0] =	wrdreg $0xFFFFFFFF;
	(pc) =	sbr.abs _section_cstart, $3  }
0xc1: {  	[dreg:$0x1] =	wrdreg $0xFFFFFFFF  }
0xc2: {  	_ =	task.clear_ibuf [dreg:s7], $0x2FFFF;
	_ =	strace $0x9FFFFFFF  }
0xc3: {  	(tm) =	ssettm $0x7FFFFFFF  }
tec
execute0_lowered:
.L_overlay_start_1:
0x0: {  	(tag) =	ssettag $0x1  }
0x1: {  	s0 =	rddreg [dreg:$0x1]  }
0x2: {  	s2 =	simm.s32 $0x0;
	s1 =	srdreg.scid;
	s25 =	stileid.u32  }
0x3: {  	s13 =	simm.s32 $0x4F;
	s28 =	rddreg [dreg:$0x2];
	s16 =	sand.u32 $0x1, s1  }
0x4: {  	s29 =	simm.s32 $0x2;
	[smem:$0x7FF] =	sst s2;
	s1 =	sshll.u32 s16, $0x4  }
0x5: {  	s17 =	sadd.s32 $0x2400, s0;
	s22 =	ssub.s32 $0x2, s16;
	s1 =	sor.u32 s25, s1  }
0x6: {  	s19 =	sadd.s32 $0xC200, s0;
	s3 =	sshrl.u32 s22, $0x1;
	s4 =	smul.u32 $0x4E, s1  }
0x7: {  	s0 =	sadd.s32 $0x16000, s0;
	s18 =	ssub.s32 s22, s3;
	s22 =	smul.u32 $0x14000, s25  }
0x8: {  	s23 =	smax.u32 s1, $0x1C;
	p0 =	sgt.u32 s1, $0x1B;
	s25 =	smul.u32 $0x50000, s25  }
0x9: {  	s13 =	simm.s32 @!p0 $0x4E;
	s2 =	sadd.s32 s4, s23;
	s1 =	sor.u32 $0x1000, s22  }
0xa: {  	s3 =	sor.u32 $0x3000, s22;
	s4 =	sadd.s32 $0x4000, s22;
	s5 =	sadd.s32 $0x5000, s22  }
0xb: {  	s6 =	sadd.s32 $0x6000, s22;
	s7 =	sadd.s32 $0x7000, s22;
	s8 =	sadd.s32 $0x8000, s22  }
0xc: {  	s9 =	sadd.s32 $0x9000, s22;
	s10 =	sadd.s32 $0xA000, s22;
	s11 =	sadd.s32 $0xB000, s22  }
0xd: {  	s12 =	sadd.s32 $0xC000, s22;
	s14 =	sadd.s32 $0xE000, s22;
	s20 =	sadd.s32 $0xFFFFFFE4, s2  }
0xe: {  	s2 =	sor.u32 $0x2000, s22;
	s15 =	sadd.s32 s13, s20;
	s20 =	sshll.u32 s20, $0x4  }
0xf: {  	s31 =	sadd.s32 s1, s28;
	s13 =	sadd.s32 $0xD000, s22;
	s23 =	sadd.s32 s17, s20  }
0x10: {  	s21 =	sshll.u32 s15, $0x7;
	s26 =	sadd.s32 s19, s20;
	[dreg:$0x4] =	wrdreg s23  }
0x11: {  	s15 =	sadd.s32 $0xF000, s22;
	s21 =	sadd.s32 $0xFFFFEC00, s21;
	[dreg:$0x5] =	wrdreg s26  }
0x12: {  	s24 =	sshrl.u32 s21, $0x3;
	s21 =	smul.u32 $0x140000, s16;
	s16 =	sadd.s32 $0x11000, s22  }
0x13: {  	s20 =	sadd.s32 s17, s24;
	s24 =	sadd.s32 s19, s24;
	s19 =	sadd.s32 $0x10000, s22  }
0x14: {  	s17 =	sadd.s32 $0x13000, s22;
	[dreg:$0x6] =	wrdreg s20;
	s26 =	sadd.s32 s22, s21  }
0x15: {  	[dreg:$0x7] =	wrdreg s24;
	s20 =	sadd.s32 $0x12000, s22;
	s23 =	sshrl.u32 s26, $0x3  }
0x16: {  	s24 =	sadd.s32 s21, s1;
	s26 =	sadd.s32 s21, s2;
	s22 =	sadd.s32 s0, s23  }
0x17: {  	s2 =	sadd.s32 s2, s28;
	s23 =	sshrl.u32 s26, $0x3;
	[dreg:$0x8] =	wrdreg s22  }
0x18: {  	s22 =	sshrl.u32 s24, $0x3;
	s24 =	sadd.s32 s21, s3;
	s23 =	sadd.s32 s0, s23  }
0x19: {  	s22 =	sadd.s32 s0, s22;
	[dreg:$0xa] =	wrdreg s23;
	s26 =	sshrl.u32 s24, $0x3  }
0x1a: {  	s23 =	sadd.s32 s21, s4;
	[dreg:$0x9] =	wrdreg s22;
	s22 =	sadd.s32 s0, s26  }
0x1b: {  	s24 =	sadd.s32 s21, s5;
	[dreg:$0xb] =	wrdreg s22;
	s22 =	sshrl.u32 s23, $0x3  }
0x1c: {  	s26 =	sadd.s32 s21, s6;
	s23 =	sshrl.u32 s24, $0x3;
	s22 =	sadd.s32 s0, s22  }
0x1d: {  	s26 =	sshrl.u32 s26, $0x3;
	s23 =	sadd.s32 s0, s23;
	[dreg:$0xc] =	wrdreg s22  }
0x1e: {  	[dreg:$0xd] =	wrdreg s23;
	s22 =	sadd.s32 s0, s26;
	s23 =	sadd.s32 s21, s7  }
0x1f: {  	s24 =	sadd.s32 s21, s8;
	[dreg:$0xe] =	wrdreg s22;
	s22 =	sshrl.u32 s23, $0x3  }
0x20: {  	s26 =	sadd.s32 s21, s9;
	s23 =	sshrl.u32 s24, $0x3;
	s22 =	sadd.s32 s0, s22  }
0x21: {  	s26 =	sshrl.u32 s26, $0x3;
	s23 =	sadd.s32 s0, s23;
	[dreg:$0xf] =	wrdreg s22  }
0x22: {  	[dreg:$0x10] =	wrdreg s23;
	s22 =	sadd.s32 s0, s26;
	s23 =	sadd.s32 s21, s10  }
0x23: {  	s24 =	sadd.s32 s21, s11;
	[dreg:$0x11] =	wrdreg s22;
	s22 =	sshrl.u32 s23, $0x3  }
0x24: {  	s26 =	sadd.s32 s21, s12;
	s23 =	sshrl.u32 s24, $0x3;
	s22 =	sadd.s32 s0, s22  }
0x25: {  	s26 =	sshrl.u32 s26, $0x3;
	s23 =	sadd.s32 s0, s23;
	[dreg:$0x12] =	wrdreg s22  }
0x26: {  	[dreg:$0x13] =	wrdreg s23;
	s22 =	sadd.s32 s0, s26;
	s23 =	sadd.s32 s21, s13  }
0x27: {  	s24 =	sadd.s32 s21, s14;
	[dreg:$0x14] =	wrdreg s22;
	s22 =	sshrl.u32 s23, $0x3  }
0x28: {  	s26 =	sadd.s32 s21, s15;
	s23 =	sshrl.u32 s24, $0x3;
	s22 =	sadd.s32 s0, s22  }
0x29: {  	s26 =	sshrl.u32 s26, $0x3;
	s23 =	sadd.s32 s0, s23;
	[dreg:$0x15] =	wrdreg s22  }
0x2a: {  	[dreg:$0x16] =	wrdreg s23;
	s22 =	sadd.s32 s0, s26;
	s23 =	sadd.s32 s21, s19  }
0x2b: {  	s24 =	sadd.s32 s21, s16;
	[dreg:$0x17] =	wrdreg s22;
	s22 =	sshrl.u32 s23, $0x3  }
0x2c: {  	s23 =	sshrl.u32 s24, $0x3;
	s24 =	sadd.s32 s21, s20;
	s22 =	sadd.s32 s0, s22  }
0x2d: {  	s26 =	sadd.s32 s0, s23;
	s23 =	sshrl.u32 s24, $0x3;
	s24 =	rddreg [dreg:$0x0]  }
0x2e: {  	s3 =	sadd.s32 s3, s28;
	s21 =	sadd.s32 s21, s17;
	[dreg:$0x18] =	wrdreg s22  }
0x2f: {  	s21 =	sshrl.u32 s21, $0x3;
	[dreg:$0x19] =	wrdreg s26;
	s22 =	sadd.s32 s0, s23  }
0x30: {  	s4 =	sadd.s32 s4, s28;
	s0 =	sadd.s32 s0, s21;
	[dreg:$0x1a] =	wrdreg s22  }
0x31: {  	s17 =	sadd.s32 s17, s28;
	s26 =	sshrl.u32 s25, $0x2;
	[dreg:$0x1b] =	wrdreg s0  }
0x32: {  	s21 =	simm.s32 $0x1;
	_ =	strace $0x8000004A;
	[dreg:$0x1c] =	wrdreg s2  }
0x33: {  	s25 =	smax.u32 s18, $0x1;
	s18 =	simm.s32 $0x80;
	[dreg:$0x1d] =	wrdreg s3  }
0x34: {  	s30 =	sadd.s32 s26, s28;
	s21 =	simm.s32 @!p0 $0x2;
	[dreg:$0x1e] =	wrdreg s4  }
0x35: {  	s2 =	sadd.s32 s5, s28;
	s3 =	sadd.s32 s6, s28;
	s4 =	sadd.s32 s7, s28  }
0x36: {  	s5 =	sadd.s32 s8, s28;
	s6 =	sadd.s32 s9, s28;
	s7 =	sadd.s32 s10, s28  }
0x37: {  	s8 =	sadd.s32 s11, s28;
	s9 =	sadd.s32 s12, s28;
	s10 =	sadd.s32 s13, s28  }
0x38: {  	s11 =	sadd.s32 s14, s28;
	s12 =	sadd.s32 s15, s28;
	s13 =	sadd.s32 s19, s28  }
0x39: {  	s14 =	sshll.u32 s21, $0xE;
	s15 =	sadd.s32 s16, s28;
	s16 =	sadd.s32 s20, s28  }
0x3a: {  	s23 =	sshll.u32 s21, $0x7;
	[smem:$0x7FB] =	sst s25;
	s21 =	simm.s32 $0x1  }
0x3b: {  	s20 =	sand.u32 $0x4000, s14;
	s26 =	sor.u32 $0x1400, s23;
	[smem:$0x7FD] =	sst s23  }
0x3c: {  	s23 =	sadd.s32 $0x80, s23;
	s22 =	sor.u32 $0x2800, s20;
	[smem:$0x7FC] =	sst s26  }
0x3d: {  	v0 =	vimm.f32 $0.0e+00;
	s26 =	simm.s32 $0xA800;
	s20 =	simm.s32 $0x0;
	[dreg:$0x1f] =	wrdreg s22  }
.LBB2_1:
0x3e: {  	s19 =	simm.s32 $0x0;
	s22 =	simm.s32 $0x200  }
.LBB2_2:
0x3f: {  	p0 =	sne.s32 s22, $0x3E00;
	[tilespmem:s19+$0xA870] =	vst v0  }
0x40: {  	[tilespmem:s19+$0xA800] =	vst v0  }
0x41: {  	[tilespmem:s19+$0xA810] =	vst v0  }
.Ltmp0:
0x42: {  	[tilespmem:s19+$0xA820] =	vst v0;
	(pc) =	sbr.rel @p0 .LBB2_2-.Ltmp0, $4  }
0x43: {  	[tilespmem:s19+$0xA830] =	vst v0  }
0x44: {  	[tilespmem:s19+$0xA840] =	vst v0  }
0x45: {  	[tilespmem:s19+$0xA850] =	vst v0  }
0x46: {  	[tilespmem:s19+$0xA860] =	vst v0;
	s19 =	sshra.s32 s22, $0x2;
	s22 =	sadd.s32 $0x200, s22  }
0x47: {  	[tilespmem:s19+$0xA870] =	vst v0  }
0x48: {  	[tilespmem:s19+$0xA800] =	vst v0  }
0x49: {  	[tilespmem:s19+$0xA810] =	vst v0  }
0x4a: {  	[tilespmem:s19+$0xA820] =	vst v0  }
0x4b: {  	[tilespmem:s19+$0xA830] =	vst v0  }
0x4c: {  	[tilespmem:s19+$0xA840] =	vst v0  }
0x4d: {  	[tilespmem:s19+$0xA850] =	vst v0  }
0x4e: {  	[tilespmem:s19+$0xA860] =	vst v0  }
0x4f: {  	[spmem:s30] =	stream.linear.scatter [tilespmem:s26], [sflag:$0x2], $0x1000, $0x38;
	[tilespmem:$0x1F800] =	vst v63  }
0x50: {  	_ =	swait.ge [sflag:s29], $0x1000  }
0x51: {  	[sflag:s29] =	ssyncset.done $0x0  }
0x52: {  	[sflag:s29] =	ssyncadd.s32 $0xFFFFF000  }
0x53: {  	[spmem:s31] =	stream.linear.scatter [tilespmem:s26], [sflag:$0x2], $0x1000, $0x38;
	[tilespmem:$0x1F800] =	vst v63  }
0x54: {  	_ =	swait.ge [sflag:s29], $0x1000  }
0x55: {  	[sflag:s29] =	ssyncset.done $0x0  }
0x56: {  	s25 =	rddreg [dreg:$0x1c];
	[sflag:s29] =	ssyncadd.s32 $0xFFFFF000  }
0x57: {  	[spmem:s25] =	stream.linear.scatter [tilespmem:s26], [sflag:$0x2], $0x1000, $0x38;
	[tilespmem:$0x1F800] =	vst v63  }
0x58: {  	_ =	swait.ge [sflag:s29], $0x1000  }
0x59: {  	[sflag:s29] =	ssyncset.done $0x0  }
0x5a: {  	s22 =	rddreg [dreg:$0x1d];
	[sflag:s29] =	ssyncadd.s32 $0xFFFFF000  }
0x5b: {  	[spmem:s22] =	stream.linear.scatter [tilespmem:s26], [sflag:$0x2], $0x1000, $0x38;
	[tilespmem:$0x1F800] =	vst v63  }
0x5c: {  	_ =	swait.ge [sflag:s29], $0x1000  }
0x5d: {  	[sflag:s29] =	ssyncset.done $0x0  }
0x5e: {  	s25 =	rddreg [dreg:$0x1e];
	[sflag:s29] =	ssyncadd.s32 $0xFFFFF000  }
0x5f: {  	[spmem:s25] =	stream.linear.scatter [tilespmem:s26], [sflag:$0x2], $0x1000, $0x38;
	[tilespmem:$0x1F800] =	vst v63  }
0x60: {  	_ =	swait.ge [sflag:s29], $0x1000  }
0x61: {  	[sflag:s29] =	ssyncset.done $0x0  }
0x62: {  	[sflag:s29] =	ssyncadd.s32 $0xFFFFF000  }
0x63: {  	[spmem:s2] =	stream.linear.scatter [tilespmem:s26], [sflag:$0x2], $0x1000, $0x38;
	[tilespmem:$0x1F800] =	vst v63  }
0x64: {  	_ =	swait.ge [sflag:s29], $0x1000  }
0x65: {  	[sflag:s29] =	ssyncset.done $0x0  }
0x66: {  	[sflag:s29] =	ssyncadd.s32 $0xFFFFF000  }
0x67: {  	[spmem:s3] =	stream.linear.scatter [tilespmem:s26], [sflag:$0x2], $0x1000, $0x38;
	[tilespmem:$0x1F800] =	vst v63  }
0x68: {  	_ =	swait.ge [sflag:s29], $0x1000  }
0x69: {  	[sflag:s29] =	ssyncset.done $0x0  }
0x6a: {  	[sflag:s29] =	ssyncadd.s32 $0xFFFFF000  }
0x6b: {  	[spmem:s4] =	stream.linear.scatter [tilespmem:s26], [sflag:$0x2], $0x1000, $0x38;
	[tilespmem:$0x1F800] =	vst v63  }
0x6c: {  	_ =	swait.ge [sflag:s29], $0x1000  }
0x6d: {  	[sflag:s29] =	ssyncset.done $0x0  }
0x6e: {  	[sflag:s29] =	ssyncadd.s32 $0xFFFFF000  }
0x6f: {  	[spmem:s5] =	stream.linear.scatter [tilespmem:s26], [sflag:$0x2], $0x1000, $0x38;
	[tilespmem:$0x1F800] =	vst v63  }
0x70: {  	_ =	swait.ge [sflag:s29], $0x1000  }
0x71: {  	[sflag:s29] =	ssyncset.done $0x0  }
0x72: {  	[sflag:s29] =	ssyncadd.s32 $0xFFFFF000  }
0x73: {  	[spmem:s6] =	stream.linear.scatter [tilespmem:s26], [sflag:$0x2], $0x1000, $0x38;
	[tilespmem:$0x1F800] =	vst v63  }
0x74: {  	_ =	swait.ge [sflag:s29], $0x1000  }
0x75: {  	[sflag:s29] =	ssyncset.done $0x0  }
0x76: {  	[sflag:s29] =	ssyncadd.s32 $0xFFFFF000  }
0x77: {  	[spmem:s7] =	stream.linear.scatter [tilespmem:s26], [sflag:$0x2], $0x1000, $0x38;
	[tilespmem:$0x1F800] =	vst v63  }
0x78: {  	_ =	swait.ge [sflag:s29], $0x1000  }
0x79: {  	[sflag:s29] =	ssyncset.done $0x0  }
0x7a: {  	[sflag:s29] =	ssyncadd.s32 $0xFFFFF000  }
0x7b: {  	[spmem:s8] =	stream.linear.scatter [tilespmem:s26], [sflag:$0x2], $0x1000, $0x38;
	[tilespmem:$0x1F800] =	vst v63  }
0x7c: {  	_ =	swait.ge [sflag:s29], $0x1000  }
0x7d: {  	[sflag:s29] =	ssyncset.done $0x0  }
0x7e: {  	[sflag:s29] =	ssyncadd.s32 $0xFFFFF000  }
0x7f: {  	[spmem:s9] =	stream.linear.scatter [tilespmem:s26], [sflag:$0x2], $0x1000, $0x38;
	[tilespmem:$0x1F800] =	vst v63  }
0x80: {  	_ =	swait.ge [sflag:s29], $0x1000  }
0x81: {  	[sflag:s29] =	ssyncset.done $0x0  }
0x82: {  	[sflag:s29] =	ssyncadd.s32 $0xFFFFF000  }
0x83: {  	[spmem:s10] =	stream.linear.scatter [tilespmem:s26], [sflag:$0x2], $0x1000, $0x38;
	[tilespmem:$0x1F800] =	vst v63  }
0x84: {  	_ =	swait.ge [sflag:s29], $0x1000  }
0x85: {  	[sflag:s29] =	ssyncset.done $0x0  }
0x86: {  	[sflag:s29] =	ssyncadd.s32 $0xFFFFF000  }
0x87: {  	[spmem:s11] =	stream.linear.scatter [tilespmem:s26], [sflag:$0x2], $0x1000, $0x38;
	[tilespmem:$0x1F800] =	vst v63  }
0x88: {  	_ =	swait.ge [sflag:s29], $0x1000  }
0x89: {  	[sflag:s29] =	ssyncset.done $0x0  }
0x8a: {  	[sflag:s29] =	ssyncadd.s32 $0xFFFFF000  }
0x8b: {  	[spmem:s12] =	stream.linear.scatter [tilespmem:s26], [sflag:$0x2], $0x1000, $0x38;
	[tilespmem:$0x1F800] =	vst v63  }
0x8c: {  	_ =	swait.ge [sflag:s29], $0x1000  }
0x8d: {  	[sflag:s29] =	ssyncset.done $0x0  }
0x8e: {  	[sflag:s29] =	ssyncadd.s32 $0xFFFFF000  }
0x8f: {  	[spmem:s13] =	stream.linear.scatter [tilespmem:s26], [sflag:$0x2], $0x1000, $0x38;
	[tilespmem:$0x1F800] =	vst v63  }
0x90: {  	_ =	swait.ge [sflag:s29], $0x1000  }
0x91: {  	[sflag:s29] =	ssyncset.done $0x0  }
0x92: {  	[sflag:s29] =	ssyncadd.s32 $0xFFFFF000  }
0x93: {  	[spmem:s15] =	stream.linear.scatter [tilespmem:s26], [sflag:$0x2], $0x1000, $0x38;
	[tilespmem:$0x1F800] =	vst v63  }
0x94: {  	_ =	swait.ge [sflag:s29], $0x1000  }
0x95: {  	[sflag:s29] =	ssyncset.done $0x0  }
0x96: {  	[sflag:s29] =	ssyncadd.s32 $0xFFFFF000  }
0x97: {  	[spmem:s16] =	stream.linear.scatter [tilespmem:s26], [sflag:$0x2], $0x1000, $0x38;
	[tilespmem:$0x1F800] =	vst v63  }
0x98: {  	_ =	swait.ge [sflag:s29], $0x1000  }
0x99: {  	[sflag:s29] =	ssyncset.done $0x0  }
0x9a: {  	[sflag:s29] =	ssyncadd.s32 $0xFFFFF000  }
0x9b: {  	[spmem:s17] =	stream.linear.scatter [tilespmem:s26], [sflag:$0x2], $0x1000, $0x38;
	[tilespmem:$0x1F800] =	vst v63  }
0x9c: {  	_ =	swait.ge [sflag:s29], $0x1000  }
0x9d: {  	[sflag:s29] =	ssyncset.done $0x0  }
0x9e: {  	[sflag:s29] =	ssyncadd.s32 $0xFFFFF000  }
0x9f: {  	[bflag:$0x0] =	sbarrier.arrive $0xFFFF  }
0xa0: {  	s0 =	smov.u32 s31;
	s31 =	simm.s32 $0x0;
	s22 =	rddreg [dreg:$0x4]  }
0xa1: {  	[tilespmem:s31], [sflag:$0x2] =	stream.linear.gather [hbm4b:s22+s31], $0x1400, $0x38;
	[tilespmem:$0x1F800] =	vst v63  }
0xa2: {  	_ =	swait.ge [sflag:s29], $0x1400  }
0xa3: {  	[sflag:s29] =	ssyncset.done $0x0  }
0xa4: {  	s22 =	simm.s32 $0x1400;
	s25 =	rddreg [dreg:$0x5];
	[sflag:s29] =	ssyncadd.s32 $0xFFFFEC00  }
0xa5: {  	[tilespmem:s22], [sflag:$0x2] =	stream.linear.gather [hbm4b:s25+s31], $0x1400, $0x38;
	[tilespmem:$0x1F800] =	vst v63  }
0xa6: {  	_ =	swait.ge [sflag:s29], $0x1400  }
0xa7: {  	s1 =	smov.u32 s30;
	s19 =	simm.s32 $0x80;
	[sflag:s29] =	ssyncset.done $0x0  }
0xa8: {  	s30 =	simm.s32 $0x4000;
	s25 =	simm.s32 $0x2800;
	[sflag:s29] =	ssyncadd.s32 $0xFFFFEC00  }
0xa9: {  	[tilespmem:s25], [sflag:$0x1] =	stream.indirect.gather [hbm4b:s24+s19], $0x80, s31, s19, $0xb8;
	[tilespmem:$0x1F800] =	vst v63  }
0xaa: {  	s25 =	sand.u32 $0x4000, s30  }
0xab: {  	s25 =	sor.u32 $0x2800, s25  }
0xac: {  	[tilespmem:s25], [sflag:$0x1] =	stream.indirect.gather [hbm4b:s24+s18], $0x80, s19, s18, $0xb8;
	[tilespmem:$0x1F800] =	vst v63  }
0xad: {  	_ =	swait.ge [sflag:s21], $0x4000  }
0xae: {  	s25 =	sand.u32 $0x4000, s31;
	[sflag:s21] =	ssyncset.done $0x0  }
0xaf: {  	s31 =	sor.u32 $0x2800, s25;
	[sflag:s21] =	ssyncadd.s32 $0xFFFFC000  }
.LBB2_4:
0xb0: {  	[spmem:s28] =	stream.indirect.scatter.add.f32 [tilespmem:s31], [sflag:$0x2], $0x80, s22, s18, $0xb8;
	[tilespmem:$0x1F800] =	vst v63  }
0xb1: {  	s25 =	smov.u32 s30  }
0xb2: {  	p0 =	sne.s32 s30, $0x98000;
	s30 =	sadd.s32 $0x4000, s30;
	_ =	swait.ge [sflag:s29], $0x4000  }
0xb3: {  	s19 =	sadd.s32 $0x80, s19;
	s31 =	sand.u32 $0x4000, s30;
	[sflag:s29] =	ssyncset.done $0x0  }
.Ltmp1:
0xb4: {  	s31 =	sor.u32 $0x2800, s31;
	[sflag:s29] =	ssyncadd.s32 $0xFFFFC000;
	(pc) =	sbr.rel @p0 .LBB2_4-.Ltmp1, $4  }
0xb5: {  	[tilespmem:s31], [sflag:$0x1] =	stream.indirect.gather [hbm4b:s24+s18], $0x80, s19, s18, $0xb8;
	[tilespmem:$0x1F800] =	vst v63  }
0xb6: {  	_ =	swait.ge [sflag:s21], $0x4000  }
0xb7: {  	s25 =	sand.u32 $0x4000, s25;
	[sflag:s21] =	ssyncset.done $0x0  }
0xb8: {  	s22 =	sadd.s32 $0x80, s22;
	s31 =	sor.u32 $0x2800, s25;
	[sflag:s21] =	ssyncadd.s32 $0xFFFFC000  }
0xb9: {  	[spmem:s28] =	stream.indirect.scatter.add.f32 [tilespmem:s31], [sflag:$0x2], $0x80, s22, s18, $0xb8;
	[tilespmem:$0x1F800] =	vst v63  }
0xba: {  	_ =	swait.ge [sflag:s29], $0x4000  }
0xbb: {  	[sflag:s29] =	ssyncset.done $0x0  }
0xbc: {  	[sflag:s29] =	ssyncadd.s32 $0xFFFFC000  }
0xbd: {  	_ =	swait.ge [sflag:s21], $0x4000  }
0xbe: {  	[sflag:s21] =	ssyncset.done $0x0  }
0xbf: {  	s19 =	simm.s32 $0x2780;
	s25 =	simm.s32 $0x6800;
	[sflag:s21] =	ssyncadd.s32 $0xFFFFC000  }
0xc0: {  	[spmem:s28] =	stream.indirect.scatter.add.f32 [tilespmem:s25], [sflag:$0x2], $0x80, s19, s18, $0xb8;
	[tilespmem:$0x1F800] =	vst v63  }
0xc1: {  	_ =	swait.ge [sflag:s29], $0x4000  }
0xc2: {  	[sflag:s29] =	ssyncset.done $0x0  }
0xc3: {  	s19 =	simm.s32 $0x0;
	s25 =	rddreg [dreg:$0x6];
	[sflag:s29] =	ssyncadd.s32 $0xFFFFC000  }
0xc4: {  	[tilespmem:s19], [sflag:$0x2] =	stream.linear.gather [hbm4b:s25+s19], $0x1400, $0x38;
	[tilespmem:$0x1F800] =	vst v63  }
0xc5: {  	_ =	swait.ge [sflag:s29], $0x1400  }
0xc6: {  	[sflag:s29] =	ssyncset.done $0x0  }
0xc7: {  	s25 =	simm.s32 $0x1400;
	s22 =	rddreg [dreg:$0x7];
	[sflag:s29] =	ssyncadd.s32 $0xFFFFEC00  }
0xc8: {  	[tilespmem:s25], [sflag:$0x2] =	stream.linear.gather [hbm4b:s22+s19], $0x1400, $0x38;
	[tilespmem:$0x1F800] =	vst v63  }
0xc9: {  	_ =	swait.ge [sflag:s29], $0x1400  }
0xca: {  	s25 =	sld [smem:$0x7FD]  }
0xcb: {  	[sflag:s29] =	ssyncset.done $0x0  }
0xcc: {  	s22 =	rddreg [dreg:$0x1f];
	[sflag:s29] =	ssyncadd.s32 $0xFFFFEC00  }
0xcd: {  	[tilespmem:s22], [sflag:$0x1] =	stream.indirect.gather [hbm4b:s24+s18], $0x80, s25, s18, $0xb8;
	[tilespmem:$0x1F800] =	vst v63  }
0xce: {  	s22 =	sadd.s32 $0x4000, s14  }
0xcf: {  	s25 =	sand.u32 $0x4000, s22  }
0xd0: {  	p0 =	sne.s32 s14, $0x98000;
	s19 =	sor.u32 $0x2800, s25  }
0xd1: {  	[tilespmem:s19], [sflag:$0x1] =	stream.indirect.gather [hbm4b:s24+s18], $0x80, s23, s18, $0xb8;
	[tilespmem:$0x1F800] =	vst v63  }
.Ltmp2:
0xd2: {  	_ = 	snop;
	(pc) =	sbr.rel @!p0 .LBB2_7-.Ltmp2, $4  }
0xd3: {  	_ =	swait.ge [sflag:s21], $0x4000  }
0xd4: {  	s19 =	sld [smem:$0x7FC]  }
0xd5: {  	s25 =	sand.u32 $0x4000, s14;
	[sflag:s21] =	ssyncset.done $0x0  }
0xd6: {  	s30 =	smov.u32 s23;
	s31 =	sor.u32 $0x2800, s25;
	[sflag:s21] =	ssyncadd.s32 $0xFFFFC000  }
.LBB2_6:
0xd7: {  	[spmem:s28] =	stream.indirect.scatter.add.f32 [tilespmem:s31], [sflag:$0x2], $0x80, s19, s18, $0xb8;
	[tilespmem:$0x1F800] =	vst v63  }
0xd8: {  	s25 =	smov.u32 s22  }
0xd9: {  	p0 =	sne.s32 s22, $0x98000;
	s22 =	sadd.s32 $0x4000, s22;
	_ =	swait.ge [sflag:s29], $0x4000  }
0xda: {  	s30 =	sadd.s32 $0x80, s30;
	s31 =	sand.u32 $0x4000, s22;
	[sflag:s29] =	ssyncset.done $0x0  }
.Ltmp3:
0xdb: {  	s31 =	sor.u32 $0x2800, s31;
	[sflag:s29] =	ssyncadd.s32 $0xFFFFC000;
	(pc) =	sbr.rel @p0 .LBB2_6-.Ltmp3, $4  }
0xdc: {  	[tilespmem:s31], [sflag:$0x1] =	stream.indirect.gather [hbm4b:s24+s18], $0x80, s30, s18, $0xb8;
	[tilespmem:$0x1F800] =	vst v63  }
0xdd: {  	_ =	swait.ge [sflag:s21], $0x4000  }
0xde: {  	s25 =	sand.u32 $0x4000, s25;
	[sflag:s21] =	ssyncset.done $0x0  }
0xdf: {  	s19 =	sadd.s32 $0x80, s19;
	s31 =	sor.u32 $0x2800, s25;
	[sflag:s21] =	ssyncadd.s32 $0xFFFFC000  }
.LBB2_7:
0xe0: {  	[spmem:s28] =	stream.indirect.scatter.add.f32 [tilespmem:s31], [sflag:$0x2], $0x80, s19, s18, $0xb8;
	[tilespmem:$0x1F800] =	vst v63  }
0xe1: {  	_ =	swait.ge [sflag:s29], $0x4000  }
0xe2: {  	[sflag:s29] =	ssyncset.done $0x0  }
0xe3: {  	[sflag:s29] =	ssyncadd.s32 $0xFFFFC000  }
0xe4: {  	_ =	swait.ge [sflag:s21], $0x4000  }
0xe5: {  	[sflag:s21] =	ssyncset.done $0x0  }
0xe6: {  	s25 =	simm.s32 $0x2780;
	s22 =	simm.s32 $0x6800;
	[sflag:s21] =	ssyncadd.s32 $0xFFFFC000  }
0xe7: {  	[spmem:s28] =	stream.indirect.scatter.add.f32 [tilespmem:s22], [sflag:$0x2], $0x80, s25, s18, $0xb8;
	[tilespmem:$0x1F800] =	vst v63  }
0xe8: {  	_ =	swait.ge [sflag:s29], $0x4000  }
0xe9: {  	[sflag:s29] =	ssyncset.done $0x0  }
0xea: {  	s25 =	stileid.u32;
	[sflag:s29] =	ssyncadd.s32 $0xFFFFC000  }
0xeb: {  	s30 =	smov.u32 s1;
	s19 =	sshll.u32 s25, $0x6;
	[bflag:$0x0] =	sbarrier.arrive $0xFFFF  }
0xec: {  	s1 =	sshrl.u32 s1, $0x3;
	s22 =	sor.u32 $0x1C02, s19;
	s25 =	rddreg [dreg:$0x8]  }
0xed: {  	[hbm:s25], [sflag:s22] =	dma.local [spmem:s1], $0x200  }
0xee: {  	_ =	swait.ge [sflag:s29], $0x200  }
0xef: {  	s31 =	smov.u32 s0;
	[sflag:s29] =	ssyncset.done $0x0  }
0xf0: {  	s0 =	sshrl.u32 s0, $0x3;
	s1 =	rddreg [dreg:$0x9];
	[sflag:s29] =	ssyncadd.s32 $0xFFFFFE00  }
0xf1: {  	[hbm:s1], [sflag:s22] =	dma.local [spmem:s0], $0x200  }
0xf2: {  	_ =	swait.ge [sflag:s29], $0x200  }
0xf3: {  	[sflag:s29] =	ssyncset.done $0x0;
	s25 =	rddreg [dreg:$0x1c]  }
0xf4: {  	s1 =	rddreg [dreg:$0xa];
	[sflag:s29] =	ssyncadd.s32 $0xFFFFFE00;
	s0 =	sshrl.u32 s25, $0x3  }
0xf5: {  	[hbm:s1], [sflag:s22] =	dma.local [spmem:s0], $0x200  }
0xf6: {  	_ =	swait.ge [sflag:s29], $0x200  }
0xf7: {  	[sflag:s29] =	ssyncset.done $0x0;
	s25 =	rddreg [dreg:$0x1d]  }
0xf8: {  	s1 =	rddreg [dreg:$0xb];
	[sflag:s29] =	ssyncadd.s32 $0xFFFFFE00;
	s0 =	sshrl.u32 s25, $0x3  }
0xf9: {  	[hbm:s1], [sflag:s22] =	dma.local [spmem:s0], $0x200  }
0xfa: {  	_ =	swait.ge [sflag:s29], $0x200  }
0xfb: {  	[sflag:s29] =	ssyncset.done $0x0;
	s25 =	rddreg [dreg:$0x1e]  }
0xfc: {  	s1 =	rddreg [dreg:$0xc];
	[sflag:s29] =	ssyncadd.s32 $0xFFFFFE00;
	s0 =	sshrl.u32 s25, $0x3  }
0xfd: {  	[hbm:s1], [sflag:s22] =	dma.local [spmem:s0], $0x200  }
0xfe: {  	_ =	swait.ge [sflag:s29], $0x200  }
0xff: {  	[sflag:s29] =	ssyncset.done $0x0  }
0x100: {  	s0 =	sshrl.u32 s2, $0x3;
	s1 =	rddreg [dreg:$0xd];
	[sflag:s29] =	ssyncadd.s32 $0xFFFFFE00  }
0x101: {  	[hbm:s1], [sflag:s22] =	dma.local [spmem:s0], $0x200  }
0x102: {  	_ =	swait.ge [sflag:s29], $0x200  }
0x103: {  	[sflag:s29] =	ssyncset.done $0x0  }
0x104: {  	s0 =	sshrl.u32 s3, $0x3;
	s1 =	rddreg [dreg:$0xe];
	[sflag:s29] =	ssyncadd.s32 $0xFFFFFE00  }
0x105: {  	[hbm:s1], [sflag:s22] =	dma.local [spmem:s0], $0x200  }
0x106: {  	_ =	swait.ge [sflag:s29], $0x200  }
0x107: {  	[sflag:s29] =	ssyncset.done $0x0  }
0x108: {  	s0 =	sshrl.u32 s4, $0x3;
	s1 =	rddreg [dreg:$0xf];
	[sflag:s29] =	ssyncadd.s32 $0xFFFFFE00  }
0x109: {  	[hbm:s1], [sflag:s22] =	dma.local [spmem:s0], $0x200  }
0x10a: {  	_ =	swait.ge [sflag:s29], $0x200  }
0x10b: {  	[sflag:s29] =	ssyncset.done $0x0  }
0x10c: {  	s0 =	sshrl.u32 s5, $0x3;
	s1 =	rddreg [dreg:$0x10];
	[sflag:s29] =	ssyncadd.s32 $0xFFFFFE00  }
0x10d: {  	[hbm:s1], [sflag:s22] =	dma.local [spmem:s0], $0x200  }
0x10e: {  	_ =	swait.ge [sflag:s29], $0x200  }
0x10f: {  	[sflag:s29] =	ssyncset.done $0x0  }
0x110: {  	s0 =	sshrl.u32 s6, $0x3;
	s1 =	rddreg [dreg:$0x11];
	[sflag:s29] =	ssyncadd.s32 $0xFFFFFE00  }
0x111: {  	[hbm:s1], [sflag:s22] =	dma.local [spmem:s0], $0x200  }
0x112: {  	_ =	swait.ge [sflag:s29], $0x200  }
0x113: {  	[sflag:s29] =	ssyncset.done $0x0  }
0x114: {  	s0 =	sshrl.u32 s7, $0x3;
	s1 =	rddreg [dreg:$0x12];
	[sflag:s29] =	ssyncadd.s32 $0xFFFFFE00  }
0x115: {  	[hbm:s1], [sflag:s22] =	dma.local [spmem:s0], $0x200  }
0x116: {  	_ =	swait.ge [sflag:s29], $0x200  }
0x117: {  	[sflag:s29] =	ssyncset.done $0x0  }
0x118: {  	s0 =	sshrl.u32 s8, $0x3;
	s1 =	rddreg [dreg:$0x13];
	[sflag:s29] =	ssyncadd.s32 $0xFFFFFE00  }
0x119: {  	[hbm:s1], [sflag:s22] =	dma.local [spmem:s0], $0x200  }
0x11a: {  	_ =	swait.ge [sflag:s29], $0x200  }
0x11b: {  	[sflag:s29] =	ssyncset.done $0x0  }
0x11c: {  	s0 =	sshrl.u32 s9, $0x3;
	s1 =	rddreg [dreg:$0x14];
	[sflag:s29] =	ssyncadd.s32 $0xFFFFFE00  }
0x11d: {  	[hbm:s1], [sflag:s22] =	dma.local [spmem:s0], $0x200  }
0x11e: {  	_ =	swait.ge [sflag:s29], $0x200  }
0x11f: {  	[sflag:s29] =	ssyncset.done $0x0  }
0x120: {  	s0 =	sshrl.u32 s10, $0x3;
	s1 =	rddreg [dreg:$0x15];
	[sflag:s29] =	ssyncadd.s32 $0xFFFFFE00  }
0x121: {  	[hbm:s1], [sflag:s22] =	dma.local [spmem:s0], $0x200  }
0x122: {  	_ =	swait.ge [sflag:s29], $0x200  }
0x123: {  	[sflag:s29] =	ssyncset.done $0x0  }
0x124: {  	s0 =	sshrl.u32 s11, $0x3;
	s1 =	rddreg [dreg:$0x16];
	[sflag:s29] =	ssyncadd.s32 $0xFFFFFE00  }
0x125: {  	[hbm:s1], [sflag:s22] =	dma.local [spmem:s0], $0x200  }
0x126: {  	_ =	swait.ge [sflag:s29], $0x200  }
0x127: {  	[sflag:s29] =	ssyncset.done $0x0  }
0x128: {  	s0 =	sshrl.u32 s12, $0x3;
	s1 =	rddreg [dreg:$0x17];
	[sflag:s29] =	ssyncadd.s32 $0xFFFFFE00  }
0x129: {  	[hbm:s1], [sflag:s22] =	dma.local [spmem:s0], $0x200  }
0x12a: {  	_ =	swait.ge [sflag:s29], $0x200  }
0x12b: {  	[sflag:s29] =	ssyncset.done $0x0  }
0x12c: {  	s0 =	sshrl.u32 s13, $0x3;
	s1 =	rddreg [dreg:$0x18];
	[sflag:s29] =	ssyncadd.s32 $0xFFFFFE00  }
0x12d: {  	[hbm:s1], [sflag:s22] =	dma.local [spmem:s0], $0x200  }
0x12e: {  	_ =	swait.ge [sflag:s29], $0x200  }
0x12f: {  	[sflag:s29] =	ssyncset.done $0x0  }
0x130: {  	s0 =	sshrl.u32 s15, $0x3;
	s1 =	rddreg [dreg:$0x19];
	[sflag:s29] =	ssyncadd.s32 $0xFFFFFE00  }
0x131: {  	[hbm:s1], [sflag:s22] =	dma.local [spmem:s0], $0x200  }
0x132: {  	_ =	swait.ge [sflag:s29], $0x200  }
0x133: {  	[sflag:s29] =	ssyncset.done $0x0  }
0x134: {  	s0 =	sshrl.u32 s16, $0x3;
	s1 =	rddreg [dreg:$0x1a];
	[sflag:s29] =	ssyncadd.s32 $0xFFFFFE00  }
0x135: {  	[hbm:s1], [sflag:s22] =	dma.local [spmem:s0], $0x200  }
0x136: {  	_ =	swait.ge [sflag:s29], $0x200  }
0x137: {  	[sflag:s29] =	ssyncset.done $0x0  }
0x138: {  	s0 =	sshrl.u32 s17, $0x3;
	s1 =	rddreg [dreg:$0x1b];
	[sflag:s29] =	ssyncadd.s32 $0xFFFFFE00  }
0x139: {  	[hbm:s1], [sflag:s22] =	dma.local [spmem:s0], $0x200  }
0x13a: {  	_ =	swait.ge [sflag:s29], $0x200  }
0x13b: {  	s25 =	sld [smem:$0x7FB];
	_ =	sdelay $0x1  }
0x13c: {  	s20 =	sadd.s32 $0x1, s20  }
0x13d: {  	p0 =	sne.s32 s20, s25  }
.Ltmp4:
0x13e: {  	_ = 	snop;
	(pc) =	sbr.rel @p0 .LBB2_1-.Ltmp4, $3  }
0x13f: {  	_ =	sdelay $0x1  }
0x140: {  	[sflag:s29] =	ssyncset.done $0x0  }
0x141: {  	[sflag:s29] =	ssyncadd.s32 $0xFFFFFE00  }
0x142: {  	_ =	sfence.sel $0x180000  }
0x143: {  	[bflag:$0x0] =	sbarrier.arrive $0xFFFF  }
0x144: {  	_ =	strace $0x9000004A  }
0x145: {  	s0 =	stileid.u32;
	[bflag:$0x2] =	sbarrier.arrive $0xFFFF  }
0x146: {  	p0 =	sne.s32 s0, $0x0;
	s0 =	rddreg [dreg:$0x3]  }
0x147: {  	s0 =	sadd.s32 @!p0 $0x100000, s0  }
0x148: {  	[sflag:s0] =	ssyncadd.tile.s32 @!p0 $0x1;
	_ =	shalt  }
.Lfunc_end2:
_tile_overlayer_lowered:
.L_overlay_start_2:
0x149: {  	(tag) =	ssettag $0x2  }
0x14a: {  	s0 =	rddreg [dreg:$0x0];
	s2 =	stileid.u32  }
0x14b: {  	s1 =	rddreg [dreg:$0x1];
	p0 =	sne.s32 s2, $0x0  }
0x14c: {  	s3 =	rddreg [dreg:$0x2];
	[bflag:$0x3] =	sbarrier.arrive $0xFFFF;
	s2 =	simm.s32 @!p0 $0x1C02  }
0x14d: {  	[timem:s3], [sflag:s2] =	dma.local @!p0 [hbm:s0], s1  }
0x14e: {  	s0 =	simm.s32 @!p0 $0x2  }
0x14f: {  	_ =	swait.ge @!p0 [sflag:s0], s1  }
0x150: {  	s1 =	ssub.s32 @!p0 $0x0, s1;
	[sflag:s0] =	ssyncset.done @!p0 $0x0  }
0x151: {  	[sflag:s0] =	ssyncadd.s32 @!p0 s1  }
0x152: {  	[bflag:$0x3] =	sbarrier.arrive $0xFFFF  }
0x153: {  	_ =	shalt  }

</sc_bundles>
